<compile_context>
chip_gen: v7x
topology: tpu7x:2x2x1
jax: 0.10.2.dev20260603
libtpu: 0.0.44.dev20260713+nightly
codegen_flags: <defaults>
</compile_context>

<pallas_src>
import functools

import jax
import jax.numpy as jnp
from jax import lax
from jax.experimental import pallas as pl
from jax.experimental.pallas import tpu as pltpu
from jax.experimental.pallas import tpu_sc as plsc

_NC = 2
_NS = 16
_NW = _NC * _NS
_L = 16
_GRP = 4
_PAD = 2 * _GRP
_UNROLL = 4


_ORD = 104
_CTL = _ORD + 2 * _L


def _make_sc_kernel(n_planes, h, w):
    mesh = plsc.VectorSubcoreMesh(core_axis_name="c", subcore_axis_name="s")
    rows = h // _NW
    chunk = rows * w

    @functools.partial(
        pl.kernel,
        mesh=mesh,
        out_type=jax.ShapeDtypeStruct((h, w), jnp.float32),
        scratch_types=[
            pltpu.VMEM((2, _GRP, rows, w), jnp.float32),
            pltpu.VMEM((rows, w), jnp.float32),
            pltpu.VMEM((_CTL,), jnp.int32),
            pltpu.SemaphoreType.DMA,
            pltpu.SemaphoreType.DMA,
            pltpu.SemaphoreType.DMA,
        ],
        compiler_params=pltpu.CompilerParams(
            use_tc_tiling_on_sc=True, needs_layout_passes=False
        ),
    )
    def sc_kernel(
        masks_hbm, ctl_hbm, out_hbm,
        stage_v, acc_v, ctl_v, sem0, sem1, wsem,
    ):
        wid = lax.axis_index("s") * _NC + lax.axis_index("c")
        r0 = wid * rows
        gsems = (sem0, sem1)
        lanes = lax.iota(jnp.int32, _L)

        pltpu.async_copy(ctl_hbm, ctl_v, wsem).wait()
        npairs = jnp.max(ctl_v[pl.ds(_ORD, _L)])
        k = jnp.max(ctl_v[pl.ds(_ORD + _L, _L)])
        ng = npairs * 2

        def plane_idx(i):
            base = (i // _L) * _L
            vec = ctl_v[pl.ds(base, _L)]
            lane = jnp.broadcast_to(i - base, (_L,))
            sel = jnp.where(lanes == lane, vec, jnp.broadcast_to(jnp.int32(-1), (_L,)))
            return jnp.max(sel)

        def issue_group(g, gb):
            for p in range(_GRP):
                idx = plane_idx(g * _GRP + p)
                pltpu.async_copy(
                    masks_hbm.at[idx, pl.ds(r0, rows), :],
                    stage_v.at[gb, p],
                    gsems[gb],
                )

        def drain_group(gb):
            for p in range(_GRP):
                pltpu.make_async_copy(
                    masks_hbm.at[0, pl.ds(r0, rows), :], stage_v.at[gb, p], gsems[gb]
                ).wait()

        issue_group(0, 0)
        issue_group(1, 1)

        @plsc.parallel_loop(0, chunk // _L, unroll=2)
        def _(j):
            r = j // (w // _L)
            c = (j % (w // _L)) * _L
            acc_v[r, pl.ds(c, _L)] = jnp.zeros((_L,), jnp.float32)

        def do_group(g, gb):
            drain_group(gb)
            ws = [
                jnp.broadcast_to(
                    jnp.where(g * _GRP + p < k, jnp.float32(1.0), jnp.float32(0.0)),
                    (_L,),
                )
                for p in range(_GRP)
            ]
            w0, w1, w2, w3 = ws

            @plsc.parallel_loop(0, chunk // _L, unroll=_UNROLL)
            def _(j):
                r = j // (w // _L)
                c = (j % (w // _L)) * _L
                sl = pl.ds(c, _L)
                acc_v[r, sl] = (
                    acc_v[r, sl]
                    + (w0 * stage_v[gb, 0, r, sl] + w1 * stage_v[gb, 1, r, sl])
                    + (w2 * stage_v[gb, 2, r, sl] + w3 * stage_v[gb, 3, r, sl])
                )

            @pl.when(g + 2 < ng)
            def _():
                issue_group(g + 2, gb)

        def pair_body(p, _):
            do_group(p * 2, 0)
            do_group(p * 2 + 1, 1)
            return 0

        lax.fori_loop(0, npairs, pair_body, 0)

        pltpu.sync_copy(acc_v, out_hbm.at[pl.ds(r0, rows), :])

    return sc_kernel


_TC_GRID = 48


def _make_tc_kernel(n, h, w):
    def body(idx_ref, ktc_ref, m_ref, o_ref):
        i = pl.program_id(0)

        @pl.when(i == 0)
        def _():
            o_ref[...] = jnp.zeros_like(o_ref)

        wt = (i < ktc_ref[0]).astype(o_ref.dtype)
        o_ref[...] += wt * m_ref[0]

    grid_spec = pltpu.PrefetchScalarGridSpec(
        num_scalar_prefetch=2,
        grid=(_TC_GRID,),
        in_specs=[
            pl.BlockSpec((1, h, w), lambda i, idx_ref, ktc_ref: (idx_ref[i], 0, 0)),
        ],
        out_specs=pl.BlockSpec((h, w), lambda i, idx_ref, ktc_ref: (0, 0)),
    )
    return pl.pallas_call(
        body,
        grid_spec=grid_spec,
        out_shape=jax.ShapeDtypeStruct((h, w), jnp.float32),
    )


def kernel(inpt, masks, labels):
    n, h, w = masks.shape

    lab = labels.astype(jnp.int32)
    iota = jnp.arange(n, dtype=jnp.int32)
    later_dup = (lab[None, :] == lab[:, None]) & (iota[None, :] > iota[:, None])
    keep = ~later_dup.any(axis=1)
    k = jnp.sum(keep.astype(jnp.int32))

    ksc = jnp.maximum(((k * 56 // 100) + _PAD - 1) // _PAD * _PAD, _PAD)
    ksc = jnp.maximum(ksc, (k - _TC_GRID + _PAD - 1) // _PAD * _PAD)
    ktc = jnp.maximum(k - ksc, 0)
    npairs = ksc // _PAD

    pos = jnp.cumsum(keep.astype(jnp.int32)) - 1
    slot = jnp.where(keep, pos, _ORD - 1)
    order_pad = jnp.zeros((_ORD,), jnp.int32).at[slot].set(iota)

    ctl = jnp.concatenate(
        [order_pad, jnp.full((_L,), npairs, jnp.int32), jnp.full((_L,), k, jnp.int32)]
    )

    j = jnp.arange(_TC_GRID, dtype=jnp.int32)
    tc_idx = order_pad[ksc + jnp.clip(j, 0, jnp.maximum(ktc - 1, 0))]
    ktc_arr = jnp.full((1,), ktc, jnp.int32)

    sc_kernel = _make_sc_kernel(n, h, w)
    tc_kernel = _make_tc_kernel(n, h, w)
    tc_part = tc_kernel(tc_idx, ktc_arr, masks)
    sc_part = sc_kernel(masks, ctl)
    return (inpt, sc_part + tc_part)

# --- scband reference (transcript-rebuilt; emitter-appended) ---
"""Pipeline reference for scband-standardize-target-979252543825 (READ-ONLY COPY).

The authoritative reference and input builder live on the scoring server;
editing this copy changes nothing except your own understanding.
"""

import jax, jax.numpy as jnp
import numpy as np

CLASSES = 150
N_INST = 100
H = 512
W = 512

def setup_inputs(seed: int = 0) -> dict:
    key = jax.random.key(seed)
    k1, k2, k3 = jax.random.split(key, 3)
    inpt = jax.random.normal(k1, (3, H, W), dtype=jnp.float32)
    # binary instance masks (float so gradients flow in bwd variant)
    masks = (jax.random.uniform(k2, (N_INST, H, W)) > 0.5).astype(jnp.float32)
    # labels in [1, CLASSES] so (label - 1) indexes [0, CLASSES)
    labels = jax.random.randint(k3, (N_INST,), 1, CLASSES + 1, dtype=jnp.int64 if jax.config.jax_enable_x64 else jnp.int32)
    return {"inpt": inpt, "masks": masks, "labels": labels}

def reference(inpt, masks, labels):
    # Faithful translation of StandardizeTarget.forward:
    #   masks_out = zeros(classes, h, w)
    #   for mask, label in zip(masks, labels): masks_out[label - 1] = mask
    # The per-instance overwrite loop is a scatter-set indexed by (label - 1).
    h, w = masks.shape[1], masks.shape[2]
    out = jnp.zeros((CLASSES, h, w), dtype=masks.dtype)
    out = out.at[labels - 1].set(masks)
    # out_one_hot == False -> collapse one-hot class stack by summing over class dim
    std_mask = out.sum(axis=0)
    return (inpt, std_mask)

if __name__ == "__main__":
    import jax
    _d = setup_inputs()
    print(jax.jit(kernel)(*tuple(_d.values())))

</pallas_src>

<mosaic_0001>
#map = affine_map<(d0, d1) -> (0, 0, 0)>
#map1 = affine_map<(d0, d1) -> (0)>
#map2 = affine_map<(d0, d1) -> (0, 0)>
module attributes {stable_mosaic.version = 14 : i64} {
  func.func @sc_kernel(%arg0: i32, %arg1: i32, %arg2: memref<100x512x512xf32, #tpu.memory_space<hbm>>, %arg3: memref<136xi32, #tpu.memory_space<hbm>>, %arg4: memref<512x512xf32, #tpu.memory_space<hbm>>, %arg5: memref<2x4x16x512xf32, #tpu.memory_space<vmem>>, %arg6: memref<16x512xf32, #tpu.memory_space<vmem>>, %arg7: memref<136xi32, #tpu.memory_space<vmem>>, %arg8: memref<!tpu.dma_semaphore, #tpu.memory_space<semaphore_mem>>, %arg9: memref<!tpu.dma_semaphore, #tpu.memory_space<semaphore_mem>>, %arg10: memref<!tpu.dma_semaphore, #tpu.memory_space<semaphore_mem>>) attributes {dimension_semantics = [#tpu.dimension_semantics<core_parallel>, #tpu.dimension_semantics<subcore_parallel>], iteration_bounds = array<i64: 2, 16>, scalar_prefetch = 0 : i64, scratch_operands = 6 : i64, tpu.core_type = #tpu.core_type<sc_vector_subcore>, window_params = [{transform_indices = #map}, {transform_indices = #map1}, {transform_indices = #map2}]} {
    %mul3A = arith.constant 2 : i32
    %mul3A_0 = arith.muli %arg1, %mul3A : i32
    %add3A = arith.addi %mul3A_0, %arg0 : i32
    %mul3A_1 = arith.constant 16 : i32
    %mul3A_2 = arith.muli %add3A, %mul3A_1 : i32
    %iota3A = tpu.iota {dimensions = array<i32: 0>} : vector<16xi32>
    tpu.enqueue_dma source(%arg3 : memref<136xi32, #tpu.memory_space<hbm>>) target(%arg7 : memref<136xi32, #tpu.memory_space<vmem>>) target_semaphore(%arg10 : memref<!tpu.dma_semaphore, #tpu.memory_space<semaphore_mem>>)
    tpu.wait_dma2 semaphore(%arg10 : memref<!tpu.dma_semaphore, #tpu.memory_space<semaphore_mem>>) src(%arg3 : memref<136xi32, #tpu.memory_space<hbm>>) dst(%arg7 : memref<136xi32, #tpu.memory_space<vmem>>)
    %get3A = arith.constant 104 : index
    %get3A_3 = tpu.vector_load %arg7[%get3A] {strides = array<i32>} : memref<136xi32, #tpu.memory_space<vmem>>, vector<16xi32>,
    %reduce_max3A = arith.constant true
    %reduce_max3A_4 = vector.broadcast %reduce_max3A : i1 to vector<16xi1>
    %reduce_max3A_5 = arith.constant -2147483648 : i32
    %reduce_max3A_6 = vector.broadcast %reduce_max3A_5 : i32 to vector<16xi32>
    %reduce_max3A_7 = arith.xori %get3A_3, %reduce_max3A_6 : vector<16xi32>
    %reduce_max3A_8 = tpu.scan <max>, %reduce_max3A_7 masked %reduce_max3A_4 : vector<16xi32>, vector<16xi1> -> vector<16xi32>
    %reduce_max3A_9 = arith.xori %reduce_max3A_8, %reduce_max3A_6 : vector<16xi32>
    %reduce_max3A_10 = vector.extract %reduce_max3A_9[15] : i32 from vector<16xi32>
    %get3A_11 = arith.constant 120 : index
    %get3A_12 = tpu.vector_load %arg7[%get3A_11] {strides = array<i32>} : memref<136xi32, #tpu.memory_space<vmem>>, vector<16xi32>,
    %reduce_max3A_13 = arith.constant true
    %reduce_max3A_14 = vector.broadcast %reduce_max3A_13 : i1 to vector<16xi1>
    %reduce_max3A_15 = arith.constant -2147483648 : i32
    %reduce_max3A_16 = vector.broadcast %reduce_max3A_15 : i32 to vector<16xi32>
    %reduce_max3A_17 = arith.xori %get3A_12, %reduce_max3A_16 : vector<16xi32>
    %reduce_max3A_18 = tpu.scan <max>, %reduce_max3A_17 masked %reduce_max3A_14 : vector<16xi32>, vector<16xi1> -> vector<16xi32>
    %reduce_max3A_19 = arith.xori %reduce_max3A_18, %reduce_max3A_16 : vector<16xi32>
    %reduce_max3A_20 = vector.extract %reduce_max3A_19[15] : i32 from vector<16xi32>
    %mul3A_21 = arith.constant 2 : i32
    %mul3A_22 = arith.muli %reduce_max3A_10, %mul3A_21 : i32
    %get3A_23 = arith.constant 0 : index
    %get3A_24 = tpu.vector_load %arg7[%get3A_23] {strides = array<i32>} : memref<136xi32, #tpu.memory_space<vmem>>, vector<16xi32>,
    %broadcast_in_dim3A = arith.constant 0 : i32
    %broadcast_in_dim3A_25 = vector.broadcast %broadcast_in_dim3A : i32 to vector<16xi32>
    %eq3A = arith.cmpi eq, %iota3A, %broadcast_in_dim3A_25 : vector<16xi32>
    %broadcast_in_dim3A_26 = arith.constant -1 : i32
    %broadcast_in_dim3A_27 = vector.broadcast %broadcast_in_dim3A_26 : i32 to vector<16xi32>
    %select_n3A = arith.select %eq3A, %get3A_24, %broadcast_in_dim3A_27 : vector<16xi1>, vector<16xi32>
    %reduce_max3A_28 = arith.constant true
    %reduce_max3A_29 = vector.broadcast %reduce_max3A_28 : i1 to vector<16xi1>
    %reduce_max3A_30 = arith.constant -2147483648 : i32
    %reduce_max3A_31 = vector.broadcast %reduce_max3A_30 : i32 to vector<16xi32>
    %reduce_max3A_32 = arith.xori %select_n3A, %reduce_max3A_31 : vector<16xi32>
    %reduce_max3A_33 = tpu.scan <max>, %reduce_max3A_32 masked %reduce_max3A_29 : vector<16xi32>, vector<16xi1> -> vector<16xi32>
    %reduce_max3A_34 = arith.xori %reduce_max3A_33, %reduce_max3A_31 : vector<16xi32>
    %reduce_max3A_35 = vector.extract %reduce_max3A_34[15] : i32 from vector<16xi32>
    %dma_start3A = arith.constant 0 : i32
    %dma_start3A_36 = arith.constant 0 : i32
    %dma_start3A_37 = arith.constant 0 : i32
    %dma_start3A_38 = arith.constant 0 : i32
    %dma_start3A_39 = tpu.memref_slice %arg5[%dma_start3A, %dma_start3A_36, %dma_start3A_37, %dma_start3A_38] : memref<2x4x16x512xf32, #tpu.memory_space<vmem>> -> memref<1x1x16x512xf32, #tpu.memory_space<vmem>>
    %dma_start3A_40 = tpu.memref_squeeze %dma_start3A_39 : memref<1x1x16x512xf32, #tpu.memory_space<vmem>> -> memref<16x512xf32, #tpu.memory_space<vmem>>
    %dma_start3A_41 = arith.constant 0 : i32
    %dma_start3A_42 = tpu.memref_slice %arg2[%reduce_max3A_35, %mul3A_2, %dma_start3A_41] : memref<100x512x512xf32, #tpu.memory_space<hbm>> -> memref<1x16x512xf32, #tpu.memory_space<hbm>>
    %dma_start3A_43 = tpu.memref_squeeze %dma_start3A_42 : memref<1x16x512xf32, #tpu.memory_space<hbm>> -> memref<16x512xf32, #tpu.memory_space<hbm>>
    %dma_start3A_44 = arith.constant 0 : i32
    %dma_start3A_45 = arith.constant 0 : i32
    %dma_start3A_46 = tpu.memref_slice %arg5[%dma_start3A, %dma_start3A_36, %dma_start3A_44, %dma_start3A_45] : memref<2x4x16x512xf32, #tpu.memory_space<vmem>> -> memref<1x1x16x512xf32, #tpu.memory_space<vmem>>
    %dma_start3A_47 = tpu.memref_squeeze %dma_start3A_46 : memref<1x1x16x512xf32, #tpu.memory_space<vmem>> -> memref<16x512xf32, #tpu.memory_space<vmem>>
    %dma_start3A_48 = arith.constant 0 : i32
    %dma_start3A_49 = tpu.memref_slice %arg2[%reduce_max3A_35, %mul3A_2, %dma_start3A_48] : memref<100x512x512xf32, #tpu.memory_space<hbm>> -> memref<1x16x512xf32, #tpu.memory_space<hbm>>
    %dma_start3A_50 = tpu.memref_squeeze %dma_start3A_49 : memref<1x16x512xf32, #tpu.memory_space<hbm>> -> memref<16x512xf32, #tpu.memory_space<hbm>>
    tpu.enqueue_dma source(%dma_start3A_50 : memref<16x512xf32, #tpu.memory_space<hbm>>) target(%dma_start3A_47 : memref<16x512xf32, #tpu.memory_space<vmem>>) target_semaphore(%arg8 : memref<!tpu.dma_semaphore, #tpu.memory_space<semaphore_mem>>)
    %get3A_51 = arith.constant 0 : index
    %get3A_52 = tpu.vector_load %arg7[%get3A_51] {strides = array<i32>} : memref<136xi32, #tpu.memory_space<vmem>>, vector<16xi32>,
    %broadcast_in_dim3A_53 = arith.constant 1 : i32
    %broadcast_in_dim3A_54 = vector.broadcast %broadcast_in_dim3A_53 : i32 to vector<16xi32>
    %eq3A_55 = arith.cmpi eq, %iota3A, %broadcast_in_dim3A_54 : vector<16xi32>
    %broadcast_in_dim3A_56 = arith.constant -1 : i32
    %broadcast_in_dim3A_57 = vector.broadcast %broadcast_in_dim3A_56 : i32 to vector<16xi32>
    %select_n3A_58 = arith.select %eq3A_55, %get3A_52, %broadcast_in_dim3A_57 : vector<16xi1>, vector<16xi32>
    %reduce_max3A_59 = arith.constant true
    %reduce_max3A_60 = vector.broadcast %reduce_max3A_59 : i1 to vector<16xi1>
    %reduce_max3A_61 = arith.constant -2147483648 : i32
    %reduce_max3A_62 = vector.broadcast %reduce_max3A_61 : i32 to vector<16xi32>
    %reduce_max3A_63 = arith.xori %select_n3A_58, %reduce_max3A_62 : vector<16xi32>
    %reduce_max3A_64 = tpu.scan <max>, %reduce_max3A_63 masked %reduce_max3A_60 : vector<16xi32>, vector<16xi1> -> vector<16xi32>
    %reduce_max3A_65 = arith.xori %reduce_max3A_64, %reduce_max3A_62 : vector<16xi32>
    %reduce_max3A_66 = vector.extract %reduce_max3A_65[15] : i32 from vector<16xi32>
    %dma_start3A_67 = arith.constant 0 : i32
    %dma_start3A_68 = arith.constant 1 : i32
    %dma_start3A_69 = arith.constant 0 : i32
    %dma_start3A_70 = arith.constant 0 : i32
    %dma_start3A_71 = tpu.memref_slice %arg5[%dma_start3A_67, %dma_start3A_68, %dma_start3A_69, %dma_start3A_70] : memref<2x4x16x512xf32, #tpu.memory_space<vmem>> -> memref<1x1x16x512xf32, #tpu.memory_space<vmem>>
    %dma_start3A_72 = tpu.memref_squeeze %dma_start3A_71 : memref<1x1x16x512xf32, #tpu.memory_space<vmem>> -> memref<16x512xf32, #tpu.memory_space<vmem>>
    %dma_start3A_73 = arith.constant 0 : i32
    %dma_start3A_74 = tpu.memref_slice %arg2[%reduce_max3A_66, %mul3A_2, %dma_start3A_73] : memref<100x512x512xf32, #tpu.memory_space<hbm>> -> memref<1x16x512xf32, #tpu.memory_space<hbm>>
    %dma_start3A_75 = tpu.memref_squeeze %dma_start3A_74 : memref<1x16x512xf32, #tpu.memory_space<hbm>> -> memref<16x512xf32, #tpu.memory_space<hbm>>
    %dma_start3A_76 = arith.constant 0 : i32
    %dma_start3A_77 = arith.constant 0 : i32
    %dma_start3A_78 = tpu.memref_slice %arg5[%dma_start3A_67, %dma_start3A_68, %dma_start3A_76, %dma_start3A_77] : memref<2x4x16x512xf32, #tpu.memory_space<vmem>> -> memref<1x1x16x512xf32, #tpu.memory_space<vmem>>
    %dma_start3A_79 = tpu.memref_squeeze %dma_start3A_78 : memref<1x1x16x512xf32, #tpu.memory_space<vmem>> -> memref<16x512xf32, #tpu.memory_space<vmem>>
    %dma_start3A_80 = arith.constant 0 : i32
    %dma_start3A_81 = tpu.memref_slice %arg2[%reduce_max3A_66, %mul3A_2, %dma_start3A_80] : memref<100x512x512xf32, #tpu.memory_space<hbm>> -> memref<1x16x512xf32, #tpu.memory_space<hbm>>
    %dma_start3A_82 = tpu.memref_squeeze %dma_start3A_81 : memref<1x16x512xf32, #tpu.memory_space<hbm>> -> memref<16x512xf32, #tpu.memory_space<hbm>>
    tpu.enqueue_dma source(%dma_start3A_82 : memref<16x512xf32, #tpu.memory_space<hbm>>) target(%dma_start3A_79 : memref<16x512xf32, #tpu.memory_space<vmem>>) target_semaphore(%arg8 : memref<!tpu.dma_semaphore, #tpu.memory_space<semaphore_mem>>)
    %get3A_83 = arith.constant 0 : index
    %get3A_84 = tpu.vector_load %arg7[%get3A_83] {strides = array<i32>} : memref<136xi32, #tpu.memory_space<vmem>>, vector<16xi32>,
    %broadcast_in_dim3A_85 = arith.constant 2 : i32
    %broadcast_in_dim3A_86 = vector.broadcast %broadcast_in_dim3A_85 : i32 to vector<16xi32>
    %eq3A_87 = arith.cmpi eq, %iota3A, %broadcast_in_dim3A_86 : vector<16xi32>
    %broadcast_in_dim3A_88 = arith.constant -1 : i32
    %broadcast_in_dim3A_89 = vector.broadcast %broadcast_in_dim3A_88 : i32 to vector<16xi32>
    %select_n3A_90 = arith.select %eq3A_87, %get3A_84, %broadcast_in_dim3A_89 : vector<16xi1>, vector<16xi32>
    %reduce_max3A_91 = arith.constant true
    %reduce_max3A_92 = vector.broadcast %reduce_max3A_91 : i1 to vector<16xi1>
    %reduce_max3A_93 = arith.constant -2147483648 : i32
    %reduce_max3A_94 = vector.broadcast %reduce_max3A_93 : i32 to vector<16xi32>
    %reduce_max3A_95 = arith.xori %select_n3A_90, %reduce_max3A_94 : vector<16xi32>
    %reduce_max3A_96 = tpu.scan <max>, %reduce_max3A_95 masked %reduce_max3A_92 : vector<16xi32>, vector<16xi1> -> vector<16xi32>
    %reduce_max3A_97 = arith.xori %reduce_max3A_96, %reduce_max3A_94 : vector<16xi32>
    %reduce_max3A_98 = vector.extract %reduce_max3A_97[15] : i32 from vector<16xi32>
    %dma_start3A_99 = arith.constant 0 : i32
    %dma_start3A_100 = arith.constant 2 : i32
    %dma_start3A_101 = arith.constant 0 : i32
    %dma_start3A_102 = arith.constant 0 : i32
    %dma_start3A_103 = tpu.memref_slice %arg5[%dma_start3A_99, %dma_start3A_100, %dma_start3A_101, %dma_start3A_102] : memref<2x4x16x512xf32, #tpu.memory_space<vmem>> -> memref<1x1x16x512xf32, #tpu.memory_space<vmem>>
    %dma_start3A_104 = tpu.memref_squeeze %dma_start3A_103 : memref<1x1x16x512xf32, #tpu.memory_space<vmem>> -> memref<16x512xf32, #tpu.memory_space<vmem>>
    %dma_start3A_105 = arith.constant 0 : i32
    %dma_start3A_106 = tpu.memref_slice %arg2[%reduce_max3A_98, %mul3A_2, %dma_start3A_105] : memref<100x512x512xf32, #tpu.memory_space<hbm>> -> memref<1x16x512xf32, #tpu.memory_space<hbm>>
    %dma_start3A_107 = tpu.memref_squeeze %dma_start3A_106 : memref<1x16x512xf32, #tpu.memory_space<hbm>> -> memref<16x512xf32, #tpu.memory_space<hbm>>
    %dma_start3A_108 = arith.constant 0 : i32
    %dma_start3A_109 = arith.constant 0 : i32
    %dma_start3A_110 = tpu.memref_slice %arg5[%dma_start3A_99, %dma_start3A_100, %dma_start3A_108, %dma_start3A_109] : memref<2x4x16x512xf32, #tpu.memory_space<vmem>> -> memref<1x1x16x512xf32, #tpu.memory_space<vmem>>
    %dma_start3A_111 = tpu.memref_squeeze %dma_start3A_110 : memref<1x1x16x512xf32, #tpu.memory_space<vmem>> -> memref<16x512xf32, #tpu.memory_space<vmem>>
    %dma_start3A_112 = arith.constant 0 : i32
    %dma_start3A_113 = tpu.memref_slice %arg2[%reduce_max3A_98, %mul3A_2, %dma_start3A_112] : memref<100x512x512xf32, #tpu.memory_space<hbm>> -> memref<1x16x512xf32, #tpu.memory_space<hbm>>
    %dma_start3A_114 = tpu.memref_squeeze %dma_start3A_113 : memref<1x16x512xf32, #tpu.memory_space<hbm>> -> memref<16x512xf32, #tpu.memory_space<hbm>>
    tpu.enqueue_dma source(%dma_start3A_114 : memref<16x512xf32, #tpu.memory_space<hbm>>) target(%dma_start3A_111 : memref<16x512xf32, #tpu.memory_space<vmem>>) target_semaphore(%arg8 : memref<!tpu.dma_semaphore, #tpu.memory_space<semaphore_mem>>)
    %get3A_115 = arith.constant 0 : index
    %get3A_116 = tpu.vector_load %arg7[%get3A_115] {strides = array<i32>} : memref<136xi32, #tpu.memory_space<vmem>>, vector<16xi32>,
    %broadcast_in_dim3A_117 = arith.constant 3 : i32
    %broadcast_in_dim3A_118 = vector.broadcast %broadcast_in_dim3A_117 : i32 to vector<16xi32>
    %eq3A_119 = arith.cmpi eq, %iota3A, %broadcast_in_dim3A_118 : vector<16xi32>
    %broadcast_in_dim3A_120 = arith.constant -1 : i32
    %broadcast_in_dim3A_121 = vector.broadcast %broadcast_in_dim3A_120 : i32 to vector<16xi32>
    %select_n3A_122 = arith.select %eq3A_119, %get3A_116, %broadcast_in_dim3A_121 : vector<16xi1>, vector<16xi32>
    %reduce_max3A_123 = arith.constant true
    %reduce_max3A_124 = vector.broadcast %reduce_max3A_123 : i1 to vector<16xi1>
    %reduce_max3A_125 = arith.constant -2147483648 : i32
    %reduce_max3A_126 = vector.broadcast %reduce_max3A_125 : i32 to vector<16xi32>
    %reduce_max3A_127 = arith.xori %select_n3A_122, %reduce_max3A_126 : vector<16xi32>
    %reduce_max3A_128 = tpu.scan <max>, %reduce_max3A_127 masked %reduce_max3A_124 : vector<16xi32>, vector<16xi1> -> vector<16xi32>
    %reduce_max3A_129 = arith.xori %reduce_max3A_128, %reduce_max3A_126 : vector<16xi32>
    %reduce_max3A_130 = vector.extract %reduce_max3A_129[15] : i32 from vector<16xi32>
    %dma_start3A_131 = arith.constant 0 : i32
    %dma_start3A_132 = arith.constant 3 : i32
    %dma_start3A_133 = arith.constant 0 : i32
    %dma_start3A_134 = arith.constant 0 : i32
    %dma_start3A_135 = tpu.memref_slice %arg5[%dma_start3A_131, %dma_start3A_132, %dma_start3A_133, %dma_start3A_134] : memref<2x4x16x512xf32, #tpu.memory_space<vmem>> -> memref<1x1x16x512xf32, #tpu.memory_space<vmem>>
    %dma_start3A_136 = tpu.memref_squeeze %dma_start3A_135 : memref<1x1x16x512xf32, #tpu.memory_space<vmem>> -> memref<16x512xf32, #tpu.memory_space<vmem>>
    %dma_start3A_137 = arith.constant 0 : i32
    %dma_start3A_138 = tpu.memref_slice %arg2[%reduce_max3A_130, %mul3A_2, %dma_start3A_137] : memref<100x512x512xf32, #tpu.memory_space<hbm>> -> memref<1x16x512xf32, #tpu.memory_space<hbm>>
    %dma_start3A_139 = tpu.memref_squeeze %dma_start3A_138 : memref<1x16x512xf32, #tpu.memory_space<hbm>> -> memref<16x512xf32, #tpu.memory_space<hbm>>
    %dma_start3A_140 = arith.constant 0 : i32
    %dma_start3A_141 = arith.constant 0 : i32
    %dma_start3A_142 = tpu.memref_slice %arg5[%dma_start3A_131, %dma_start3A_132, %dma_start3A_140, %dma_start3A_141] : memref<2x4x16x512xf32, #tpu.memory_space<vmem>> -> memref<1x1x16x512xf32, #tpu.memory_space<vmem>>
    %dma_start3A_143 = tpu.memref_squeeze %dma_start3A_142 : memref<1x1x16x512xf32, #tpu.memory_space<vmem>> -> memref<16x512xf32, #tpu.memory_space<vmem>>
    %dma_start3A_144 = arith.constant 0 : i32
    %dma_start3A_145 = tpu.memref_slice %arg2[%reduce_max3A_130, %mul3A_2, %dma_start3A_144] : memref<100x512x512xf32, #tpu.memory_space<hbm>> -> memref<1x16x512xf32, #tpu.memory_space<hbm>>
    %dma_start3A_146 = tpu.memref_squeeze %dma_start3A_145 : memref<1x16x512xf32, #tpu.memory_space<hbm>> -> memref<16x512xf32, #tpu.memory_space<hbm>>
    tpu.enqueue_dma source(%dma_start3A_146 : memref<16x512xf32, #tpu.memory_space<hbm>>) target(%dma_start3A_143 : memref<16x512xf32, #tpu.memory_space<vmem>>) target_semaphore(%arg8 : memref<!tpu.dma_semaphore, #tpu.memory_space<semaphore_mem>>)
    %get3A_147 = arith.constant 0 : index
    %get3A_148 = tpu.vector_load %arg7[%get3A_147] {strides = array<i32>} : memref<136xi32, #tpu.memory_space<vmem>>, vector<16xi32>,
    %broadcast_in_dim3A_149 = arith.constant 4 : i32
    %broadcast_in_dim3A_150 = vector.broadcast %broadcast_in_dim3A_149 : i32 to vector<16xi32>
    %eq3A_151 = arith.cmpi eq, %iota3A, %broadcast_in_dim3A_150 : vector<16xi32>
    %broadcast_in_dim3A_152 = arith.constant -1 : i32
    %broadcast_in_dim3A_153 = vector.broadcast %broadcast_in_dim3A_152 : i32 to vector<16xi32>
    %select_n3A_154 = arith.select %eq3A_151, %get3A_148, %broadcast_in_dim3A_153 : vector<16xi1>, vector<16xi32>
    %reduce_max3A_155 = arith.constant true
    %reduce_max3A_156 = vector.broadcast %reduce_max3A_155 : i1 to vector<16xi1>
    %reduce_max3A_157 = arith.constant -2147483648 : i32
    %reduce_max3A_158 = vector.broadcast %reduce_max3A_157 : i32 to vector<16xi32>
    %reduce_max3A_159 = arith.xori %select_n3A_154, %reduce_max3A_158 : vector<16xi32>
    %reduce_max3A_160 = tpu.scan <max>, %reduce_max3A_159 masked %reduce_max3A_156 : vector<16xi32>, vector<16xi1> -> vector<16xi32>
    %reduce_max3A_161 = arith.xori %reduce_max3A_160, %reduce_max3A_158 : vector<16xi32>
    %reduce_max3A_162 = vector.extract %reduce_max3A_161[15] : i32 from vector<16xi32>
    %dma_start3A_163 = arith.constant 1 : i32
    %dma_start3A_164 = arith.constant 0 : i32
    %dma_start3A_165 = arith.constant 0 : i32
    %dma_start3A_166 = arith.constant 0 : i32
    %dma_start3A_167 = tpu.memref_slice %arg5[%dma_start3A_163, %dma_start3A_164, %dma_start3A_165, %dma_start3A_166] : memref<2x4x16x512xf32, #tpu.memory_space<vmem>> -> memref<1x1x16x512xf32, #tpu.memory_space<vmem>>
    %dma_start3A_168 = tpu.memref_squeeze %dma_start3A_167 : memref<1x1x16x512xf32, #tpu.memory_space<vmem>> -> memref<16x512xf32, #tpu.memory_space<vmem>>
    %dma_start3A_169 = arith.constant 0 : i32
    %dma_start3A_170 = tpu.memref_slice %arg2[%reduce_max3A_162, %mul3A_2, %dma_start3A_169] : memref<100x512x512xf32, #tpu.memory_space<hbm>> -> memref<1x16x512xf32, #tpu.memory_space<hbm>>
    %dma_start3A_171 = tpu.memref_squeeze %dma_start3A_170 : memref<1x16x512xf32, #tpu.memory_space<hbm>> -> memref<16x512xf32, #tpu.memory_space<hbm>>
    %dma_start3A_172 = arith.constant 0 : i32
    %dma_start3A_173 = arith.constant 0 : i32
    %dma_start3A_174 = tpu.memref_slice %arg5[%dma_start3A_163, %dma_start3A_164, %dma_start3A_172, %dma_start3A_173] : memref<2x4x16x512xf32, #tpu.memory_space<vmem>> -> memref<1x1x16x512xf32, #tpu.memory_space<vmem>>
    %dma_start3A_175 = tpu.memref_squeeze %dma_start3A_174 : memref<1x1x16x512xf32, #tpu.memory_space<vmem>> -> memref<16x512xf32, #tpu.memory_space<vmem>>
    %dma_start3A_176 = arith.constant 0 : i32
    %dma_start3A_177 = tpu.memref_slice %arg2[%reduce_max3A_162, %mul3A_2, %dma_start3A_176] : memref<100x512x512xf32, #tpu.memory_space<hbm>> -> memref<1x16x512xf32, #tpu.memory_space<hbm>>
    %dma_start3A_178 = tpu.memref_squeeze %dma_start3A_177 : memref<1x16x512xf32, #tpu.memory_space<hbm>> -> memref<16x512xf32, #tpu.memory_space<hbm>>
    tpu.enqueue_dma source(%dma_start3A_178 : memref<16x512xf32, #tpu.memory_space<hbm>>) target(%dma_start3A_175 : memref<16x512xf32, #tpu.memory_space<vmem>>) target_semaphore(%arg9 : memref<!tpu.dma_semaphore, #tpu.memory_space<semaphore_mem>>)
    %get3A_179 = arith.constant 0 : index
    %get3A_180 = tpu.vector_load %arg7[%get3A_179] {strides = array<i32>} : memref<136xi32, #tpu.memory_space<vmem>>, vector<16xi32>,
    %broadcast_in_dim3A_181 = arith.constant 5 : i32
    %broadcast_in_dim3A_182 = vector.broadcast %broadcast_in_dim3A_181 : i32 to vector<16xi32>
    %eq3A_183 = arith.cmpi eq, %iota3A, %broadcast_in_dim3A_182 : vector<16xi32>
    %broadcast_in_dim3A_184 = arith.constant -1 : i32
    %broadcast_in_dim3A_185 = vector.broadcast %broadcast_in_dim3A_184 : i32 to vector<16xi32>
    %select_n3A_186 = arith.select %eq3A_183, %get3A_180, %broadcast_in_dim3A_185 : vector<16xi1>, vector<16xi32>
    %reduce_max3A_187 = arith.constant true
    %reduce_max3A_188 = vector.broadcast %reduce_max3A_187 : i1 to vector<16xi1>
    %reduce_max3A_189 = arith.constant -2147483648 : i32
    %reduce_max3A_190 = vector.broadcast %reduce_max3A_189 : i32 to vector<16xi32>
    %reduce_max3A_191 = arith.xori %select_n3A_186, %reduce_max3A_190 : vector<16xi32>
    %reduce_max3A_192 = tpu.scan <max>, %reduce_max3A_191 masked %reduce_max3A_188 : vector<16xi32>, vector<16xi1> -> vector<16xi32>
    %reduce_max3A_193 = arith.xori %reduce_max3A_192, %reduce_max3A_190 : vector<16xi32>
    %reduce_max3A_194 = vector.extract %reduce_max3A_193[15] : i32 from vector<16xi32>
    %dma_start3A_195 = arith.constant 1 : i32
    %dma_start3A_196 = arith.constant 1 : i32
    %dma_start3A_197 = arith.constant 0 : i32
    %dma_start3A_198 = arith.constant 0 : i32
    %dma_start3A_199 = tpu.memref_slice %arg5[%dma_start3A_195, %dma_start3A_196, %dma_start3A_197, %dma_start3A_198] : memref<2x4x16x512xf32, #tpu.memory_space<vmem>> -> memref<1x1x16x512xf32, #tpu.memory_space<vmem>>
    %dma_start3A_200 = tpu.memref_squeeze %dma_start3A_199 : memref<1x1x16x512xf32, #tpu.memory_space<vmem>> -> memref<16x512xf32, #tpu.memory_space<vmem>>
    %dma_start3A_201 = arith.constant 0 : i32
    %dma_start3A_202 = tpu.memref_slice %arg2[%reduce_max3A_194, %mul3A_2, %dma_start3A_201] : memref<100x512x512xf32, #tpu.memory_space<hbm>> -> memref<1x16x512xf32, #tpu.memory_space<hbm>>
    %dma_start3A_203 = tpu.memref_squeeze %dma_start3A_202 : memref<1x16x512xf32, #tpu.memory_space<hbm>> -> memref<16x512xf32, #tpu.memory_space<hbm>>
    %dma_start3A_204 = arith.constant 0 : i32
    %dma_start3A_205 = arith.constant 0 : i32
    %dma_start3A_206 = tpu.memref_slice %arg5[%dma_start3A_195, %dma_start3A_196, %dma_start3A_204, %dma_start3A_205] : memref<2x4x16x512xf32, #tpu.memory_space<vmem>> -> memref<1x1x16x512xf32, #tpu.memory_space<vmem>>
    %dma_start3A_207 = tpu.memref_squeeze %dma_start3A_206 : memref<1x1x16x512xf32, #tpu.memory_space<vmem>> -> memref<16x512xf32, #tpu.memory_space<vmem>>
    %dma_start3A_208 = arith.constant 0 : i32
    %dma_start3A_209 = tpu.memref_slice %arg2[%reduce_max3A_194, %mul3A_2, %dma_start3A_208] : memref<100x512x512xf32, #tpu.memory_space<hbm>> -> memref<1x16x512xf32, #tpu.memory_space<hbm>>
    %dma_start3A_210 = tpu.memref_squeeze %dma_start3A_209 : memref<1x16x512xf32, #tpu.memory_space<hbm>> -> memref<16x512xf32, #tpu.memory_space<hbm>>
    tpu.enqueue_dma source(%dma_start3A_210 : memref<16x512xf32, #tpu.memory_space<hbm>>) target(%dma_start3A_207 : memref<16x512xf32, #tpu.memory_space<vmem>>) target_semaphore(%arg9 : memref<!tpu.dma_semaphore, #tpu.memory_space<semaphore_mem>>)
    %get3A_211 = arith.constant 0 : index
    %get3A_212 = tpu.vector_load %arg7[%get3A_211] {strides = array<i32>} : memref<136xi32, #tpu.memory_space<vmem>>, vector<16xi32>,
    %broadcast_in_dim3A_213 = arith.constant 6 : i32
    %broadcast_in_dim3A_214 = vector.broadcast %broadcast_in_dim3A_213 : i32 to vector<16xi32>
    %eq3A_215 = arith.cmpi eq, %iota3A, %broadcast_in_dim3A_214 : vector<16xi32>
    %broadcast_in_dim3A_216 = arith.constant -1 : i32
    %broadcast_in_dim3A_217 = vector.broadcast %broadcast_in_dim3A_216 : i32 to vector<16xi32>
    %select_n3A_218 = arith.select %eq3A_215, %get3A_212, %broadcast_in_dim3A_217 : vector<16xi1>, vector<16xi32>
    %reduce_max3A_219 = arith.constant true
    %reduce_max3A_220 = vector.broadcast %reduce_max3A_219 : i1 to vector<16xi1>
    %reduce_max3A_221 = arith.constant -2147483648 : i32
    %reduce_max3A_222 = vector.broadcast %reduce_max3A_221 : i32 to vector<16xi32>
    %reduce_max3A_223 = arith.xori %select_n3A_218, %reduce_max3A_222 : vector<16xi32>
    %reduce_max3A_224 = tpu.scan <max>, %reduce_max3A_223 masked %reduce_max3A_220 : vector<16xi32>, vector<16xi1> -> vector<16xi32>
    %reduce_max3A_225 = arith.xori %reduce_max3A_224, %reduce_max3A_222 : vector<16xi32>
    %reduce_max3A_226 = vector.extract %reduce_max3A_225[15] : i32 from vector<16xi32>
    %dma_start3A_227 = arith.constant 1 : i32
    %dma_start3A_228 = arith.constant 2 : i32
    %dma_start3A_229 = arith.constant 0 : i32
    %dma_start3A_230 = arith.constant 0 : i32
    %dma_start3A_231 = tpu.memref_slice %arg5[%dma_start3A_227, %dma_start3A_228, %dma_start3A_229, %dma_start3A_230] : memref<2x4x16x512xf32, #tpu.memory_space<vmem>> -> memref<1x1x16x512xf32, #tpu.memory_space<vmem>>
    %dma_start3A_232 = tpu.memref_squeeze %dma_start3A_231 : memref<1x1x16x512xf32, #tpu.memory_space<vmem>> -> memref<16x512xf32, #tpu.memory_space<vmem>>
    %dma_start3A_233 = arith.constant 0 : i32
    %dma_start3A_234 = tpu.memref_slice %arg2[%reduce_max3A_226, %mul3A_2, %dma_start3A_233] : memref<100x512x512xf32, #tpu.memory_space<hbm>> -> memref<1x16x512xf32, #tpu.memory_space<hbm>>
    %dma_start3A_235 = tpu.memref_squeeze %dma_start3A_234 : memref<1x16x512xf32, #tpu.memory_space<hbm>> -> memref<16x512xf32, #tpu.memory_space<hbm>>
    %dma_start3A_236 = arith.constant 0 : i32
    %dma_start3A_237 = arith.constant 0 : i32
    %dma_start3A_238 = tpu.memref_slice %arg5[%dma_start3A_227, %dma_start3A_228, %dma_start3A_236, %dma_start3A_237] : memref<2x4x16x512xf32, #tpu.memory_space<vmem>> -> memref<1x1x16x512xf32, #tpu.memory_space<vmem>>
    %dma_start3A_239 = tpu.memref_squeeze %dma_start3A_238 : memref<1x1x16x512xf32, #tpu.memory_space<vmem>> -> memref<16x512xf32, #tpu.memory_space<vmem>>
    %dma_start3A_240 = arith.constant 0 : i32
    %dma_start3A_241 = tpu.memref_slice %arg2[%reduce_max3A_226, %mul3A_2, %dma_start3A_240] : memref<100x512x512xf32, #tpu.memory_space<hbm>> -> memref<1x16x512xf32, #tpu.memory_space<hbm>>
    %dma_start3A_242 = tpu.memref_squeeze %dma_start3A_241 : memref<1x16x512xf32, #tpu.memory_space<hbm>> -> memref<16x512xf32, #tpu.memory_space<hbm>>
    tpu.enqueue_dma source(%dma_start3A_242 : memref<16x512xf32, #tpu.memory_space<hbm>>) target(%dma_start3A_239 : memref<16x512xf32, #tpu.memory_space<vmem>>) target_semaphore(%arg9 : memref<!tpu.dma_semaphore, #tpu.memory_space<semaphore_mem>>)
    %get3A_243 = arith.constant 0 : index
    %get3A_244 = tpu.vector_load %arg7[%get3A_243] {strides = array<i32>} : memref<136xi32, #tpu.memory_space<vmem>>, vector<16xi32>,
    %broadcast_in_dim3A_245 = arith.constant 7 : i32
    %broadcast_in_dim3A_246 = vector.broadcast %broadcast_in_dim3A_245 : i32 to vector<16xi32>
    %eq3A_247 = arith.cmpi eq, %iota3A, %broadcast_in_dim3A_246 : vector<16xi32>
    %broadcast_in_dim3A_248 = arith.constant -1 : i32
    %broadcast_in_dim3A_249 = vector.broadcast %broadcast_in_dim3A_248 : i32 to vector<16xi32>
    %select_n3A_250 = arith.select %eq3A_247, %get3A_244, %broadcast_in_dim3A_249 : vector<16xi1>, vector<16xi32>
    %reduce_max3A_251 = arith.constant true
    %reduce_max3A_252 = vector.broadcast %reduce_max3A_251 : i1 to vector<16xi1>
    %reduce_max3A_253 = arith.constant -2147483648 : i32
    %reduce_max3A_254 = vector.broadcast %reduce_max3A_253 : i32 to vector<16xi32>
    %reduce_max3A_255 = arith.xori %select_n3A_250, %reduce_max3A_254 : vector<16xi32>
    %reduce_max3A_256 = tpu.scan <max>, %reduce_max3A_255 masked %reduce_max3A_252 : vector<16xi32>, vector<16xi1> -> vector<16xi32>
    %reduce_max3A_257 = arith.xori %reduce_max3A_256, %reduce_max3A_254 : vector<16xi32>
    %reduce_max3A_258 = vector.extract %reduce_max3A_257[15] : i32 from vector<16xi32>
    %dma_start3A_259 = arith.constant 1 : i32
    %dma_start3A_260 = arith.constant 3 : i32
    %dma_start3A_261 = arith.constant 0 : i32
    %dma_start3A_262 = arith.constant 0 : i32
    %dma_start3A_263 = tpu.memref_slice %arg5[%dma_start3A_259, %dma_start3A_260, %dma_start3A_261, %dma_start3A_262] : memref<2x4x16x512xf32, #tpu.memory_space<vmem>> -> memref<1x1x16x512xf32, #tpu.memory_space<vmem>>
    %dma_start3A_264 = tpu.memref_squeeze %dma_start3A_263 : memref<1x1x16x512xf32, #tpu.memory_space<vmem>> -> memref<16x512xf32, #tpu.memory_space<vmem>>
    %dma_start3A_265 = arith.constant 0 : i32
    %dma_start3A_266 = tpu.memref_slice %arg2[%reduce_max3A_258, %mul3A_2, %dma_start3A_265] : memref<100x512x512xf32, #tpu.memory_space<hbm>> -> memref<1x16x512xf32, #tpu.memory_space<hbm>>
    %dma_start3A_267 = tpu.memref_squeeze %dma_start3A_266 : memref<1x16x512xf32, #tpu.memory_space<hbm>> -> memref<16x512xf32, #tpu.memory_space<hbm>>
    %dma_start3A_268 = arith.constant 0 : i32
    %dma_start3A_269 = arith.constant 0 : i32
    %dma_start3A_270 = tpu.memref_slice %arg5[%dma_start3A_259, %dma_start3A_260, %dma_start3A_268, %dma_start3A_269] : memref<2x4x16x512xf32, #tpu.memory_space<vmem>> -> memref<1x1x16x512xf32, #tpu.memory_space<vmem>>
    %dma_start3A_271 = tpu.memref_squeeze %dma_start3A_270 : memref<1x1x16x512xf32, #tpu.memory_space<vmem>> -> memref<16x512xf32, #tpu.memory_space<vmem>>
    %dma_start3A_272 = arith.constant 0 : i32
    %dma_start3A_273 = tpu.memref_slice %arg2[%reduce_max3A_258, %mul3A_2, %dma_start3A_272] : memref<100x512x512xf32, #tpu.memory_space<hbm>> -> memref<1x16x512xf32, #tpu.memory_space<hbm>>
    %dma_start3A_274 = tpu.memref_squeeze %dma_start3A_273 : memref<1x16x512xf32, #tpu.memory_space<hbm>> -> memref<16x512xf32, #tpu.memory_space<hbm>>
    tpu.enqueue_dma source(%dma_start3A_274 : memref<16x512xf32, #tpu.memory_space<hbm>>) target(%dma_start3A_271 : memref<16x512xf32, #tpu.memory_space<vmem>>) target_semaphore(%arg9 : memref<!tpu.dma_semaphore, #tpu.memory_space<semaphore_mem>>)
    %parallel_loop3A = arith.constant 0 : i32
    %parallel_loop3A_275 = arith.constant 512 : i32
    %parallel_loop3A_276 = arith.constant 1 : i32
    scf.for %parallel_loop3A_288 = %parallel_loop3A to %parallel_loop3A_275 step %parallel_loop3A_276  : i32 {
      %parallel_loop3A_289 = arith.constant 32 : i32
      %parallel_loop3A_290 = arith.divsi %parallel_loop3A_288, %parallel_loop3A_289 : i32
      %parallel_loop3A_291 = arith.constant 0 : i32
      %parallel_loop3A_292 = arith.cmpi sgt, %parallel_loop3A_288, %parallel_loop3A_291 : i32
      %parallel_loop3A_293 = arith.extui %parallel_loop3A_292 : i1 to i32
      %parallel_loop3A_294 = arith.constant 0 : i32
      %parallel_loop3A_295 = arith.cmpi slt, %parallel_loop3A_288, %parallel_loop3A_294 : i32
      %parallel_loop3A_296 = arith.extui %parallel_loop3A_295 : i1 to i32
      %parallel_loop3A_297 = arith.subi %parallel_loop3A_293, %parallel_loop3A_296 : i32
      %parallel_loop3A_298 = arith.constant 0 : i32
      %parallel_loop3A_299 = arith.cmpi sgt, %parallel_loop3A_289, %parallel_loop3A_298 : i32
      %parallel_loop3A_300 = arith.extui %parallel_loop3A_299 : i1 to i32
      %parallel_loop3A_301 = arith.constant 0 : i32
      %parallel_loop3A_302 = arith.cmpi slt, %parallel_loop3A_289, %parallel_loop3A_301 : i32
      %parallel_loop3A_303 = arith.extui %parallel_loop3A_302 : i1 to i32
      %parallel_loop3A_304 = arith.subi %parallel_loop3A_300, %parallel_loop3A_303 : i32
      %parallel_loop3A_305 = arith.cmpi ne, %parallel_loop3A_297, %parallel_loop3A_304 : i32
      %parallel_loop3A_306 = arith.remsi %parallel_loop3A_288, %parallel_loop3A_289 : i32
      %parallel_loop3A_307 = arith.constant 0 : i32
      %parallel_loop3A_308 = arith.cmpi ne, %parallel_loop3A_306, %parallel_loop3A_307 : i32
      %parallel_loop3A_309 = arith.andi %parallel_loop3A_305, %parallel_loop3A_308 : i1
      %parallel_loop3A_310 = arith.constant 1 : i32
      %parallel_loop3A_311 = arith.subi %parallel_loop3A_290, %parallel_loop3A_310 : i32
      %parallel_loop3A_312 = arith.select %parallel_loop3A_309, %parallel_loop3A_311, %parallel_loop3A_290 : i32
      %parallel_loop3A_313 = arith.constant 32 : i32
      %parallel_loop3A_314 = arith.constant 0 : i32
      %parallel_loop3A_315 = arith.cmpi eq, %parallel_loop3A_313, %parallel_loop3A_314 : i32
      %parallel_loop3A_316 = arith.constant 1 : i32
      %parallel_loop3A_317 = arith.select %parallel_loop3A_315, %parallel_loop3A_316, %parallel_loop3A_313 : i32
      %parallel_loop3A_318 = arith.remsi %parallel_loop3A_288, %parallel_loop3A_317 : i32
      %parallel_loop3A_319 = arith.constant 0 : i32
      %parallel_loop3A_320 = arith.cmpi ne, %parallel_loop3A_318, %parallel_loop3A_319 : i32
      %parallel_loop3A_321 = arith.constant 0 : i32
      %parallel_loop3A_322 = arith.cmpi slt, %parallel_loop3A_318, %parallel_loop3A_321 : i32
      %parallel_loop3A_323 = arith.constant 0 : i32
      %parallel_loop3A_324 = arith.cmpi slt, %parallel_loop3A_317, %parallel_loop3A_323 : i32
      %parallel_loop3A_325 = arith.xori %parallel_loop3A_322, %parallel_loop3A_324 : i1
      %parallel_loop3A_326 = arith.andi %parallel_loop3A_325, %parallel_loop3A_320 : i1
      %parallel_loop3A_327 = arith.addi %parallel_loop3A_318, %parallel_loop3A_317 : i32
      %parallel_loop3A_328 = arith.select %parallel_loop3A_326, %parallel_loop3A_327, %parallel_loop3A_318 : i32
      %parallel_loop3A_329 = arith.constant 16 : i32
      %parallel_loop3A_330 = arith.muli %parallel_loop3A_328, %parallel_loop3A_329 : i32
      %parallel_loop3A_331 = arith.constant 0.000000e+00 : f32
      %parallel_loop3A_332 = vector.broadcast %parallel_loop3A_331 : f32 to vector<16xf32>
      %parallel_loop3A_333 = arith.index_cast %parallel_loop3A_312 : i32 to index
      %parallel_loop3A_334 = arith.index_cast %parallel_loop3A_330 : i32 to index
      %parallel_loop3A_335 = tpu.vector_load %arg6[%parallel_loop3A_333, %parallel_loop3A_334] {strides = array<i32>} : memref<16x512xf32, #tpu.memory_space<vmem>>, vector<16xf32>,
      tpu.vector_store %arg6[%parallel_loop3A_333, %parallel_loop3A_334], %parallel_loop3A_332 {strides = array<i32>} : memref<16x512xf32, #tpu.memory_space<vmem>>, vector<16xf32>,
    } {sc.loop_unroll_factor = 2 : i64, sc.parallel_access}
    %while3A = arith.constant 0 : i32
    %while3A_277 = arith.constant 0 : i32
    %while3A_278 = arith.subi %reduce_max3A_10, %while3A : i32
    %while3A_279 = arith.addi %while3A, %while3A_278 : i32
    %while3A_280 = arith.constant 1 : i32
    %while3A_281 = arith.divsi %while3A_278, %while3A_280 : i32
    %while3A_282 = arith.muli %while3A_281, %while3A_280 : i32
    %while3A_283 = arith.addi %while3A, %while3A_282 : i32
    %while3A_284 = arith.constant 1 : i32
    %while3A_285 = scf.for %while3A_288 = %while3A to %while3A_283 step %while3A_284 iter_args(%while3A_289 = %while3A_277) -> (i32)  : i32 {
      %mul3A_290 = arith.constant 2 : i32
      %mul3A_291 = arith.muli %while3A_288, %mul3A_290 : i32
      %dma_wait3A = arith.constant 0 : i32
      %dma_wait3A_292 = arith.constant 0 : i32
      %dma_wait3A_293 = arith.constant 0 : i32
      %dma_wait3A_294 = arith.constant 0 : i32
      %dma_wait3A_295 = arith.constant 0 : i32
      %dma_wait3A_296 = tpu.memref_slice %arg5[%dma_wait3A_292, %dma_wait3A_293, %dma_wait3A_294, %dma_wait3A_295] : memref<2x4x16x512xf32, #tpu.memory_space<vmem>> -> memref<1x1x16x512xf32, #tpu.memory_space<vmem>>
      %dma_wait3A_297 = tpu.memref_squeeze %dma_wait3A_296 : memref<1x1x16x512xf32, #tpu.memory_space<vmem>> -> memref<16x512xf32, #tpu.memory_space<vmem>>
      %dma_wait3A_298 = arith.constant 0 : i32
      %dma_wait3A_299 = tpu.memref_slice %arg2[%dma_wait3A, %mul3A_2, %dma_wait3A_298] : memref<100x512x512xf32, #tpu.memory_space<hbm>> -> memref<1x16x512xf32, #tpu.memory_space<hbm>>
      %dma_wait3A_300 = tpu.memref_squeeze %dma_wait3A_299 : memref<1x16x512xf32, #tpu.memory_space<hbm>> -> memref<16x512xf32, #tpu.memory_space<hbm>>
      %dma_wait3A_301 = arith.constant 0 : i32
      %dma_wait3A_302 = arith.constant 0 : i32
      %dma_wait3A_303 = tpu.memref_slice %arg5[%dma_wait3A_292, %dma_wait3A_293, %dma_wait3A_301, %dma_wait3A_302] : memref<2x4x16x512xf32, #tpu.memory_space<vmem>> -> memref<1x1x16x512xf32, #tpu.memory_space<vmem>>
      %dma_wait3A_304 = tpu.memref_squeeze %dma_wait3A_303 : memref<1x1x16x512xf32, #tpu.memory_space<vmem>> -> memref<16x512xf32, #tpu.memory_space<vmem>>
      %dma_wait3A_305 = arith.constant 0 : i32
      %dma_wait3A_306 = tpu.memref_slice %arg2[%dma_wait3A, %mul3A_2, %dma_wait3A_305] : memref<100x512x512xf32, #tpu.memory_space<hbm>> -> memref<1x16x512xf32, #tpu.memory_space<hbm>>
      %dma_wait3A_307 = tpu.memref_squeeze %dma_wait3A_306 : memref<1x16x512xf32, #tpu.memory_space<hbm>> -> memref<16x512xf32, #tpu.memory_space<hbm>>
      tpu.wait_dma2 semaphore(%arg8 : memref<!tpu.dma_semaphore, #tpu.memory_space<semaphore_mem>>) src(%dma_wait3A_307 : memref<16x512xf32, #tpu.memory_space<hbm>>) dst(%dma_wait3A_304 : memref<16x512xf32, #tpu.memory_space<vmem>>)
      %dma_wait3A_308 = arith.constant 0 : i32
      %dma_wait3A_309 = arith.constant 0 : i32
      %dma_wait3A_310 = arith.constant 1 : i32
      %dma_wait3A_311 = arith.constant 0 : i32
      %dma_wait3A_312 = arith.constant 0 : i32
      %dma_wait3A_313 = tpu.memref_slice %arg5[%dma_wait3A_309, %dma_wait3A_310, %dma_wait3A_311, %dma_wait3A_312] : memref<2x4x16x512xf32, #tpu.memory_space<vmem>> -> memref<1x1x16x512xf32, #tpu.memory_space<vmem>>
      %dma_wait3A_314 = tpu.memref_squeeze %dma_wait3A_313 : memref<1x1x16x512xf32, #tpu.memory_space<vmem>> -> memref<16x512xf32, #tpu.memory_space<vmem>>
      %dma_wait3A_315 = arith.constant 0 : i32
      %dma_wait3A_316 = tpu.memref_slice %arg2[%dma_wait3A_308, %mul3A_2, %dma_wait3A_315] : memref<100x512x512xf32, #tpu.memory_space<hbm>> -> memref<1x16x512xf32, #tpu.memory_space<hbm>>
      %dma_wait3A_317 = tpu.memref_squeeze %dma_wait3A_316 : memref<1x16x512xf32, #tpu.memory_space<hbm>> -> memref<16x512xf32, #tpu.memory_space<hbm>>
      %dma_wait3A_318 = arith.constant 0 : i32
      %dma_wait3A_319 = arith.constant 0 : i32
      %dma_wait3A_320 = tpu.memref_slice %arg5[%dma_wait3A_309, %dma_wait3A_310, %dma_wait3A_318, %dma_wait3A_319] : memref<2x4x16x512xf32, #tpu.memory_space<vmem>> -> memref<1x1x16x512xf32, #tpu.memory_space<vmem>>
      %dma_wait3A_321 = tpu.memref_squeeze %dma_wait3A_320 : memref<1x1x16x512xf32, #tpu.memory_space<vmem>> -> memref<16x512xf32, #tpu.memory_space<vmem>>
      %dma_wait3A_322 = arith.constant 0 : i32
      %dma_wait3A_323 = tpu.memref_slice %arg2[%dma_wait3A_308, %mul3A_2, %dma_wait3A_322] : memref<100x512x512xf32, #tpu.memory_space<hbm>> -> memref<1x16x512xf32, #tpu.memory_space<hbm>>
      %dma_wait3A_324 = tpu.memref_squeeze %dma_wait3A_323 : memref<1x16x512xf32, #tpu.memory_space<hbm>> -> memref<16x512xf32, #tpu.memory_space<hbm>>
      tpu.wait_dma2 semaphore(%arg8 : memref<!tpu.dma_semaphore, #tpu.memory_space<semaphore_mem>>) src(%dma_wait3A_324 : memref<16x512xf32, #tpu.memory_space<hbm>>) dst(%dma_wait3A_321 : memref<16x512xf32, #tpu.memory_space<vmem>>)
      %dma_wait3A_325 = arith.constant 0 : i32
      %dma_wait3A_326 = arith.constant 0 : i32
      %dma_wait3A_327 = arith.constant 2 : i32
      %dma_wait3A_328 = arith.constant 0 : i32
      %dma_wait3A_329 = arith.constant 0 : i32
      %dma_wait3A_330 = tpu.memref_slice %arg5[%dma_wait3A_326, %dma_wait3A_327, %dma_wait3A_328, %dma_wait3A_329] : memref<2x4x16x512xf32, #tpu.memory_space<vmem>> -> memref<1x1x16x512xf32, #tpu.memory_space<vmem>>
      %dma_wait3A_331 = tpu.memref_squeeze %dma_wait3A_330 : memref<1x1x16x512xf32, #tpu.memory_space<vmem>> -> memref<16x512xf32, #tpu.memory_space<vmem>>
      %dma_wait3A_332 = arith.constant 0 : i32
      %dma_wait3A_333 = tpu.memref_slice %arg2[%dma_wait3A_325, %mul3A_2, %dma_wait3A_332] : memref<100x512x512xf32, #tpu.memory_space<hbm>> -> memref<1x16x512xf32, #tpu.memory_space<hbm>>
      %dma_wait3A_334 = tpu.memref_squeeze %dma_wait3A_333 : memref<1x16x512xf32, #tpu.memory_space<hbm>> -> memref<16x512xf32, #tpu.memory_space<hbm>>
      %dma_wait3A_335 = arith.constant 0 : i32
      %dma_wait3A_336 = arith.constant 0 : i32
      %dma_wait3A_337 = tpu.memref_slice %arg5[%dma_wait3A_326, %dma_wait3A_327, %dma_wait3A_335, %dma_wait3A_336] : memref<2x4x16x512xf32, #tpu.memory_space<vmem>> -> memref<1x1x16x512xf32, #tpu.memory_space<vmem>>
      %dma_wait3A_338 = tpu.memref_squeeze %dma_wait3A_337 : memref<1x1x16x512xf32, #tpu.memory_space<vmem>> -> memref<16x512xf32, #tpu.memory_space<vmem>>
      %dma_wait3A_339 = arith.constant 0 : i32
      %dma_wait3A_340 = tpu.memref_slice %arg2[%dma_wait3A_325, %mul3A_2, %dma_wait3A_339] : memref<100x512x512xf32, #tpu.memory_space<hbm>> -> memref<1x16x512xf32, #tpu.memory_space<hbm>>
      %dma_wait3A_341 = tpu.memref_squeeze %dma_wait3A_340 : memref<1x16x512xf32, #tpu.memory_space<hbm>> -> memref<16x512xf32, #tpu.memory_space<hbm>>
      tpu.wait_dma2 semaphore(%arg8 : memref<!tpu.dma_semaphore, #tpu.memory_space<semaphore_mem>>) src(%dma_wait3A_341 : memref<16x512xf32, #tpu.memory_space<hbm>>) dst(%dma_wait3A_338 : memref<16x512xf32, #tpu.memory_space<vmem>>)
      %dma_wait3A_342 = arith.constant 0 : i32
      %dma_wait3A_343 = arith.constant 0 : i32
      %dma_wait3A_344 = arith.constant 3 : i32
      %dma_wait3A_345 = arith.constant 0 : i32
      %dma_wait3A_346 = arith.constant 0 : i32
      %dma_wait3A_347 = tpu.memref_slice %arg5[%dma_wait3A_343, %dma_wait3A_344, %dma_wait3A_345, %dma_wait3A_346] : memref<2x4x16x512xf32, #tpu.memory_space<vmem>> -> memref<1x1x16x512xf32, #tpu.memory_space<vmem>>
      %dma_wait3A_348 = tpu.memref_squeeze %dma_wait3A_347 : memref<1x1x16x512xf32, #tpu.memory_space<vmem>> -> memref<16x512xf32, #tpu.memory_space<vmem>>
      %dma_wait3A_349 = arith.constant 0 : i32
      %dma_wait3A_350 = tpu.memref_slice %arg2[%dma_wait3A_342, %mul3A_2, %dma_wait3A_349] : memref<100x512x512xf32, #tpu.memory_space<hbm>> -> memref<1x16x512xf32, #tpu.memory_space<hbm>>
      %dma_wait3A_351 = tpu.memref_squeeze %dma_wait3A_350 : memref<1x16x512xf32, #tpu.memory_space<hbm>> -> memref<16x512xf32, #tpu.memory_space<hbm>>
      %dma_wait3A_352 = arith.constant 0 : i32
      %dma_wait3A_353 = arith.constant 0 : i32
      %dma_wait3A_354 = tpu.memref_slice %arg5[%dma_wait3A_343, %dma_wait3A_344, %dma_wait3A_352, %dma_wait3A_353] : memref<2x4x16x512xf32, #tpu.memory_space<vmem>> -> memref<1x1x16x512xf32, #tpu.memory_space<vmem>>
      %dma_wait3A_355 = tpu.memref_squeeze %dma_wait3A_354 : memref<1x1x16x512xf32, #tpu.memory_space<vmem>> -> memref<16x512xf32, #tpu.memory_space<vmem>>
      %dma_wait3A_356 = arith.constant 0 : i32
      %dma_wait3A_357 = tpu.memref_slice %arg2[%dma_wait3A_342, %mul3A_2, %dma_wait3A_356] : memref<100x512x512xf32, #tpu.memory_space<hbm>> -> memref<1x16x512xf32, #tpu.memory_space<hbm>>
      %dma_wait3A_358 = tpu.memref_squeeze %dma_wait3A_357 : memref<1x16x512xf32, #tpu.memory_space<hbm>> -> memref<16x512xf32, #tpu.memory_space<hbm>>
      tpu.wait_dma2 semaphore(%arg8 : memref<!tpu.dma_semaphore, #tpu.memory_space<semaphore_mem>>) src(%dma_wait3A_358 : memref<16x512xf32, #tpu.memory_space<hbm>>) dst(%dma_wait3A_355 : memref<16x512xf32, #tpu.memory_space<vmem>>)
      %mul3A_359 = arith.constant 4 : i32
      %mul3A_360 = arith.muli %mul3A_291, %mul3A_359 : i32
      %add3A_361 = arith.constant 0 : i32
      %add3A_362 = arith.addi %mul3A_360, %add3A_361 : i32
      %lt3A = arith.cmpi slt, %add3A_362, %reduce_max3A_20 : i32
      %jit3A = arith.constant 1.000000e+00 : f32
      %jit3A_363 = arith.constant 0.000000e+00 : f32
      %select_n3A_364 = arith.select %lt3A, %jit3A, %jit3A_363 : f32
      %broadcast_in_dim3A_365 = vector.broadcast %select_n3A_364 : f32 to vector<16xf32>
      %mul3A_366 = arith.constant 4 : i32
      %mul3A_367 = arith.muli %mul3A_291, %mul3A_366 : i32
      %add3A_368 = arith.constant 1 : i32
      %add3A_369 = arith.addi %mul3A_367, %add3A_368 : i32
      %lt3A_370 = arith.cmpi slt, %add3A_369, %reduce_max3A_20 : i32
      %jit3A_371 = arith.constant 1.000000e+00 : f32
      %jit3A_372 = arith.constant 0.000000e+00 : f32
      %select_n3A_373 = arith.select %lt3A_370, %jit3A_371, %jit3A_372 : f32
      %broadcast_in_dim3A_374 = vector.broadcast %select_n3A_373 : f32 to vector<16xf32>
      %mul3A_375 = arith.constant 4 : i32
      %mul3A_376 = arith.muli %mul3A_291, %mul3A_375 : i32
      %add3A_377 = arith.constant 2 : i32
      %add3A_378 = arith.addi %mul3A_376, %add3A_377 : i32
      %lt3A_379 = arith.cmpi slt, %add3A_378, %reduce_max3A_20 : i32
      %jit3A_380 = arith.constant 1.000000e+00 : f32
      %jit3A_381 = arith.constant 0.000000e+00 : f32
      %select_n3A_382 = arith.select %lt3A_379, %jit3A_380, %jit3A_381 : f32
      %broadcast_in_dim3A_383 = vector.broadcast %select_n3A_382 : f32 to vector<16xf32>
      %mul3A_384 = arith.constant 4 : i32
      %mul3A_385 = arith.muli %mul3A_291, %mul3A_384 : i32
      %add3A_386 = arith.constant 3 : i32
      %add3A_387 = arith.addi %mul3A_385, %add3A_386 : i32
      %lt3A_388 = arith.cmpi slt, %add3A_387, %reduce_max3A_20 : i32
      %jit3A_389 = arith.constant 1.000000e+00 : f32
      %jit3A_390 = arith.constant 0.000000e+00 : f32
      %select_n3A_391 = arith.select %lt3A_388, %jit3A_389, %jit3A_390 : f32
      %broadcast_in_dim3A_392 = vector.broadcast %select_n3A_391 : f32 to vector<16xf32>
      %parallel_loop3A_393 = arith.constant 0 : i32
      %parallel_loop3A_394 = arith.constant 512 : i32
      %parallel_loop3A_395 = arith.constant 1 : i32
      scf.for %parallel_loop3A_518 = %parallel_loop3A_393 to %parallel_loop3A_394 step %parallel_loop3A_395  : i32 {
        %parallel_loop3A_519 = arith.constant 32 : i32
        %parallel_loop3A_520 = arith.divsi %parallel_loop3A_518, %parallel_loop3A_519 : i32
        %parallel_loop3A_521 = arith.constant 0 : i32
        %parallel_loop3A_522 = arith.cmpi sgt, %parallel_loop3A_518, %parallel_loop3A_521 : i32
        %parallel_loop3A_523 = arith.extui %parallel_loop3A_522 : i1 to i32
        %parallel_loop3A_524 = arith.constant 0 : i32
        %parallel_loop3A_525 = arith.cmpi slt, %parallel_loop3A_518, %parallel_loop3A_524 : i32
        %parallel_loop3A_526 = arith.extui %parallel_loop3A_525 : i1 to i32
        %parallel_loop3A_527 = arith.subi %parallel_loop3A_523, %parallel_loop3A_526 : i32
        %parallel_loop3A_528 = arith.constant 0 : i32
        %parallel_loop3A_529 = arith.cmpi sgt, %parallel_loop3A_519, %parallel_loop3A_528 : i32
        %parallel_loop3A_530 = arith.extui %parallel_loop3A_529 : i1 to i32
        %parallel_loop3A_531 = arith.constant 0 : i32
        %parallel_loop3A_532 = arith.cmpi slt, %parallel_loop3A_519, %parallel_loop3A_531 : i32
        %parallel_loop3A_533 = arith.extui %parallel_loop3A_532 : i1 to i32
        %parallel_loop3A_534 = arith.subi %parallel_loop3A_530, %parallel_loop3A_533 : i32
        %parallel_loop3A_535 = arith.cmpi ne, %parallel_loop3A_527, %parallel_loop3A_534 : i32
        %parallel_loop3A_536 = arith.remsi %parallel_loop3A_518, %parallel_loop3A_519 : i32
        %parallel_loop3A_537 = arith.constant 0 : i32
        %parallel_loop3A_538 = arith.cmpi ne, %parallel_loop3A_536, %parallel_loop3A_537 : i32
        %parallel_loop3A_539 = arith.andi %parallel_loop3A_535, %parallel_loop3A_538 : i1
        %parallel_loop3A_540 = arith.constant 1 : i32
        %parallel_loop3A_541 = arith.subi %parallel_loop3A_520, %parallel_loop3A_540 : i32
        %parallel_loop3A_542 = arith.select %parallel_loop3A_539, %parallel_loop3A_541, %parallel_loop3A_520 : i32
        %parallel_loop3A_543 = arith.constant 32 : i32
        %parallel_loop3A_544 = arith.constant 0 : i32
        %parallel_loop3A_545 = arith.cmpi eq, %parallel_loop3A_543, %parallel_loop3A_544 : i32
        %parallel_loop3A_546 = arith.constant 1 : i32
        %parallel_loop3A_547 = arith.select %parallel_loop3A_545, %parallel_loop3A_546, %parallel_loop3A_543 : i32
        %parallel_loop3A_548 = arith.remsi %parallel_loop3A_518, %parallel_loop3A_547 : i32
        %parallel_loop3A_549 = arith.constant 0 : i32
        %parallel_loop3A_550 = arith.cmpi ne, %parallel_loop3A_548, %parallel_loop3A_549 : i32
        %parallel_loop3A_551 = arith.constant 0 : i32
        %parallel_loop3A_552 = arith.cmpi slt, %parallel_loop3A_548, %parallel_loop3A_551 : i32
        %parallel_loop3A_553 = arith.constant 0 : i32
        %parallel_loop3A_554 = arith.cmpi slt, %parallel_loop3A_547, %parallel_loop3A_553 : i32
        %parallel_loop3A_555 = arith.xori %parallel_loop3A_552, %parallel_loop3A_554 : i1
        %parallel_loop3A_556 = arith.andi %parallel_loop3A_555, %parallel_loop3A_550 : i1
        %parallel_loop3A_557 = arith.addi %parallel_loop3A_548, %parallel_loop3A_547 : i32
        %parallel_loop3A_558 = arith.select %parallel_loop3A_556, %parallel_loop3A_557, %parallel_loop3A_548 : i32
        %parallel_loop3A_559 = arith.constant 16 : i32
        %parallel_loop3A_560 = arith.muli %parallel_loop3A_558, %parallel_loop3A_559 : i32
        %parallel_loop3A_561 = arith.index_cast %parallel_loop3A_542 : i32 to index
        %parallel_loop3A_562 = arith.index_cast %parallel_loop3A_560 : i32 to index
        %parallel_loop3A_563 = tpu.vector_load %arg6[%parallel_loop3A_561, %parallel_loop3A_562] {strides = array<i32>} : memref<16x512xf32, #tpu.memory_space<vmem>>, vector<16xf32>,
        %parallel_loop3A_564 = arith.constant 0 : i32
        %parallel_loop3A_565 = arith.constant 0 : i32
        %parallel_loop3A_566 = arith.index_cast %parallel_loop3A_564 : i32 to index
        %parallel_loop3A_567 = arith.index_cast %parallel_loop3A_565 : i32 to index
        %parallel_loop3A_568 = arith.index_cast %parallel_loop3A_542 : i32 to index
        %parallel_loop3A_569 = arith.index_cast %parallel_loop3A_560 : i32 to index
        %parallel_loop3A_570 = tpu.vector_load %arg5[%parallel_loop3A_566, %parallel_loop3A_567, %parallel_loop3A_568, %parallel_loop3A_569] {strides = array<i32>} : memref<2x4x16x512xf32, #tpu.memory_space<vmem>>, vector<16xf32>,
        %parallel_loop3A_571 = arith.mulf %broadcast_in_dim3A_365, %parallel_loop3A_570 : vector<16xf32>
        %parallel_loop3A_572 = arith.constant 0 : i32
        %parallel_loop3A_573 = arith.constant 1 : i32
        %parallel_loop3A_574 = arith.index_cast %parallel_loop3A_572 : i32 to index
        %parallel_loop3A_575 = arith.index_cast %parallel_loop3A_573 : i32 to index
        %parallel_loop3A_576 = arith.index_cast %parallel_loop3A_542 : i32 to index
        %parallel_loop3A_577 = arith.index_cast %parallel_loop3A_560 : i32 to index
        %parallel_loop3A_578 = tpu.vector_load %arg5[%parallel_loop3A_574, %parallel_loop3A_575, %parallel_loop3A_576, %parallel_loop3A_577] {strides = array<i32>} : memref<2x4x16x512xf32, #tpu.memory_space<vmem>>, vector<16xf32>,
        %parallel_loop3A_579 = arith.mulf %broadcast_in_dim3A_374, %parallel_loop3A_578 : vector<16xf32>
        %parallel_loop3A_580 = arith.addf %parallel_loop3A_571, %parallel_loop3A_579 : vector<16xf32>
        %parallel_loop3A_581 = arith.addf %parallel_loop3A_563, %parallel_loop3A_580 : vector<16xf32>
        %parallel_loop3A_582 = arith.constant 0 : i32
        %parallel_loop3A_583 = arith.constant 2 : i32
        %parallel_loop3A_584 = arith.index_cast %parallel_loop3A_582 : i32 to index
        %parallel_loop3A_585 = arith.index_cast %parallel_loop3A_583 : i32 to index
        %parallel_loop3A_586 = arith.index_cast %parallel_loop3A_542 : i32 to index
        %parallel_loop3A_587 = arith.index_cast %parallel_loop3A_560 : i32 to index
        %parallel_loop3A_588 = tpu.vector_load %arg5[%parallel_loop3A_584, %parallel_loop3A_585, %parallel_loop3A_586, %parallel_loop3A_587] {strides = array<i32>} : memref<2x4x16x512xf32, #tpu.memory_space<vmem>>, vector<16xf32>,
        %parallel_loop3A_589 = arith.mulf %broadcast_in_dim3A_383, %parallel_loop3A_588 : vector<16xf32>
        %parallel_loop3A_590 = arith.constant 0 : i32
        %parallel_loop3A_591 = arith.constant 3 : i32
        %parallel_loop3A_592 = arith.index_cast %parallel_loop3A_590 : i32 to index
        %parallel_loop3A_593 = arith.index_cast %parallel_loop3A_591 : i32 to index
        %parallel_loop3A_594 = arith.index_cast %parallel_loop3A_542 : i32 to index
        %parallel_loop3A_595 = arith.index_cast %parallel_loop3A_560 : i32 to index
        %parallel_loop3A_596 = tpu.vector_load %arg5[%parallel_loop3A_592, %parallel_loop3A_593, %parallel_loop3A_594, %parallel_loop3A_595] {strides = array<i32>} : memref<2x4x16x512xf32, #tpu.memory_space<vmem>>, vector<16xf32>,
        %parallel_loop3A_597 = arith.mulf %broadcast_in_dim3A_392, %parallel_loop3A_596 : vector<16xf32>
        %parallel_loop3A_598 = arith.addf %parallel_loop3A_589, %parallel_loop3A_597 : vector<16xf32>
        %parallel_loop3A_599 = arith.addf %parallel_loop3A_581, %parallel_loop3A_598 : vector<16xf32>
        %parallel_loop3A_600 = arith.index_cast %parallel_loop3A_542 : i32 to index
        %parallel_loop3A_601 = arith.index_cast %parallel_loop3A_560 : i32 to index
        %parallel_loop3A_602 = tpu.vector_load %arg6[%parallel_loop3A_600, %parallel_loop3A_601] {strides = array<i32>} : memref<16x512xf32, #tpu.memory_space<vmem>>, vector<16xf32>,
        tpu.vector_store %arg6[%parallel_loop3A_600, %parallel_loop3A_601], %parallel_loop3A_599 {strides = array<i32>} : memref<16x512xf32, #tpu.memory_space<vmem>>, vector<16xf32>,
      } {sc.loop_unroll_factor = 4 : i64, sc.parallel_access}
      %add3A_396 = arith.constant 2 : i32
      %add3A_397 = arith.addi %mul3A_291, %add3A_396 : i32
      %lt3A_398 = arith.cmpi slt, %add3A_397, %mul3A_22 : i32
      %convert_element_type3A = arith.extui %lt3A_398 : i1 to i32
      %cond3A = arith.constant 0 : i32
      %cond3A_399 = arith.cmpi ne, %convert_element_type3A, %cond3A : i32
      scf.if %cond3A_399 {
        %add3A_518 = arith.constant 2 : i32
        %add3A_519 = arith.addi %mul3A_291, %add3A_518 : i32
        %mul3A_520 = arith.constant 4 : i32
        %mul3A_521 = arith.muli %add3A_519, %mul3A_520 : i32
        %add3A_522 = arith.constant 0 : i32
        %add3A_523 = arith.addi %mul3A_521, %add3A_522 : i32
        %jit3A_524 = arith.constant 16 : i32
        %div3A = arith.divsi %add3A_523, %jit3A_524 : i32
        %sign3A = arith.constant 0 : i32
        %sign3A_525 = arith.cmpi sgt, %add3A_523, %sign3A : i32
        %sign3A_526 = arith.extui %sign3A_525 : i1 to i32
        %sign3A_527 = arith.constant 0 : i32
        %sign3A_528 = arith.cmpi slt, %add3A_523, %sign3A_527 : i32
        %sign3A_529 = arith.extui %sign3A_528 : i1 to i32
        %sign3A_530 = arith.subi %sign3A_526, %sign3A_529 : i32
        %sign3A_531 = arith.constant 0 : i32
        %sign3A_532 = arith.cmpi sgt, %jit3A_524, %sign3A_531 : i32
        %sign3A_533 = arith.extui %sign3A_532 : i1 to i32
        %sign3A_534 = arith.constant 0 : i32
        %sign3A_535 = arith.cmpi slt, %jit3A_524, %sign3A_534 : i32
        %sign3A_536 = arith.extui %sign3A_535 : i1 to i32
        %sign3A_537 = arith.subi %sign3A_533, %sign3A_536 : i32
        %ne3A = arith.cmpi ne, %sign3A_530, %sign3A_537 : i32
        %rem3A = arith.remsi %add3A_523, %jit3A_524 : i32
        %ne3A_538 = arith.constant 0 : i32
        %ne3A_539 = arith.cmpi ne, %rem3A, %ne3A_538 : i32
        %and3A = arith.andi %ne3A, %ne3A_539 : i1
        %sub3A = arith.constant 1 : i32
        %sub3A_540 = arith.subi %div3A, %sub3A : i32
        %select_n3A_541 = arith.select %and3A, %sub3A_540, %div3A : i32
        %mul3A_542 = arith.constant 16 : i32
        %mul3A_543 = arith.muli %select_n3A_541, %mul3A_542 : i32
        %get3A_544 = arith.index_cast %mul3A_543 : i32 to index
        %get3A_545 = tpu.vector_load %arg7[%get3A_544] {strides = array<i32>} : memref<136xi32, #tpu.memory_space<vmem>>, vector<16xi32>,
        %sub3A_546 = arith.subi %add3A_523, %mul3A_543 : i32
        %broadcast_in_dim3A_547 = vector.broadcast %sub3A_546 : i32 to vector<16xi32>
        %eq3A_548 = arith.cmpi eq, %iota3A, %broadcast_in_dim3A_547 : vector<16xi32>
        %broadcast_in_dim3A_549 = arith.constant -1 : i32
        %broadcast_in_dim3A_550 = vector.broadcast %broadcast_in_dim3A_549 : i32 to vector<16xi32>
        %select_n3A_551 = arith.select %eq3A_548, %get3A_545, %broadcast_in_dim3A_550 : vector<16xi1>, vector<16xi32>
        %reduce_max3A_552 = arith.constant true
        %reduce_max3A_553 = vector.broadcast %reduce_max3A_552 : i1 to vector<16xi1>
        %reduce_max3A_554 = arith.constant -2147483648 : i32
        %reduce_max3A_555 = vector.broadcast %reduce_max3A_554 : i32 to vector<16xi32>
        %reduce_max3A_556 = arith.xori %select_n3A_551, %reduce_max3A_555 : vector<16xi32>
        %reduce_max3A_557 = tpu.scan <max>, %reduce_max3A_556 masked %reduce_max3A_553 : vector<16xi32>, vector<16xi1> -> vector<16xi32>
        %reduce_max3A_558 = arith.xori %reduce_max3A_557, %reduce_max3A_555 : vector<16xi32>
        %reduce_max3A_559 = vector.extract %reduce_max3A_558[15] : i32 from vector<16xi32>
        %dma_start3A_560 = arith.constant 0 : i32
        %dma_start3A_561 = arith.constant 0 : i32
        %dma_start3A_562 = arith.constant 0 : i32
        %dma_start3A_563 = arith.constant 0 : i32
        %dma_start3A_564 = tpu.memref_slice %arg5[%dma_start3A_560, %dma_start3A_561, %dma_start3A_562, %dma_start3A_563] : memref<2x4x16x512xf32, #tpu.memory_space<vmem>> -> memref<1x1x16x512xf32, #tpu.memory_space<vmem>>
        %dma_start3A_565 = tpu.memref_squeeze %dma_start3A_564 : memref<1x1x16x512xf32, #tpu.memory_space<vmem>> -> memref<16x512xf32, #tpu.memory_space<vmem>>
        %dma_start3A_566 = arith.constant 0 : i32
        %dma_start3A_567 = tpu.memref_slice %arg2[%reduce_max3A_559, %mul3A_2, %dma_start3A_566] : memref<100x512x512xf32, #tpu.memory_space<hbm>> -> memref<1x16x512xf32, #tpu.memory_space<hbm>>
        %dma_start3A_568 = tpu.memref_squeeze %dma_start3A_567 : memref<1x16x512xf32, #tpu.memory_space<hbm>> -> memref<16x512xf32, #tpu.memory_space<hbm>>
        %dma_start3A_569 = arith.constant 0 : i32
        %dma_start3A_570 = arith.constant 0 : i32
        %dma_start3A_571 = tpu.memref_slice %arg5[%dma_start3A_560, %dma_start3A_561, %dma_start3A_569, %dma_start3A_570] : memref<2x4x16x512xf32, #tpu.memory_space<vmem>> -> memref<1x1x16x512xf32, #tpu.memory_space<vmem>>
        %dma_start3A_572 = tpu.memref_squeeze %dma_start3A_571 : memref<1x1x16x512xf32, #tpu.memory_space<vmem>> -> memref<16x512xf32, #tpu.memory_space<vmem>>
        %dma_start3A_573 = arith.constant 0 : i32
        %dma_start3A_574 = tpu.memref_slice %arg2[%reduce_max3A_559, %mul3A_2, %dma_start3A_573] : memref<100x512x512xf32, #tpu.memory_space<hbm>> -> memref<1x16x512xf32, #tpu.memory_space<hbm>>
        %dma_start3A_575 = tpu.memref_squeeze %dma_start3A_574 : memref<1x16x512xf32, #tpu.memory_space<hbm>> -> memref<16x512xf32, #tpu.memory_space<hbm>>
        tpu.enqueue_dma source(%dma_start3A_575 : memref<16x512xf32, #tpu.memory_space<hbm>>) target(%dma_start3A_572 : memref<16x512xf32, #tpu.memory_space<vmem>>) target_semaphore(%arg8 : memref<!tpu.dma_semaphore, #tpu.memory_space<semaphore_mem>>)
        %mul3A_576 = arith.constant 4 : i32
        %mul3A_577 = arith.muli %add3A_519, %mul3A_576 : i32
        %add3A_578 = arith.constant 1 : i32
        %add3A_579 = arith.addi %mul3A_577, %add3A_578 : i32
        %jit3A_580 = arith.constant 16 : i32
        %div3A_581 = arith.divsi %add3A_579, %jit3A_580 : i32
        %sign3A_582 = arith.constant 0 : i32
        %sign3A_583 = arith.cmpi sgt, %add3A_579, %sign3A_582 : i32
        %sign3A_584 = arith.extui %sign3A_583 : i1 to i32
        %sign3A_585 = arith.constant 0 : i32
        %sign3A_586 = arith.cmpi slt, %add3A_579, %sign3A_585 : i32
        %sign3A_587 = arith.extui %sign3A_586 : i1 to i32
        %sign3A_588 = arith.subi %sign3A_584, %sign3A_587 : i32
        %sign3A_589 = arith.constant 0 : i32
        %sign3A_590 = arith.cmpi sgt, %jit3A_580, %sign3A_589 : i32
        %sign3A_591 = arith.extui %sign3A_590 : i1 to i32
        %sign3A_592 = arith.constant 0 : i32
        %sign3A_593 = arith.cmpi slt, %jit3A_580, %sign3A_592 : i32
        %sign3A_594 = arith.extui %sign3A_593 : i1 to i32
        %sign3A_595 = arith.subi %sign3A_591, %sign3A_594 : i32
        %ne3A_596 = arith.cmpi ne, %sign3A_588, %sign3A_595 : i32
        %rem3A_597 = arith.remsi %add3A_579, %jit3A_580 : i32
        %ne3A_598 = arith.constant 0 : i32
        %ne3A_599 = arith.cmpi ne, %rem3A_597, %ne3A_598 : i32
        %and3A_600 = arith.andi %ne3A_596, %ne3A_599 : i1
        %sub3A_601 = arith.constant 1 : i32
        %sub3A_602 = arith.subi %div3A_581, %sub3A_601 : i32
        %select_n3A_603 = arith.select %and3A_600, %sub3A_602, %div3A_581 : i32
        %mul3A_604 = arith.constant 16 : i32
        %mul3A_605 = arith.muli %select_n3A_603, %mul3A_604 : i32
        %get3A_606 = arith.index_cast %mul3A_605 : i32 to index
        %get3A_607 = tpu.vector_load %arg7[%get3A_606] {strides = array<i32>} : memref<136xi32, #tpu.memory_space<vmem>>, vector<16xi32>,
        %sub3A_608 = arith.subi %add3A_579, %mul3A_605 : i32
        %broadcast_in_dim3A_609 = vector.broadcast %sub3A_608 : i32 to vector<16xi32>
        %eq3A_610 = arith.cmpi eq, %iota3A, %broadcast_in_dim3A_609 : vector<16xi32>
        %broadcast_in_dim3A_611 = arith.constant -1 : i32
        %broadcast_in_dim3A_612 = vector.broadcast %broadcast_in_dim3A_611 : i32 to vector<16xi32>
        %select_n3A_613 = arith.select %eq3A_610, %get3A_607, %broadcast_in_dim3A_612 : vector<16xi1>, vector<16xi32>
        %reduce_max3A_614 = arith.constant true
        %reduce_max3A_615 = vector.broadcast %reduce_max3A_614 : i1 to vector<16xi1>
        %reduce_max3A_616 = arith.constant -2147483648 : i32
        %reduce_max3A_617 = vector.broadcast %reduce_max3A_616 : i32 to vector<16xi32>
        %reduce_max3A_618 = arith.xori %select_n3A_613, %reduce_max3A_617 : vector<16xi32>
        %reduce_max3A_619 = tpu.scan <max>, %reduce_max3A_618 masked %reduce_max3A_615 : vector<16xi32>, vector<16xi1> -> vector<16xi32>
        %reduce_max3A_620 = arith.xori %reduce_max3A_619, %reduce_max3A_617 : vector<16xi32>
        %reduce_max3A_621 = vector.extract %reduce_max3A_620[15] : i32 from vector<16xi32>
        %dma_start3A_622 = arith.constant 0 : i32
        %dma_start3A_623 = arith.constant 1 : i32
        %dma_start3A_624 = arith.constant 0 : i32
        %dma_start3A_625 = arith.constant 0 : i32
        %dma_start3A_626 = tpu.memref_slice %arg5[%dma_start3A_622, %dma_start3A_623, %dma_start3A_624, %dma_start3A_625] : memref<2x4x16x512xf32, #tpu.memory_space<vmem>> -> memref<1x1x16x512xf32, #tpu.memory_space<vmem>>
        %dma_start3A_627 = tpu.memref_squeeze %dma_start3A_626 : memref<1x1x16x512xf32, #tpu.memory_space<vmem>> -> memref<16x512xf32, #tpu.memory_space<vmem>>
        %dma_start3A_628 = arith.constant 0 : i32
        %dma_start3A_629 = tpu.memref_slice %arg2[%reduce_max3A_621, %mul3A_2, %dma_start3A_628] : memref<100x512x512xf32, #tpu.memory_space<hbm>> -> memref<1x16x512xf32, #tpu.memory_space<hbm>>
        %dma_start3A_630 = tpu.memref_squeeze %dma_start3A_629 : memref<1x16x512xf32, #tpu.memory_space<hbm>> -> memref<16x512xf32, #tpu.memory_space<hbm>>
        %dma_start3A_631 = arith.constant 0 : i32
        %dma_start3A_632 = arith.constant 0 : i32
        %dma_start3A_633 = tpu.memref_slice %arg5[%dma_start3A_622, %dma_start3A_623, %dma_start3A_631, %dma_start3A_632] : memref<2x4x16x512xf32, #tpu.memory_space<vmem>> -> memref<1x1x16x512xf32, #tpu.memory_space<vmem>>
        %dma_start3A_634 = tpu.memref_squeeze %dma_start3A_633 : memref<1x1x16x512xf32, #tpu.memory_space<vmem>> -> memref<16x512xf32, #tpu.memory_space<vmem>>
        %dma_start3A_635 = arith.constant 0 : i32
        %dma_start3A_636 = tpu.memref_slice %arg2[%reduce_max3A_621, %mul3A_2, %dma_start3A_635] : memref<100x512x512xf32, #tpu.memory_space<hbm>> -> memref<1x16x512xf32, #tpu.memory_space<hbm>>
        %dma_start3A_637 = tpu.memref_squeeze %dma_start3A_636 : memref<1x16x512xf32, #tpu.memory_space<hbm>> -> memref<16x512xf32, #tpu.memory_space<hbm>>
        tpu.enqueue_dma source(%dma_start3A_637 : memref<16x512xf32, #tpu.memory_space<hbm>>) target(%dma_start3A_634 : memref<16x512xf32, #tpu.memory_space<vmem>>) target_semaphore(%arg8 : memref<!tpu.dma_semaphore, #tpu.memory_space<semaphore_mem>>)
        %mul3A_638 = arith.constant 4 : i32
        %mul3A_639 = arith.muli %add3A_519, %mul3A_638 : i32
        %add3A_640 = arith.constant 2 : i32
        %add3A_641 = arith.addi %mul3A_639, %add3A_640 : i32
        %jit3A_642 = arith.constant 16 : i32
        %div3A_643 = arith.divsi %add3A_641, %jit3A_642 : i32
        %sign3A_644 = arith.constant 0 : i32
        %sign3A_645 = arith.cmpi sgt, %add3A_641, %sign3A_644 : i32
        %sign3A_646 = arith.extui %sign3A_645 : i1 to i32
        %sign3A_647 = arith.constant 0 : i32
        %sign3A_648 = arith.cmpi slt, %add3A_641, %sign3A_647 : i32
        %sign3A_649 = arith.extui %sign3A_648 : i1 to i32
        %sign3A_650 = arith.subi %sign3A_646, %sign3A_649 : i32
        %sign3A_651 = arith.constant 0 : i32
        %sign3A_652 = arith.cmpi sgt, %jit3A_642, %sign3A_651 : i32
        %sign3A_653 = arith.extui %sign3A_652 : i1 to i32
        %sign3A_654 = arith.constant 0 : i32
        %sign3A_655 = arith.cmpi slt, %jit3A_642, %sign3A_654 : i32
        %sign3A_656 = arith.extui %sign3A_655 : i1 to i32
        %sign3A_657 = arith.subi %sign3A_653, %sign3A_656 : i32
        %ne3A_658 = arith.cmpi ne, %sign3A_650, %sign3A_657 : i32
        %rem3A_659 = arith.remsi %add3A_641, %jit3A_642 : i32
        %ne3A_660 = arith.constant 0 : i32
        %ne3A_661 = arith.cmpi ne, %rem3A_659, %ne3A_660 : i32
        %and3A_662 = arith.andi %ne3A_658, %ne3A_661 : i1
        %sub3A_663 = arith.constant 1 : i32
        %sub3A_664 = arith.subi %div3A_643, %sub3A_663 : i32
        %select_n3A_665 = arith.select %and3A_662, %sub3A_664, %div3A_643 : i32
        %mul3A_666 = arith.constant 16 : i32
        %mul3A_667 = arith.muli %select_n3A_665, %mul3A_666 : i32
        %get3A_668 = arith.index_cast %mul3A_667 : i32 to index
        %get3A_669 = tpu.vector_load %arg7[%get3A_668] {strides = array<i32>} : memref<136xi32, #tpu.memory_space<vmem>>, vector<16xi32>,
        %sub3A_670 = arith.subi %add3A_641, %mul3A_667 : i32
        %broadcast_in_dim3A_671 = vector.broadcast %sub3A_670 : i32 to vector<16xi32>
        %eq3A_672 = arith.cmpi eq, %iota3A, %broadcast_in_dim3A_671 : vector<16xi32>
        %broadcast_in_dim3A_673 = arith.constant -1 : i32
        %broadcast_in_dim3A_674 = vector.broadcast %broadcast_in_dim3A_673 : i32 to vector<16xi32>
        %select_n3A_675 = arith.select %eq3A_672, %get3A_669, %broadcast_in_dim3A_674 : vector<16xi1>, vector<16xi32>
        %reduce_max3A_676 = arith.constant true
        %reduce_max3A_677 = vector.broadcast %reduce_max3A_676 : i1 to vector<16xi1>
        %reduce_max3A_678 = arith.constant -2147483648 : i32
        %reduce_max3A_679 = vector.broadcast %reduce_max3A_678 : i32 to vector<16xi32>
        %reduce_max3A_680 = arith.xori %select_n3A_675, %reduce_max3A_679 : vector<16xi32>
        %reduce_max3A_681 = tpu.scan <max>, %reduce_max3A_680 masked %reduce_max3A_677 : vector<16xi32>, vector<16xi1> -> vector<16xi32>
        %reduce_max3A_682 = arith.xori %reduce_max3A_681, %reduce_max3A_679 : vector<16xi32>
        %reduce_max3A_683 = vector.extract %reduce_max3A_682[15] : i32 from vector<16xi32>
        %dma_start3A_684 = arith.constant 0 : i32
        %dma_start3A_685 = arith.constant 2 : i32
        %dma_start3A_686 = arith.constant 0 : i32
        %dma_start3A_687 = arith.constant 0 : i32
        %dma_start3A_688 = tpu.memref_slice %arg5[%dma_start3A_684, %dma_start3A_685, %dma_start3A_686, %dma_start3A_687] : memref<2x4x16x512xf32, #tpu.memory_space<vmem>> -> memref<1x1x16x512xf32, #tpu.memory_space<vmem>>
        %dma_start3A_689 = tpu.memref_squeeze %dma_start3A_688 : memref<1x1x16x512xf32, #tpu.memory_space<vmem>> -> memref<16x512xf32, #tpu.memory_space<vmem>>
        %dma_start3A_690 = arith.constant 0 : i32
        %dma_start3A_691 = tpu.memref_slice %arg2[%reduce_max3A_683, %mul3A_2, %dma_start3A_690] : memref<100x512x512xf32, #tpu.memory_space<hbm>> -> memref<1x16x512xf32, #tpu.memory_space<hbm>>
        %dma_start3A_692 = tpu.memref_squeeze %dma_start3A_691 : memref<1x16x512xf32, #tpu.memory_space<hbm>> -> memref<16x512xf32, #tpu.memory_space<hbm>>
        %dma_start3A_693 = arith.constant 0 : i32
        %dma_start3A_694 = arith.constant 0 : i32
        %dma_start3A_695 = tpu.memref_slice %arg5[%dma_start3A_684, %dma_start3A_685, %dma_start3A_693, %dma_start3A_694] : memref<2x4x16x512xf32, #tpu.memory_space<vmem>> -> memref<1x1x16x512xf32, #tpu.memory_space<vmem>>
        %dma_start3A_696 = tpu.memref_squeeze %dma_start3A_695 : memref<1x1x16x512xf32, #tpu.memory_space<vmem>> -> memref<16x512xf32, #tpu.memory_space<vmem>>
        %dma_start3A_697 = arith.constant 0 : i32
        %dma_start3A_698 = tpu.memref_slice %arg2[%reduce_max3A_683, %mul3A_2, %dma_start3A_697] : memref<100x512x512xf32, #tpu.memory_space<hbm>> -> memref<1x16x512xf32, #tpu.memory_space<hbm>>
        %dma_start3A_699 = tpu.memref_squeeze %dma_start3A_698 : memref<1x16x512xf32, #tpu.memory_space<hbm>> -> memref<16x512xf32, #tpu.memory_space<hbm>>
        tpu.enqueue_dma source(%dma_start3A_699 : memref<16x512xf32, #tpu.memory_space<hbm>>) target(%dma_start3A_696 : memref<16x512xf32, #tpu.memory_space<vmem>>) target_semaphore(%arg8 : memref<!tpu.dma_semaphore, #tpu.memory_space<semaphore_mem>>)
        %mul3A_700 = arith.constant 4 : i32
        %mul3A_701 = arith.muli %add3A_519, %mul3A_700 : i32
        %add3A_702 = arith.constant 3 : i32
        %add3A_703 = arith.addi %mul3A_701, %add3A_702 : i32
        %jit3A_704 = arith.constant 16 : i32
        %div3A_705 = arith.divsi %add3A_703, %jit3A_704 : i32
        %sign3A_706 = arith.constant 0 : i32
        %sign3A_707 = arith.cmpi sgt, %add3A_703, %sign3A_706 : i32
        %sign3A_708 = arith.extui %sign3A_707 : i1 to i32
        %sign3A_709 = arith.constant 0 : i32
        %sign3A_710 = arith.cmpi slt, %add3A_703, %sign3A_709 : i32
        %sign3A_711 = arith.extui %sign3A_710 : i1 to i32
        %sign3A_712 = arith.subi %sign3A_708, %sign3A_711 : i32
        %sign3A_713 = arith.constant 0 : i32
        %sign3A_714 = arith.cmpi sgt, %jit3A_704, %sign3A_713 : i32
        %sign3A_715 = arith.extui %sign3A_714 : i1 to i32
        %sign3A_716 = arith.constant 0 : i32
        %sign3A_717 = arith.cmpi slt, %jit3A_704, %sign3A_716 : i32
        %sign3A_718 = arith.extui %sign3A_717 : i1 to i32
        %sign3A_719 = arith.subi %sign3A_715, %sign3A_718 : i32
        %ne3A_720 = arith.cmpi ne, %sign3A_712, %sign3A_719 : i32
        %rem3A_721 = arith.remsi %add3A_703, %jit3A_704 : i32
        %ne3A_722 = arith.constant 0 : i32
        %ne3A_723 = arith.cmpi ne, %rem3A_721, %ne3A_722 : i32
        %and3A_724 = arith.andi %ne3A_720, %ne3A_723 : i1
        %sub3A_725 = arith.constant 1 : i32
        %sub3A_726 = arith.subi %div3A_705, %sub3A_725 : i32
        %select_n3A_727 = arith.select %and3A_724, %sub3A_726, %div3A_705 : i32
        %mul3A_728 = arith.constant 16 : i32
        %mul3A_729 = arith.muli %select_n3A_727, %mul3A_728 : i32
        %get3A_730 = arith.index_cast %mul3A_729 : i32 to index
        %get3A_731 = tpu.vector_load %arg7[%get3A_730] {strides = array<i32>} : memref<136xi32, #tpu.memory_space<vmem>>, vector<16xi32>,
        %sub3A_732 = arith.subi %add3A_703, %mul3A_729 : i32
        %broadcast_in_dim3A_733 = vector.broadcast %sub3A_732 : i32 to vector<16xi32>
        %eq3A_734 = arith.cmpi eq, %iota3A, %broadcast_in_dim3A_733 : vector<16xi32>
        %broadcast_in_dim3A_735 = arith.constant -1 : i32
        %broadcast_in_dim3A_736 = vector.broadcast %broadcast_in_dim3A_735 : i32 to vector<16xi32>
        %select_n3A_737 = arith.select %eq3A_734, %get3A_731, %broadcast_in_dim3A_736 : vector<16xi1>, vector<16xi32>
        %reduce_max3A_738 = arith.constant true
        %reduce_max3A_739 = vector.broadcast %reduce_max3A_738 : i1 to vector<16xi1>
        %reduce_max3A_740 = arith.constant -2147483648 : i32
        %reduce_max3A_741 = vector.broadcast %reduce_max3A_740 : i32 to vector<16xi32>
        %reduce_max3A_742 = arith.xori %select_n3A_737, %reduce_max3A_741 : vector<16xi32>
        %reduce_max3A_743 = tpu.scan <max>, %reduce_max3A_742 masked %reduce_max3A_739 : vector<16xi32>, vector<16xi1> -> vector<16xi32>
        %reduce_max3A_744 = arith.xori %reduce_max3A_743, %reduce_max3A_741 : vector<16xi32>
        %reduce_max3A_745 = vector.extract %reduce_max3A_744[15] : i32 from vector<16xi32>
        %dma_start3A_746 = arith.constant 0 : i32
        %dma_start3A_747 = arith.constant 3 : i32
        %dma_start3A_748 = arith.constant 0 : i32
        %dma_start3A_749 = arith.constant 0 : i32
        %dma_start3A_750 = tpu.memref_slice %arg5[%dma_start3A_746, %dma_start3A_747, %dma_start3A_748, %dma_start3A_749] : memref<2x4x16x512xf32, #tpu.memory_space<vmem>> -> memref<1x1x16x512xf32, #tpu.memory_space<vmem>>
        %dma_start3A_751 = tpu.memref_squeeze %dma_start3A_750 : memref<1x1x16x512xf32, #tpu.memory_space<vmem>> -> memref<16x512xf32, #tpu.memory_space<vmem>>
        %dma_start3A_752 = arith.constant 0 : i32
        %dma_start3A_753 = tpu.memref_slice %arg2[%reduce_max3A_745, %mul3A_2, %dma_start3A_752] : memref<100x512x512xf32, #tpu.memory_space<hbm>> -> memref<1x16x512xf32, #tpu.memory_space<hbm>>
        %dma_start3A_754 = tpu.memref_squeeze %dma_start3A_753 : memref<1x16x512xf32, #tpu.memory_space<hbm>> -> memref<16x512xf32, #tpu.memory_space<hbm>>
        %dma_start3A_755 = arith.constant 0 : i32
        %dma_start3A_756 = arith.constant 0 : i32
        %dma_start3A_757 = tpu.memref_slice %arg5[%dma_start3A_746, %dma_start3A_747, %dma_start3A_755, %dma_start3A_756] : memref<2x4x16x512xf32, #tpu.memory_space<vmem>> -> memref<1x1x16x512xf32, #tpu.memory_space<vmem>>
        %dma_start3A_758 = tpu.memref_squeeze %dma_start3A_757 : memref<1x1x16x512xf32, #tpu.memory_space<vmem>> -> memref<16x512xf32, #tpu.memory_space<vmem>>
        %dma_start3A_759 = arith.constant 0 : i32
        %dma_start3A_760 = tpu.memref_slice %arg2[%reduce_max3A_745, %mul3A_2, %dma_start3A_759] : memref<100x512x512xf32, #tpu.memory_space<hbm>> -> memref<1x16x512xf32, #tpu.memory_space<hbm>>
        %dma_start3A_761 = tpu.memref_squeeze %dma_start3A_760 : memref<1x16x512xf32, #tpu.memory_space<hbm>> -> memref<16x512xf32, #tpu.memory_space<hbm>>
        tpu.enqueue_dma source(%dma_start3A_761 : memref<16x512xf32, #tpu.memory_space<hbm>>) target(%dma_start3A_758 : memref<16x512xf32, #tpu.memory_space<vmem>>) target_semaphore(%arg8 : memref<!tpu.dma_semaphore, #tpu.memory_space<semaphore_mem>>)
      } else {
      }
      %mul3A_400 = arith.constant 2 : i32
      %mul3A_401 = arith.muli %while3A_288, %mul3A_400 : i32
      %add3A_402 = arith.constant 1 : i32
      %add3A_403 = arith.addi %mul3A_401, %add3A_402 : i32
      %dma_wait3A_404 = arith.constant 0 : i32
      %dma_wait3A_405 = arith.constant 1 : i32
      %dma_wait3A_406 = arith.constant 0 : i32
      %dma_wait3A_407 = arith.constant 0 : i32
      %dma_wait3A_408 = arith.constant 0 : i32
      %dma_wait3A_409 = tpu.memref_slice %arg5[%dma_wait3A_405, %dma_wait3A_406, %dma_wait3A_407, %dma_wait3A_408] : memref<2x4x16x512xf32, #tpu.memory_space<vmem>> -> memref<1x1x16x512xf32, #tpu.memory_space<vmem>>
      %dma_wait3A_410 = tpu.memref_squeeze %dma_wait3A_409 : memref<1x1x16x512xf32, #tpu.memory_space<vmem>> -> memref<16x512xf32, #tpu.memory_space<vmem>>
      %dma_wait3A_411 = arith.constant 0 : i32
      %dma_wait3A_412 = tpu.memref_slice %arg2[%dma_wait3A_404, %mul3A_2, %dma_wait3A_411] : memref<100x512x512xf32, #tpu.memory_space<hbm>> -> memref<1x16x512xf32, #tpu.memory_space<hbm>>
      %dma_wait3A_413 = tpu.memref_squeeze %dma_wait3A_412 : memref<1x16x512xf32, #tpu.memory_space<hbm>> -> memref<16x512xf32, #tpu.memory_space<hbm>>
      %dma_wait3A_414 = arith.constant 0 : i32
      %dma_wait3A_415 = arith.constant 0 : i32
      %dma_wait3A_416 = tpu.memref_slice %arg5[%dma_wait3A_405, %dma_wait3A_406, %dma_wait3A_414, %dma_wait3A_415] : memref<2x4x16x512xf32, #tpu.memory_space<vmem>> -> memref<1x1x16x512xf32, #tpu.memory_space<vmem>>
      %dma_wait3A_417 = tpu.memref_squeeze %dma_wait3A_416 : memref<1x1x16x512xf32, #tpu.memory_space<vmem>> -> memref<16x512xf32, #tpu.memory_space<vmem>>
      %dma_wait3A_418 = arith.constant 0 : i32
      %dma_wait3A_419 = tpu.memref_slice %arg2[%dma_wait3A_404, %mul3A_2, %dma_wait3A_418] : memref<100x512x512xf32, #tpu.memory_space<hbm>> -> memref<1x16x512xf32, #tpu.memory_space<hbm>>
      %dma_wait3A_420 = tpu.memref_squeeze %dma_wait3A_419 : memref<1x16x512xf32, #tpu.memory_space<hbm>> -> memref<16x512xf32, #tpu.memory_space<hbm>>
      tpu.wait_dma2 semaphore(%arg9 : memref<!tpu.dma_semaphore, #tpu.memory_space<semaphore_mem>>) src(%dma_wait3A_420 : memref<16x512xf32, #tpu.memory_space<hbm>>) dst(%dma_wait3A_417 : memref<16x512xf32, #tpu.memory_space<vmem>>)
      %dma_wait3A_421 = arith.constant 0 : i32
      %dma_wait3A_422 = arith.constant 1 : i32
      %dma_wait3A_423 = arith.constant 1 : i32
      %dma_wait3A_424 = arith.constant 0 : i32
      %dma_wait3A_425 = arith.constant 0 : i32
      %dma_wait3A_426 = tpu.memref_slice %arg5[%dma_wait3A_422, %dma_wait3A_423, %dma_wait3A_424, %dma_wait3A_425] : memref<2x4x16x512xf32, #tpu.memory_space<vmem>> -> memref<1x1x16x512xf32, #tpu.memory_space<vmem>>
      %dma_wait3A_427 = tpu.memref_squeeze %dma_wait3A_426 : memref<1x1x16x512xf32, #tpu.memory_space<vmem>> -> memref<16x512xf32, #tpu.memory_space<vmem>>
      %dma_wait3A_428 = arith.constant 0 : i32
      %dma_wait3A_429 = tpu.memref_slice %arg2[%dma_wait3A_421, %mul3A_2, %dma_wait3A_428] : memref<100x512x512xf32, #tpu.memory_space<hbm>> -> memref<1x16x512xf32, #tpu.memory_space<hbm>>
      %dma_wait3A_430 = tpu.memref_squeeze %dma_wait3A_429 : memref<1x16x512xf32, #tpu.memory_space<hbm>> -> memref<16x512xf32, #tpu.memory_space<hbm>>
      %dma_wait3A_431 = arith.constant 0 : i32
      %dma_wait3A_432 = arith.constant 0 : i32
      %dma_wait3A_433 = tpu.memref_slice %arg5[%dma_wait3A_422, %dma_wait3A_423, %dma_wait3A_431, %dma_wait3A_432] : memref<2x4x16x512xf32, #tpu.memory_space<vmem>> -> memref<1x1x16x512xf32, #tpu.memory_space<vmem>>
      %dma_wait3A_434 = tpu.memref_squeeze %dma_wait3A_433 : memref<1x1x16x512xf32, #tpu.memory_space<vmem>> -> memref<16x512xf32, #tpu.memory_space<vmem>>
      %dma_wait3A_435 = arith.constant 0 : i32
      %dma_wait3A_436 = tpu.memref_slice %arg2[%dma_wait3A_421, %mul3A_2, %dma_wait3A_435] : memref<100x512x512xf32, #tpu.memory_space<hbm>> -> memref<1x16x512xf32, #tpu.memory_space<hbm>>
      %dma_wait3A_437 = tpu.memref_squeeze %dma_wait3A_436 : memref<1x16x512xf32, #tpu.memory_space<hbm>> -> memref<16x512xf32, #tpu.memory_space<hbm>>
      tpu.wait_dma2 semaphore(%arg9 : memref<!tpu.dma_semaphore, #tpu.memory_space<semaphore_mem>>) src(%dma_wait3A_437 : memref<16x512xf32, #tpu.memory_space<hbm>>) dst(%dma_wait3A_434 : memref<16x512xf32, #tpu.memory_space<vmem>>)
      %dma_wait3A_438 = arith.constant 0 : i32
      %dma_wait3A_439 = arith.constant 1 : i32
      %dma_wait3A_440 = arith.constant 2 : i32
      %dma_wait3A_441 = arith.constant 0 : i32
      %dma_wait3A_442 = arith.constant 0 : i32
      %dma_wait3A_443 = tpu.memref_slice %arg5[%dma_wait3A_439, %dma_wait3A_440, %dma_wait3A_441, %dma_wait3A_442] : memref<2x4x16x512xf32, #tpu.memory_space<vmem>> -> memref<1x1x16x512xf32, #tpu.memory_space<vmem>>
      %dma_wait3A_444 = tpu.memref_squeeze %dma_wait3A_443 : memref<1x1x16x512xf32, #tpu.memory_space<vmem>> -> memref<16x512xf32, #tpu.memory_space<vmem>>
      %dma_wait3A_445 = arith.constant 0 : i32
      %dma_wait3A_446 = tpu.memref_slice %arg2[%dma_wait3A_438, %mul3A_2, %dma_wait3A_445] : memref<100x512x512xf32, #tpu.memory_space<hbm>> -> memref<1x16x512xf32, #tpu.memory_space<hbm>>
      %dma_wait3A_447 = tpu.memref_squeeze %dma_wait3A_446 : memref<1x16x512xf32, #tpu.memory_space<hbm>> -> memref<16x512xf32, #tpu.memory_space<hbm>>
      %dma_wait3A_448 = arith.constant 0 : i32
      %dma_wait3A_449 = arith.constant 0 : i32
      %dma_wait3A_450 = tpu.memref_slice %arg5[%dma_wait3A_439, %dma_wait3A_440, %dma_wait3A_448, %dma_wait3A_449] : memref<2x4x16x512xf32, #tpu.memory_space<vmem>> -> memref<1x1x16x512xf32, #tpu.memory_space<vmem>>
      %dma_wait3A_451 = tpu.memref_squeeze %dma_wait3A_450 : memref<1x1x16x512xf32, #tpu.memory_space<vmem>> -> memref<16x512xf32, #tpu.memory_space<vmem>>
      %dma_wait3A_452 = arith.constant 0 : i32
      %dma_wait3A_453 = tpu.memref_slice %arg2[%dma_wait3A_438, %mul3A_2, %dma_wait3A_452] : memref<100x512x512xf32, #tpu.memory_space<hbm>> -> memref<1x16x512xf32, #tpu.memory_space<hbm>>
      %dma_wait3A_454 = tpu.memref_squeeze %dma_wait3A_453 : memref<1x16x512xf32, #tpu.memory_space<hbm>> -> memref<16x512xf32, #tpu.memory_space<hbm>>
      tpu.wait_dma2 semaphore(%arg9 : memref<!tpu.dma_semaphore, #tpu.memory_space<semaphore_mem>>) src(%dma_wait3A_454 : memref<16x512xf32, #tpu.memory_space<hbm>>) dst(%dma_wait3A_451 : memref<16x512xf32, #tpu.memory_space<vmem>>)
      %dma_wait3A_455 = arith.constant 0 : i32
      %dma_wait3A_456 = arith.constant 1 : i32
      %dma_wait3A_457 = arith.constant 3 : i32
      %dma_wait3A_458 = arith.constant 0 : i32
      %dma_wait3A_459 = arith.constant 0 : i32
      %dma_wait3A_460 = tpu.memref_slice %arg5[%dma_wait3A_456, %dma_wait3A_457, %dma_wait3A_458, %dma_wait3A_459] : memref<2x4x16x512xf32, #tpu.memory_space<vmem>> -> memref<1x1x16x512xf32, #tpu.memory_space<vmem>>
      %dma_wait3A_461 = tpu.memref_squeeze %dma_wait3A_460 : memref<1x1x16x512xf32, #tpu.memory_space<vmem>> -> memref<16x512xf32, #tpu.memory_space<vmem>>
      %dma_wait3A_462 = arith.constant 0 : i32
      %dma_wait3A_463 = tpu.memref_slice %arg2[%dma_wait3A_455, %mul3A_2, %dma_wait3A_462] : memref<100x512x512xf32, #tpu.memory_space<hbm>> -> memref<1x16x512xf32, #tpu.memory_space<hbm>>
      %dma_wait3A_464 = tpu.memref_squeeze %dma_wait3A_463 : memref<1x16x512xf32, #tpu.memory_space<hbm>> -> memref<16x512xf32, #tpu.memory_space<hbm>>
      %dma_wait3A_465 = arith.constant 0 : i32
      %dma_wait3A_466 = arith.constant 0 : i32
      %dma_wait3A_467 = tpu.memref_slice %arg5[%dma_wait3A_456, %dma_wait3A_457, %dma_wait3A_465, %dma_wait3A_466] : memref<2x4x16x512xf32, #tpu.memory_space<vmem>> -> memref<1x1x16x512xf32, #tpu.memory_space<vmem>>
      %dma_wait3A_468 = tpu.memref_squeeze %dma_wait3A_467 : memref<1x1x16x512xf32, #tpu.memory_space<vmem>> -> memref<16x512xf32, #tpu.memory_space<vmem>>
      %dma_wait3A_469 = arith.constant 0 : i32
      %dma_wait3A_470 = tpu.memref_slice %arg2[%dma_wait3A_455, %mul3A_2, %dma_wait3A_469] : memref<100x512x512xf32, #tpu.memory_space<hbm>> -> memref<1x16x512xf32, #tpu.memory_space<hbm>>
      %dma_wait3A_471 = tpu.memref_squeeze %dma_wait3A_470 : memref<1x16x512xf32, #tpu.memory_space<hbm>> -> memref<16x512xf32, #tpu.memory_space<hbm>>
      tpu.wait_dma2 semaphore(%arg9 : memref<!tpu.dma_semaphore, #tpu.memory_space<semaphore_mem>>) src(%dma_wait3A_471 : memref<16x512xf32, #tpu.memory_space<hbm>>) dst(%dma_wait3A_468 : memref<16x512xf32, #tpu.memory_space<vmem>>)
      %mul3A_472 = arith.constant 4 : i32
      %mul3A_473 = arith.muli %add3A_403, %mul3A_472 : i32
      %add3A_474 = arith.constant 0 : i32
      %add3A_475 = arith.addi %mul3A_473, %add3A_474 : i32
      %lt3A_476 = arith.cmpi slt, %add3A_475, %reduce_max3A_20 : i32
      %jit3A_477 = arith.constant 1.000000e+00 : f32
      %jit3A_478 = arith.constant 0.000000e+00 : f32
      %select_n3A_479 = arith.select %lt3A_476, %jit3A_477, %jit3A_478 : f32
      %broadcast_in_dim3A_480 = vector.broadcast %select_n3A_479 : f32 to vector<16xf32>
      %mul3A_481 = arith.constant 4 : i32
      %mul3A_482 = arith.muli %add3A_403, %mul3A_481 : i32
      %add3A_483 = arith.constant 1 : i32
      %add3A_484 = arith.addi %mul3A_482, %add3A_483 : i32
      %lt3A_485 = arith.cmpi slt, %add3A_484, %reduce_max3A_20 : i32
      %jit3A_486 = arith.constant 1.000000e+00 : f32
      %jit3A_487 = arith.constant 0.000000e+00 : f32
      %select_n3A_488 = arith.select %lt3A_485, %jit3A_486, %jit3A_487 : f32
      %broadcast_in_dim3A_489 = vector.broadcast %select_n3A_488 : f32 to vector<16xf32>
      %mul3A_490 = arith.constant 4 : i32
      %mul3A_491 = arith.muli %add3A_403, %mul3A_490 : i32
      %add3A_492 = arith.constant 2 : i32
      %add3A_493 = arith.addi %mul3A_491, %add3A_492 : i32
      %lt3A_494 = arith.cmpi slt, %add3A_493, %reduce_max3A_20 : i32
      %jit3A_495 = arith.constant 1.000000e+00 : f32
      %jit3A_496 = arith.constant 0.000000e+00 : f32
      %select_n3A_497 = arith.select %lt3A_494, %jit3A_495, %jit3A_496 : f32
      %broadcast_in_dim3A_498 = vector.broadcast %select_n3A_497 : f32 to vector<16xf32>
      %mul3A_499 = arith.constant 4 : i32
      %mul3A_500 = arith.muli %add3A_403, %mul3A_499 : i32
      %add3A_501 = arith.constant 3 : i32
      %add3A_502 = arith.addi %mul3A_500, %add3A_501 : i32
      %lt3A_503 = arith.cmpi slt, %add3A_502, %reduce_max3A_20 : i32
      %jit3A_504 = arith.constant 1.000000e+00 : f32
      %jit3A_505 = arith.constant 0.000000e+00 : f32
      %select_n3A_506 = arith.select %lt3A_503, %jit3A_504, %jit3A_505 : f32
      %broadcast_in_dim3A_507 = vector.broadcast %select_n3A_506 : f32 to vector<16xf32>
      %parallel_loop3A_508 = arith.constant 0 : i32
      %parallel_loop3A_509 = arith.constant 512 : i32
      %parallel_loop3A_510 = arith.constant 1 : i32
      scf.for %parallel_loop3A_518 = %parallel_loop3A_508 to %parallel_loop3A_509 step %parallel_loop3A_510  : i32 {
        %parallel_loop3A_519 = arith.constant 32 : i32
        %parallel_loop3A_520 = arith.divsi %parallel_loop3A_518, %parallel_loop3A_519 : i32
        %parallel_loop3A_521 = arith.constant 0 : i32
        %parallel_loop3A_522 = arith.cmpi sgt, %parallel_loop3A_518, %parallel_loop3A_521 : i32
        %parallel_loop3A_523 = arith.extui %parallel_loop3A_522 : i1 to i32
        %parallel_loop3A_524 = arith.constant 0 : i32
        %parallel_loop3A_525 = arith.cmpi slt, %parallel_loop3A_518, %parallel_loop3A_524 : i32
        %parallel_loop3A_526 = arith.extui %parallel_loop3A_525 : i1 to i32
        %parallel_loop3A_527 = arith.subi %parallel_loop3A_523, %parallel_loop3A_526 : i32
        %parallel_loop3A_528 = arith.constant 0 : i32
        %parallel_loop3A_529 = arith.cmpi sgt, %parallel_loop3A_519, %parallel_loop3A_528 : i32
        %parallel_loop3A_530 = arith.extui %parallel_loop3A_529 : i1 to i32
        %parallel_loop3A_531 = arith.constant 0 : i32
        %parallel_loop3A_532 = arith.cmpi slt, %parallel_loop3A_519, %parallel_loop3A_531 : i32
        %parallel_loop3A_533 = arith.extui %parallel_loop3A_532 : i1 to i32
        %parallel_loop3A_534 = arith.subi %parallel_loop3A_530, %parallel_loop3A_533 : i32
        %parallel_loop3A_535 = arith.cmpi ne, %parallel_loop3A_527, %parallel_loop3A_534 : i32
        %parallel_loop3A_536 = arith.remsi %parallel_loop3A_518, %parallel_loop3A_519 : i32
        %parallel_loop3A_537 = arith.constant 0 : i32
        %parallel_loop3A_538 = arith.cmpi ne, %parallel_loop3A_536, %parallel_loop3A_537 : i32
        %parallel_loop3A_539 = arith.andi %parallel_loop3A_535, %parallel_loop3A_538 : i1
        %parallel_loop3A_540 = arith.constant 1 : i32
        %parallel_loop3A_541 = arith.subi %parallel_loop3A_520, %parallel_loop3A_540 : i32
        %parallel_loop3A_542 = arith.select %parallel_loop3A_539, %parallel_loop3A_541, %parallel_loop3A_520 : i32
        %parallel_loop3A_543 = arith.constant 32 : i32
        %parallel_loop3A_544 = arith.constant 0 : i32
        %parallel_loop3A_545 = arith.cmpi eq, %parallel_loop3A_543, %parallel_loop3A_544 : i32
        %parallel_loop3A_546 = arith.constant 1 : i32
        %parallel_loop3A_547 = arith.select %parallel_loop3A_545, %parallel_loop3A_546, %parallel_loop3A_543 : i32
        %parallel_loop3A_548 = arith.remsi %parallel_loop3A_518, %parallel_loop3A_547 : i32
        %parallel_loop3A_549 = arith.constant 0 : i32
        %parallel_loop3A_550 = arith.cmpi ne, %parallel_loop3A_548, %parallel_loop3A_549 : i32
        %parallel_loop3A_551 = arith.constant 0 : i32
        %parallel_loop3A_552 = arith.cmpi slt, %parallel_loop3A_548, %parallel_loop3A_551 : i32
        %parallel_loop3A_553 = arith.constant 0 : i32
        %parallel_loop3A_554 = arith.cmpi slt, %parallel_loop3A_547, %parallel_loop3A_553 : i32
        %parallel_loop3A_555 = arith.xori %parallel_loop3A_552, %parallel_loop3A_554 : i1
        %parallel_loop3A_556 = arith.andi %parallel_loop3A_555, %parallel_loop3A_550 : i1
        %parallel_loop3A_557 = arith.addi %parallel_loop3A_548, %parallel_loop3A_547 : i32
        %parallel_loop3A_558 = arith.select %parallel_loop3A_556, %parallel_loop3A_557, %parallel_loop3A_548 : i32
        %parallel_loop3A_559 = arith.constant 16 : i32
        %parallel_loop3A_560 = arith.muli %parallel_loop3A_558, %parallel_loop3A_559 : i32
        %parallel_loop3A_561 = arith.index_cast %parallel_loop3A_542 : i32 to index
        %parallel_loop3A_562 = arith.index_cast %parallel_loop3A_560 : i32 to index
        %parallel_loop3A_563 = tpu.vector_load %arg6[%parallel_loop3A_561, %parallel_loop3A_562] {strides = array<i32>} : memref<16x512xf32, #tpu.memory_space<vmem>>, vector<16xf32>,
        %parallel_loop3A_564 = arith.constant 1 : i32
        %parallel_loop3A_565 = arith.constant 0 : i32
        %parallel_loop3A_566 = arith.index_cast %parallel_loop3A_564 : i32 to index
        %parallel_loop3A_567 = arith.index_cast %parallel_loop3A_565 : i32 to index
        %parallel_loop3A_568 = arith.index_cast %parallel_loop3A_542 : i32 to index
        %parallel_loop3A_569 = arith.index_cast %parallel_loop3A_560 : i32 to index
        %parallel_loop3A_570 = tpu.vector_load %arg5[%parallel_loop3A_566, %parallel_loop3A_567, %parallel_loop3A_568, %parallel_loop3A_569] {strides = array<i32>} : memref<2x4x16x512xf32, #tpu.memory_space<vmem>>, vector<16xf32>,
        %parallel_loop3A_571 = arith.mulf %broadcast_in_dim3A_480, %parallel_loop3A_570 : vector<16xf32>
        %parallel_loop3A_572 = arith.constant 1 : i32
        %parallel_loop3A_573 = arith.constant 1 : i32
        %parallel_loop3A_574 = arith.index_cast %parallel_loop3A_572 : i32 to index
        %parallel_loop3A_575 = arith.index_cast %parallel_loop3A_573 : i32 to index
        %parallel_loop3A_576 = arith.index_cast %parallel_loop3A_542 : i32 to index
        %parallel_loop3A_577 = arith.index_cast %parallel_loop3A_560 : i32 to index
        %parallel_loop3A_578 = tpu.vector_load %arg5[%parallel_loop3A_574, %parallel_loop3A_575, %parallel_loop3A_576, %parallel_loop3A_577] {strides = array<i32>} : memref<2x4x16x512xf32, #tpu.memory_space<vmem>>, vector<16xf32>,
        %parallel_loop3A_579 = arith.mulf %broadcast_in_dim3A_489, %parallel_loop3A_578 : vector<16xf32>
        %parallel_loop3A_580 = arith.addf %parallel_loop3A_571, %parallel_loop3A_579 : vector<16xf32>
        %parallel_loop3A_581 = arith.addf %parallel_loop3A_563, %parallel_loop3A_580 : vector<16xf32>
        %parallel_loop3A_582 = arith.constant 1 : i32
        %parallel_loop3A_583 = arith.constant 2 : i32
        %parallel_loop3A_584 = arith.index_cast %parallel_loop3A_582 : i32 to index
        %parallel_loop3A_585 = arith.index_cast %parallel_loop3A_583 : i32 to index
        %parallel_loop3A_586 = arith.index_cast %parallel_loop3A_542 : i32 to index
        %parallel_loop3A_587 = arith.index_cast %parallel_loop3A_560 : i32 to index
        %parallel_loop3A_588 = tpu.vector_load %arg5[%parallel_loop3A_584, %parallel_loop3A_585, %parallel_loop3A_586, %parallel_loop3A_587] {strides = array<i32>} : memref<2x4x16x512xf32, #tpu.memory_space<vmem>>, vector<16xf32>,
        %parallel_loop3A_589 = arith.mulf %broadcast_in_dim3A_498, %parallel_loop3A_588 : vector<16xf32>
        %parallel_loop3A_590 = arith.constant 1 : i32
        %parallel_loop3A_591 = arith.constant 3 : i32
        %parallel_loop3A_592 = arith.index_cast %parallel_loop3A_590 : i32 to index
        %parallel_loop3A_593 = arith.index_cast %parallel_loop3A_591 : i32 to index
        %parallel_loop3A_594 = arith.index_cast %parallel_loop3A_542 : i32 to index
        %parallel_loop3A_595 = arith.index_cast %parallel_loop3A_560 : i32 to index
        %parallel_loop3A_596 = tpu.vector_load %arg5[%parallel_loop3A_592, %parallel_loop3A_593, %parallel_loop3A_594, %parallel_loop3A_595] {strides = array<i32>} : memref<2x4x16x512xf32, #tpu.memory_space<vmem>>, vector<16xf32>,
        %parallel_loop3A_597 = arith.mulf %broadcast_in_dim3A_507, %parallel_loop3A_596 : vector<16xf32>
        %parallel_loop3A_598 = arith.addf %parallel_loop3A_589, %parallel_loop3A_597 : vector<16xf32>
        %parallel_loop3A_599 = arith.addf %parallel_loop3A_581, %parallel_loop3A_598 : vector<16xf32>
        %parallel_loop3A_600 = arith.index_cast %parallel_loop3A_542 : i32 to index
        %parallel_loop3A_601 = arith.index_cast %parallel_loop3A_560 : i32 to index
        %parallel_loop3A_602 = tpu.vector_load %arg6[%parallel_loop3A_600, %parallel_loop3A_601] {strides = array<i32>} : memref<16x512xf32, #tpu.memory_space<vmem>>, vector<16xf32>,
        tpu.vector_store %arg6[%parallel_loop3A_600, %parallel_loop3A_601], %parallel_loop3A_599 {strides = array<i32>} : memref<16x512xf32, #tpu.memory_space<vmem>>, vector<16xf32>,
      } {sc.loop_unroll_factor = 4 : i64, sc.parallel_access}
      %add3A_511 = arith.constant 2 : i32
      %add3A_512 = arith.addi %add3A_403, %add3A_511 : i32
      %lt3A_513 = arith.cmpi slt, %add3A_512, %mul3A_22 : i32
      %convert_element_type3A_514 = arith.extui %lt3A_513 : i1 to i32
      %cond3A_515 = arith.constant 0 : i32
      %cond3A_516 = arith.cmpi ne, %convert_element_type3A_514, %cond3A_515 : i32
      scf.if %cond3A_516 {
        %add3A_518 = arith.constant 2 : i32
        %add3A_519 = arith.addi %add3A_403, %add3A_518 : i32
        %mul3A_520 = arith.constant 4 : i32
        %mul3A_521 = arith.muli %add3A_519, %mul3A_520 : i32
        %add3A_522 = arith.constant 0 : i32
        %add3A_523 = arith.addi %mul3A_521, %add3A_522 : i32
        %jit3A_524 = arith.constant 16 : i32
        %div3A = arith.divsi %add3A_523, %jit3A_524 : i32
        %sign3A = arith.constant 0 : i32
        %sign3A_525 = arith.cmpi sgt, %add3A_523, %sign3A : i32
        %sign3A_526 = arith.extui %sign3A_525 : i1 to i32
        %sign3A_527 = arith.constant 0 : i32
        %sign3A_528 = arith.cmpi slt, %add3A_523, %sign3A_527 : i32
        %sign3A_529 = arith.extui %sign3A_528 : i1 to i32
        %sign3A_530 = arith.subi %sign3A_526, %sign3A_529 : i32
        %sign3A_531 = arith.constant 0 : i32
        %sign3A_532 = arith.cmpi sgt, %jit3A_524, %sign3A_531 : i32
        %sign3A_533 = arith.extui %sign3A_532 : i1 to i32
        %sign3A_534 = arith.constant 0 : i32
        %sign3A_535 = arith.cmpi slt, %jit3A_524, %sign3A_534 : i32
        %sign3A_536 = arith.extui %sign3A_535 : i1 to i32
        %sign3A_537 = arith.subi %sign3A_533, %sign3A_536 : i32
        %ne3A = arith.cmpi ne, %sign3A_530, %sign3A_537 : i32
        %rem3A = arith.remsi %add3A_523, %jit3A_524 : i32
        %ne3A_538 = arith.constant 0 : i32
        %ne3A_539 = arith.cmpi ne, %rem3A, %ne3A_538 : i32
        %and3A = arith.andi %ne3A, %ne3A_539 : i1
        %sub3A = arith.constant 1 : i32
        %sub3A_540 = arith.subi %div3A, %sub3A : i32
        %select_n3A_541 = arith.select %and3A, %sub3A_540, %div3A : i32
        %mul3A_542 = arith.constant 16 : i32
        %mul3A_543 = arith.muli %select_n3A_541, %mul3A_542 : i32
        %get3A_544 = arith.index_cast %mul3A_543 : i32 to index
        %get3A_545 = tpu.vector_load %arg7[%get3A_544] {strides = array<i32>} : memref<136xi32, #tpu.memory_space<vmem>>, vector<16xi32>,
        %sub3A_546 = arith.subi %add3A_523, %mul3A_543 : i32
        %broadcast_in_dim3A_547 = vector.broadcast %sub3A_546 : i32 to vector<16xi32>
        %eq3A_548 = arith.cmpi eq, %iota3A, %broadcast_in_dim3A_547 : vector<16xi32>
        %broadcast_in_dim3A_549 = arith.constant -1 : i32
        %broadcast_in_dim3A_550 = vector.broadcast %broadcast_in_dim3A_549 : i32 to vector<16xi32>
        %select_n3A_551 = arith.select %eq3A_548, %get3A_545, %broadcast_in_dim3A_550 : vector<16xi1>, vector<16xi32>
        %reduce_max3A_552 = arith.constant true
        %reduce_max3A_553 = vector.broadcast %reduce_max3A_552 : i1 to vector<16xi1>
        %reduce_max3A_554 = arith.constant -2147483648 : i32
        %reduce_max3A_555 = vector.broadcast %reduce_max3A_554 : i32 to vector<16xi32>
        %reduce_max3A_556 = arith.xori %select_n3A_551, %reduce_max3A_555 : vector<16xi32>
        %reduce_max3A_557 = tpu.scan <max>, %reduce_max3A_556 masked %reduce_max3A_553 : vector<16xi32>, vector<16xi1> -> vector<16xi32>
        %reduce_max3A_558 = arith.xori %reduce_max3A_557, %reduce_max3A_555 : vector<16xi32>
        %reduce_max3A_559 = vector.extract %reduce_max3A_558[15] : i32 from vector<16xi32>
        %dma_start3A_560 = arith.constant 1 : i32
        %dma_start3A_561 = arith.constant 0 : i32
        %dma_start3A_562 = arith.constant 0 : i32
        %dma_start3A_563 = arith.constant 0 : i32
        %dma_start3A_564 = tpu.memref_slice %arg5[%dma_start3A_560, %dma_start3A_561, %dma_start3A_562, %dma_start3A_563] : memref<2x4x16x512xf32, #tpu.memory_space<vmem>> -> memref<1x1x16x512xf32, #tpu.memory_space<vmem>>
        %dma_start3A_565 = tpu.memref_squeeze %dma_start3A_564 : memref<1x1x16x512xf32, #tpu.memory_space<vmem>> -> memref<16x512xf32, #tpu.memory_space<vmem>>
        %dma_start3A_566 = arith.constant 0 : i32
        %dma_start3A_567 = tpu.memref_slice %arg2[%reduce_max3A_559, %mul3A_2, %dma_start3A_566] : memref<100x512x512xf32, #tpu.memory_space<hbm>> -> memref<1x16x512xf32, #tpu.memory_space<hbm>>
        %dma_start3A_568 = tpu.memref_squeeze %dma_start3A_567 : memref<1x16x512xf32, #tpu.memory_space<hbm>> -> memref<16x512xf32, #tpu.memory_space<hbm>>
        %dma_start3A_569 = arith.constant 0 : i32
        %dma_start3A_570 = arith.constant 0 : i32
        %dma_start3A_571 = tpu.memref_slice %arg5[%dma_start3A_560, %dma_start3A_561, %dma_start3A_569, %dma_start3A_570] : memref<2x4x16x512xf32, #tpu.memory_space<vmem>> -> memref<1x1x16x512xf32, #tpu.memory_space<vmem>>
        %dma_start3A_572 = tpu.memref_squeeze %dma_start3A_571 : memref<1x1x16x512xf32, #tpu.memory_space<vmem>> -> memref<16x512xf32, #tpu.memory_space<vmem>>
        %dma_start3A_573 = arith.constant 0 : i32
        %dma_start3A_574 = tpu.memref_slice %arg2[%reduce_max3A_559, %mul3A_2, %dma_start3A_573] : memref<100x512x512xf32, #tpu.memory_space<hbm>> -> memref<1x16x512xf32, #tpu.memory_space<hbm>>
        %dma_start3A_575 = tpu.memref_squeeze %dma_start3A_574 : memref<1x16x512xf32, #tpu.memory_space<hbm>> -> memref<16x512xf32, #tpu.memory_space<hbm>>
        tpu.enqueue_dma source(%dma_start3A_575 : memref<16x512xf32, #tpu.memory_space<hbm>>) target(%dma_start3A_572 : memref<16x512xf32, #tpu.memory_space<vmem>>) target_semaphore(%arg9 : memref<!tpu.dma_semaphore, #tpu.memory_space<semaphore_mem>>)
        %mul3A_576 = arith.constant 4 : i32
        %mul3A_577 = arith.muli %add3A_519, %mul3A_576 : i32
        %add3A_578 = arith.constant 1 : i32
        %add3A_579 = arith.addi %mul3A_577, %add3A_578 : i32
        %jit3A_580 = arith.constant 16 : i32
        %div3A_581 = arith.divsi %add3A_579, %jit3A_580 : i32
        %sign3A_582 = arith.constant 0 : i32
        %sign3A_583 = arith.cmpi sgt, %add3A_579, %sign3A_582 : i32
        %sign3A_584 = arith.extui %sign3A_583 : i1 to i32
        %sign3A_585 = arith.constant 0 : i32
        %sign3A_586 = arith.cmpi slt, %add3A_579, %sign3A_585 : i32
        %sign3A_587 = arith.extui %sign3A_586 : i1 to i32
        %sign3A_588 = arith.subi %sign3A_584, %sign3A_587 : i32
        %sign3A_589 = arith.constant 0 : i32
        %sign3A_590 = arith.cmpi sgt, %jit3A_580, %sign3A_589 : i32
        %sign3A_591 = arith.extui %sign3A_590 : i1 to i32
        %sign3A_592 = arith.constant 0 : i32
        %sign3A_593 = arith.cmpi slt, %jit3A_580, %sign3A_592 : i32
        %sign3A_594 = arith.extui %sign3A_593 : i1 to i32
        %sign3A_595 = arith.subi %sign3A_591, %sign3A_594 : i32
        %ne3A_596 = arith.cmpi ne, %sign3A_588, %sign3A_595 : i32
        %rem3A_597 = arith.remsi %add3A_579, %jit3A_580 : i32
        %ne3A_598 = arith.constant 0 : i32
        %ne3A_599 = arith.cmpi ne, %rem3A_597, %ne3A_598 : i32
        %and3A_600 = arith.andi %ne3A_596, %ne3A_599 : i1
        %sub3A_601 = arith.constant 1 : i32
        %sub3A_602 = arith.subi %div3A_581, %sub3A_601 : i32
        %select_n3A_603 = arith.select %and3A_600, %sub3A_602, %div3A_581 : i32
        %mul3A_604 = arith.constant 16 : i32
        %mul3A_605 = arith.muli %select_n3A_603, %mul3A_604 : i32
        %get3A_606 = arith.index_cast %mul3A_605 : i32 to index
        %get3A_607 = tpu.vector_load %arg7[%get3A_606] {strides = array<i32>} : memref<136xi32, #tpu.memory_space<vmem>>, vector<16xi32>,
        %sub3A_608 = arith.subi %add3A_579, %mul3A_605 : i32
        %broadcast_in_dim3A_609 = vector.broadcast %sub3A_608 : i32 to vector<16xi32>
        %eq3A_610 = arith.cmpi eq, %iota3A, %broadcast_in_dim3A_609 : vector<16xi32>
        %broadcast_in_dim3A_611 = arith.constant -1 : i32
        %broadcast_in_dim3A_612 = vector.broadcast %broadcast_in_dim3A_611 : i32 to vector<16xi32>
        %select_n3A_613 = arith.select %eq3A_610, %get3A_607, %broadcast_in_dim3A_612 : vector<16xi1>, vector<16xi32>
        %reduce_max3A_614 = arith.constant true
        %reduce_max3A_615 = vector.broadcast %reduce_max3A_614 : i1 to vector<16xi1>
        %reduce_max3A_616 = arith.constant -2147483648 : i32
        %reduce_max3A_617 = vector.broadcast %reduce_max3A_616 : i32 to vector<16xi32>
        %reduce_max3A_618 = arith.xori %select_n3A_613, %reduce_max3A_617 : vector<16xi32>
        %reduce_max3A_619 = tpu.scan <max>, %reduce_max3A_618 masked %reduce_max3A_615 : vector<16xi32>, vector<16xi1> -> vector<16xi32>
        %reduce_max3A_620 = arith.xori %reduce_max3A_619, %reduce_max3A_617 : vector<16xi32>
        %reduce_max3A_621 = vector.extract %reduce_max3A_620[15] : i32 from vector<16xi32>
        %dma_start3A_622 = arith.constant 1 : i32
        %dma_start3A_623 = arith.constant 1 : i32
        %dma_start3A_624 = arith.constant 0 : i32
        %dma_start3A_625 = arith.constant 0 : i32
        %dma_start3A_626 = tpu.memref_slice %arg5[%dma_start3A_622, %dma_start3A_623, %dma_start3A_624, %dma_start3A_625] : memref<2x4x16x512xf32, #tpu.memory_space<vmem>> -> memref<1x1x16x512xf32, #tpu.memory_space<vmem>>
        %dma_start3A_627 = tpu.memref_squeeze %dma_start3A_626 : memref<1x1x16x512xf32, #tpu.memory_space<vmem>> -> memref<16x512xf32, #tpu.memory_space<vmem>>
        %dma_start3A_628 = arith.constant 0 : i32
        %dma_start3A_629 = tpu.memref_slice %arg2[%reduce_max3A_621, %mul3A_2, %dma_start3A_628] : memref<100x512x512xf32, #tpu.memory_space<hbm>> -> memref<1x16x512xf32, #tpu.memory_space<hbm>>
        %dma_start3A_630 = tpu.memref_squeeze %dma_start3A_629 : memref<1x16x512xf32, #tpu.memory_space<hbm>> -> memref<16x512xf32, #tpu.memory_space<hbm>>
        %dma_start3A_631 = arith.constant 0 : i32
        %dma_start3A_632 = arith.constant 0 : i32
        %dma_start3A_633 = tpu.memref_slice %arg5[%dma_start3A_622, %dma_start3A_623, %dma_start3A_631, %dma_start3A_632] : memref<2x4x16x512xf32, #tpu.memory_space<vmem>> -> memref<1x1x16x512xf32, #tpu.memory_space<vmem>>
        %dma_start3A_634 = tpu.memref_squeeze %dma_start3A_633 : memref<1x1x16x512xf32, #tpu.memory_space<vmem>> -> memref<16x512xf32, #tpu.memory_space<vmem>>
        %dma_start3A_635 = arith.constant 0 : i32
        %dma_start3A_636 = tpu.memref_slice %arg2[%reduce_max3A_621, %mul3A_2, %dma_start3A_635] : memref<100x512x512xf32, #tpu.memory_space<hbm>> -> memref<1x16x512xf32, #tpu.memory_space<hbm>>
        %dma_start3A_637 = tpu.memref_squeeze %dma_start3A_636 : memref<1x16x512xf32, #tpu.memory_space<hbm>> -> memref<16x512xf32, #tpu.memory_space<hbm>>
        tpu.enqueue_dma source(%dma_start3A_637 : memref<16x512xf32, #tpu.memory_space<hbm>>) target(%dma_start3A_634 : memref<16x512xf32, #tpu.memory_space<vmem>>) target_semaphore(%arg9 : memref<!tpu.dma_semaphore, #tpu.memory_space<semaphore_mem>>)
        %mul3A_638 = arith.constant 4 : i32
        %mul3A_639 = arith.muli %add3A_519, %mul3A_638 : i32
        %add3A_640 = arith.constant 2 : i32
        %add3A_641 = arith.addi %mul3A_639, %add3A_640 : i32
        %jit3A_642 = arith.constant 16 : i32
        %div3A_643 = arith.divsi %add3A_641, %jit3A_642 : i32
        %sign3A_644 = arith.constant 0 : i32
        %sign3A_645 = arith.cmpi sgt, %add3A_641, %sign3A_644 : i32
        %sign3A_646 = arith.extui %sign3A_645 : i1 to i32
        %sign3A_647 = arith.constant 0 : i32
        %sign3A_648 = arith.cmpi slt, %add3A_641, %sign3A_647 : i32
        %sign3A_649 = arith.extui %sign3A_648 : i1 to i32
        %sign3A_650 = arith.subi %sign3A_646, %sign3A_649 : i32
        %sign3A_651 = arith.constant 0 : i32
        %sign3A_652 = arith.cmpi sgt, %jit3A_642, %sign3A_651 : i32
        %sign3A_653 = arith.extui %sign3A_652 : i1 to i32
        %sign3A_654 = arith.constant 0 : i32
        %sign3A_655 = arith.cmpi slt, %jit3A_642, %sign3A_654 : i32
        %sign3A_656 = arith.extui %sign3A_655 : i1 to i32
        %sign3A_657 = arith.subi %sign3A_653, %sign3A_656 : i32
        %ne3A_658 = arith.cmpi ne, %sign3A_650, %sign3A_657 : i32
        %rem3A_659 = arith.remsi %add3A_641, %jit3A_642 : i32
        %ne3A_660 = arith.constant 0 : i32
        %ne3A_661 = arith.cmpi ne, %rem3A_659, %ne3A_660 : i32
        %and3A_662 = arith.andi %ne3A_658, %ne3A_661 : i1
        %sub3A_663 = arith.constant 1 : i32
        %sub3A_664 = arith.subi %div3A_643, %sub3A_663 : i32
        %select_n3A_665 = arith.select %and3A_662, %sub3A_664, %div3A_643 : i32
        %mul3A_666 = arith.constant 16 : i32
        %mul3A_667 = arith.muli %select_n3A_665, %mul3A_666 : i32
        %get3A_668 = arith.index_cast %mul3A_667 : i32 to index
        %get3A_669 = tpu.vector_load %arg7[%get3A_668] {strides = array<i32>} : memref<136xi32, #tpu.memory_space<vmem>>, vector<16xi32>,
        %sub3A_670 = arith.subi %add3A_641, %mul3A_667 : i32
        %broadcast_in_dim3A_671 = vector.broadcast %sub3A_670 : i32 to vector<16xi32>
        %eq3A_672 = arith.cmpi eq, %iota3A, %broadcast_in_dim3A_671 : vector<16xi32>
        %broadcast_in_dim3A_673 = arith.constant -1 : i32
        %broadcast_in_dim3A_674 = vector.broadcast %broadcast_in_dim3A_673 : i32 to vector<16xi32>
        %select_n3A_675 = arith.select %eq3A_672, %get3A_669, %broadcast_in_dim3A_674 : vector<16xi1>, vector<16xi32>
        %reduce_max3A_676 = arith.constant true
        %reduce_max3A_677 = vector.broadcast %reduce_max3A_676 : i1 to vector<16xi1>
        %reduce_max3A_678 = arith.constant -2147483648 : i32
        %reduce_max3A_679 = vector.broadcast %reduce_max3A_678 : i32 to vector<16xi32>
        %reduce_max3A_680 = arith.xori %select_n3A_675, %reduce_max3A_679 : vector<16xi32>
        %reduce_max3A_681 = tpu.scan <max>, %reduce_max3A_680 masked %reduce_max3A_677 : vector<16xi32>, vector<16xi1> -> vector<16xi32>
        %reduce_max3A_682 = arith.xori %reduce_max3A_681, %reduce_max3A_679 : vector<16xi32>
        %reduce_max3A_683 = vector.extract %reduce_max3A_682[15] : i32 from vector<16xi32>
        %dma_start3A_684 = arith.constant 1 : i32
        %dma_start3A_685 = arith.constant 2 : i32
        %dma_start3A_686 = arith.constant 0 : i32
        %dma_start3A_687 = arith.constant 0 : i32
        %dma_start3A_688 = tpu.memref_slice %arg5[%dma_start3A_684, %dma_start3A_685, %dma_start3A_686, %dma_start3A_687] : memref<2x4x16x512xf32, #tpu.memory_space<vmem>> -> memref<1x1x16x512xf32, #tpu.memory_space<vmem>>
        %dma_start3A_689 = tpu.memref_squeeze %dma_start3A_688 : memref<1x1x16x512xf32, #tpu.memory_space<vmem>> -> memref<16x512xf32, #tpu.memory_space<vmem>>
        %dma_start3A_690 = arith.constant 0 : i32
        %dma_start3A_691 = tpu.memref_slice %arg2[%reduce_max3A_683, %mul3A_2, %dma_start3A_690] : memref<100x512x512xf32, #tpu.memory_space<hbm>> -> memref<1x16x512xf32, #tpu.memory_space<hbm>>
        %dma_start3A_692 = tpu.memref_squeeze %dma_start3A_691 : memref<1x16x512xf32, #tpu.memory_space<hbm>> -> memref<16x512xf32, #tpu.memory_space<hbm>>
        %dma_start3A_693 = arith.constant 0 : i32
        %dma_start3A_694 = arith.constant 0 : i32
        %dma_start3A_695 = tpu.memref_slice %arg5[%dma_start3A_684, %dma_start3A_685, %dma_start3A_693, %dma_start3A_694] : memref<2x4x16x512xf32, #tpu.memory_space<vmem>> -> memref<1x1x16x512xf32, #tpu.memory_space<vmem>>
        %dma_start3A_696 = tpu.memref_squeeze %dma_start3A_695 : memref<1x1x16x512xf32, #tpu.memory_space<vmem>> -> memref<16x512xf32, #tpu.memory_space<vmem>>
        %dma_start3A_697 = arith.constant 0 : i32
        %dma_start3A_698 = tpu.memref_slice %arg2[%reduce_max3A_683, %mul3A_2, %dma_start3A_697] : memref<100x512x512xf32, #tpu.memory_space<hbm>> -> memref<1x16x512xf32, #tpu.memory_space<hbm>>
        %dma_start3A_699 = tpu.memref_squeeze %dma_start3A_698 : memref<1x16x512xf32, #tpu.memory_space<hbm>> -> memref<16x512xf32, #tpu.memory_space<hbm>>
        tpu.enqueue_dma source(%dma_start3A_699 : memref<16x512xf32, #tpu.memory_space<hbm>>) target(%dma_start3A_696 : memref<16x512xf32, #tpu.memory_space<vmem>>) target_semaphore(%arg9 : memref<!tpu.dma_semaphore, #tpu.memory_space<semaphore_mem>>)
        %mul3A_700 = arith.constant 4 : i32
        %mul3A_701 = arith.muli %add3A_519, %mul3A_700 : i32
        %add3A_702 = arith.constant 3 : i32
        %add3A_703 = arith.addi %mul3A_701, %add3A_702 : i32
        %jit3A_704 = arith.constant 16 : i32
        %div3A_705 = arith.divsi %add3A_703, %jit3A_704 : i32
        %sign3A_706 = arith.constant 0 : i32
        %sign3A_707 = arith.cmpi sgt, %add3A_703, %sign3A_706 : i32
        %sign3A_708 = arith.extui %sign3A_707 : i1 to i32
        %sign3A_709 = arith.constant 0 : i32
        %sign3A_710 = arith.cmpi slt, %add3A_703, %sign3A_709 : i32
        %sign3A_711 = arith.extui %sign3A_710 : i1 to i32
        %sign3A_712 = arith.subi %sign3A_708, %sign3A_711 : i32
        %sign3A_713 = arith.constant 0 : i32
        %sign3A_714 = arith.cmpi sgt, %jit3A_704, %sign3A_713 : i32
        %sign3A_715 = arith.extui %sign3A_714 : i1 to i32
        %sign3A_716 = arith.constant 0 : i32
        %sign3A_717 = arith.cmpi slt, %jit3A_704, %sign3A_716 : i32
        %sign3A_718 = arith.extui %sign3A_717 : i1 to i32
        %sign3A_719 = arith.subi %sign3A_715, %sign3A_718 : i32
        %ne3A_720 = arith.cmpi ne, %sign3A_712, %sign3A_719 : i32
        %rem3A_721 = arith.remsi %add3A_703, %jit3A_704 : i32
        %ne3A_722 = arith.constant 0 : i32
        %ne3A_723 = arith.cmpi ne, %rem3A_721, %ne3A_722 : i32
        %and3A_724 = arith.andi %ne3A_720, %ne3A_723 : i1
        %sub3A_725 = arith.constant 1 : i32
        %sub3A_726 = arith.subi %div3A_705, %sub3A_725 : i32
        %select_n3A_727 = arith.select %and3A_724, %sub3A_726, %div3A_705 : i32
        %mul3A_728 = arith.constant 16 : i32
        %mul3A_729 = arith.muli %select_n3A_727, %mul3A_728 : i32
        %get3A_730 = arith.index_cast %mul3A_729 : i32 to index
        %get3A_731 = tpu.vector_load %arg7[%get3A_730] {strides = array<i32>} : memref<136xi32, #tpu.memory_space<vmem>>, vector<16xi32>,
        %sub3A_732 = arith.subi %add3A_703, %mul3A_729 : i32
        %broadcast_in_dim3A_733 = vector.broadcast %sub3A_732 : i32 to vector<16xi32>
        %eq3A_734 = arith.cmpi eq, %iota3A, %broadcast_in_dim3A_733 : vector<16xi32>
        %broadcast_in_dim3A_735 = arith.constant -1 : i32
        %broadcast_in_dim3A_736 = vector.broadcast %broadcast_in_dim3A_735 : i32 to vector<16xi32>
        %select_n3A_737 = arith.select %eq3A_734, %get3A_731, %broadcast_in_dim3A_736 : vector<16xi1>, vector<16xi32>
        %reduce_max3A_738 = arith.constant true
        %reduce_max3A_739 = vector.broadcast %reduce_max3A_738 : i1 to vector<16xi1>
        %reduce_max3A_740 = arith.constant -2147483648 : i32
        %reduce_max3A_741 = vector.broadcast %reduce_max3A_740 : i32 to vector<16xi32>
        %reduce_max3A_742 = arith.xori %select_n3A_737, %reduce_max3A_741 : vector<16xi32>
        %reduce_max3A_743 = tpu.scan <max>, %reduce_max3A_742 masked %reduce_max3A_739 : vector<16xi32>, vector<16xi1> -> vector<16xi32>
        %reduce_max3A_744 = arith.xori %reduce_max3A_743, %reduce_max3A_741 : vector<16xi32>
        %reduce_max3A_745 = vector.extract %reduce_max3A_744[15] : i32 from vector<16xi32>
        %dma_start3A_746 = arith.constant 1 : i32
        %dma_start3A_747 = arith.constant 3 : i32
        %dma_start3A_748 = arith.constant 0 : i32
        %dma_start3A_749 = arith.constant 0 : i32
        %dma_start3A_750 = tpu.memref_slice %arg5[%dma_start3A_746, %dma_start3A_747, %dma_start3A_748, %dma_start3A_749] : memref<2x4x16x512xf32, #tpu.memory_space<vmem>> -> memref<1x1x16x512xf32, #tpu.memory_space<vmem>>
        %dma_start3A_751 = tpu.memref_squeeze %dma_start3A_750 : memref<1x1x16x512xf32, #tpu.memory_space<vmem>> -> memref<16x512xf32, #tpu.memory_space<vmem>>
        %dma_start3A_752 = arith.constant 0 : i32
        %dma_start3A_753 = tpu.memref_slice %arg2[%reduce_max3A_745, %mul3A_2, %dma_start3A_752] : memref<100x512x512xf32, #tpu.memory_space<hbm>> -> memref<1x16x512xf32, #tpu.memory_space<hbm>>
        %dma_start3A_754 = tpu.memref_squeeze %dma_start3A_753 : memref<1x16x512xf32, #tpu.memory_space<hbm>> -> memref<16x512xf32, #tpu.memory_space<hbm>>
        %dma_start3A_755 = arith.constant 0 : i32
        %dma_start3A_756 = arith.constant 0 : i32
        %dma_start3A_757 = tpu.memref_slice %arg5[%dma_start3A_746, %dma_start3A_747, %dma_start3A_755, %dma_start3A_756] : memref<2x4x16x512xf32, #tpu.memory_space<vmem>> -> memref<1x1x16x512xf32, #tpu.memory_space<vmem>>
        %dma_start3A_758 = tpu.memref_squeeze %dma_start3A_757 : memref<1x1x16x512xf32, #tpu.memory_space<vmem>> -> memref<16x512xf32, #tpu.memory_space<vmem>>
        %dma_start3A_759 = arith.constant 0 : i32
        %dma_start3A_760 = tpu.memref_slice %arg2[%reduce_max3A_745, %mul3A_2, %dma_start3A_759] : memref<100x512x512xf32, #tpu.memory_space<hbm>> -> memref<1x16x512xf32, #tpu.memory_space<hbm>>
        %dma_start3A_761 = tpu.memref_squeeze %dma_start3A_760 : memref<1x16x512xf32, #tpu.memory_space<hbm>> -> memref<16x512xf32, #tpu.memory_space<hbm>>
        tpu.enqueue_dma source(%dma_start3A_761 : memref<16x512xf32, #tpu.memory_space<hbm>>) target(%dma_start3A_758 : memref<16x512xf32, #tpu.memory_space<vmem>>) target_semaphore(%arg9 : memref<!tpu.dma_semaphore, #tpu.memory_space<semaphore_mem>>)
      } else {
      }
      %while3A_517 = arith.constant 0 : i32
      scf.yield %while3A_517 : i32
    }
    %while3A_286 = arith.constant 1 : i32
    %while3A_287 = scf.for %while3A_288 = %while3A_283 to %while3A_279 step %while3A_286 iter_args(%while3A_289 = %while3A_285) -> (i32)  : i32 {
      %mul3A_290 = arith.constant 2 : i32
      %mul3A_291 = arith.muli %while3A_288, %mul3A_290 : i32
      %dma_wait3A = arith.constant 0 : i32
      %dma_wait3A_292 = arith.constant 0 : i32
      %dma_wait3A_293 = arith.constant 0 : i32
      %dma_wait3A_294 = arith.constant 0 : i32
      %dma_wait3A_295 = arith.constant 0 : i32
      %dma_wait3A_296 = tpu.memref_slice %arg5[%dma_wait3A_292, %dma_wait3A_293, %dma_wait3A_294, %dma_wait3A_295] : memref<2x4x16x512xf32, #tpu.memory_space<vmem>> -> memref<1x1x16x512xf32, #tpu.memory_space<vmem>>
      %dma_wait3A_297 = tpu.memref_squeeze %dma_wait3A_296 : memref<1x1x16x512xf32, #tpu.memory_space<vmem>> -> memref<16x512xf32, #tpu.memory_space<vmem>>
      %dma_wait3A_298 = arith.constant 0 : i32
      %dma_wait3A_299 = tpu.memref_slice %arg2[%dma_wait3A, %mul3A_2, %dma_wait3A_298] : memref<100x512x512xf32, #tpu.memory_space<hbm>> -> memref<1x16x512xf32, #tpu.memory_space<hbm>>
      %dma_wait3A_300 = tpu.memref_squeeze %dma_wait3A_299 : memref<1x16x512xf32, #tpu.memory_space<hbm>> -> memref<16x512xf32, #tpu.memory_space<hbm>>
      %dma_wait3A_301 = arith.constant 0 : i32
      %dma_wait3A_302 = arith.constant 0 : i32
      %dma_wait3A_303 = tpu.memref_slice %arg5[%dma_wait3A_292, %dma_wait3A_293, %dma_wait3A_301, %dma_wait3A_302] : memref<2x4x16x512xf32, #tpu.memory_space<vmem>> -> memref<1x1x16x512xf32, #tpu.memory_space<vmem>>
      %dma_wait3A_304 = tpu.memref_squeeze %dma_wait3A_303 : memref<1x1x16x512xf32, #tpu.memory_space<vmem>> -> memref<16x512xf32, #tpu.memory_space<vmem>>
      %dma_wait3A_305 = arith.constant 0 : i32
      %dma_wait3A_306 = tpu.memref_slice %arg2[%dma_wait3A, %mul3A_2, %dma_wait3A_305] : memref<100x512x512xf32, #tpu.memory_space<hbm>> -> memref<1x16x512xf32, #tpu.memory_space<hbm>>
      %dma_wait3A_307 = tpu.memref_squeeze %dma_wait3A_306 : memref<1x16x512xf32, #tpu.memory_space<hbm>> -> memref<16x512xf32, #tpu.memory_space<hbm>>
      tpu.wait_dma2 semaphore(%arg8 : memref<!tpu.dma_semaphore, #tpu.memory_space<semaphore_mem>>) src(%dma_wait3A_307 : memref<16x512xf32, #tpu.memory_space<hbm>>) dst(%dma_wait3A_304 : memref<16x512xf32, #tpu.memory_space<vmem>>)
      %dma_wait3A_308 = arith.constant 0 : i32
      %dma_wait3A_309 = arith.constant 0 : i32
      %dma_wait3A_310 = arith.constant 1 : i32
      %dma_wait3A_311 = arith.constant 0 : i32
      %dma_wait3A_312 = arith.constant 0 : i32
      %dma_wait3A_313 = tpu.memref_slice %arg5[%dma_wait3A_309, %dma_wait3A_310, %dma_wait3A_311, %dma_wait3A_312] : memref<2x4x16x512xf32, #tpu.memory_space<vmem>> -> memref<1x1x16x512xf32, #tpu.memory_space<vmem>>
      %dma_wait3A_314 = tpu.memref_squeeze %dma_wait3A_313 : memref<1x1x16x512xf32, #tpu.memory_space<vmem>> -> memref<16x512xf32, #tpu.memory_space<vmem>>
      %dma_wait3A_315 = arith.constant 0 : i32
      %dma_wait3A_316 = tpu.memref_slice %arg2[%dma_wait3A_308, %mul3A_2, %dma_wait3A_315] : memref<100x512x512xf32, #tpu.memory_space<hbm>> -> memref<1x16x512xf32, #tpu.memory_space<hbm>>
      %dma_wait3A_317 = tpu.memref_squeeze %dma_wait3A_316 : memref<1x16x512xf32, #tpu.memory_space<hbm>> -> memref<16x512xf32, #tpu.memory_space<hbm>>
      %dma_wait3A_318 = arith.constant 0 : i32
      %dma_wait3A_319 = arith.constant 0 : i32
      %dma_wait3A_320 = tpu.memref_slice %arg5[%dma_wait3A_309, %dma_wait3A_310, %dma_wait3A_318, %dma_wait3A_319] : memref<2x4x16x512xf32, #tpu.memory_space<vmem>> -> memref<1x1x16x512xf32, #tpu.memory_space<vmem>>
      %dma_wait3A_321 = tpu.memref_squeeze %dma_wait3A_320 : memref<1x1x16x512xf32, #tpu.memory_space<vmem>> -> memref<16x512xf32, #tpu.memory_space<vmem>>
      %dma_wait3A_322 = arith.constant 0 : i32
      %dma_wait3A_323 = tpu.memref_slice %arg2[%dma_wait3A_308, %mul3A_2, %dma_wait3A_322] : memref<100x512x512xf32, #tpu.memory_space<hbm>> -> memref<1x16x512xf32, #tpu.memory_space<hbm>>
      %dma_wait3A_324 = tpu.memref_squeeze %dma_wait3A_323 : memref<1x16x512xf32, #tpu.memory_space<hbm>> -> memref<16x512xf32, #tpu.memory_space<hbm>>
      tpu.wait_dma2 semaphore(%arg8 : memref<!tpu.dma_semaphore, #tpu.memory_space<semaphore_mem>>) src(%dma_wait3A_324 : memref<16x512xf32, #tpu.memory_space<hbm>>) dst(%dma_wait3A_321 : memref<16x512xf32, #tpu.memory_space<vmem>>)
      %dma_wait3A_325 = arith.constant 0 : i32
      %dma_wait3A_326 = arith.constant 0 : i32
      %dma_wait3A_327 = arith.constant 2 : i32
      %dma_wait3A_328 = arith.constant 0 : i32
      %dma_wait3A_329 = arith.constant 0 : i32
      %dma_wait3A_330 = tpu.memref_slice %arg5[%dma_wait3A_326, %dma_wait3A_327, %dma_wait3A_328, %dma_wait3A_329] : memref<2x4x16x512xf32, #tpu.memory_space<vmem>> -> memref<1x1x16x512xf32, #tpu.memory_space<vmem>>
      %dma_wait3A_331 = tpu.memref_squeeze %dma_wait3A_330 : memref<1x1x16x512xf32, #tpu.memory_space<vmem>> -> memref<16x512xf32, #tpu.memory_space<vmem>>
      %dma_wait3A_332 = arith.constant 0 : i32
      %dma_wait3A_333 = tpu.memref_slice %arg2[%dma_wait3A_325, %mul3A_2, %dma_wait3A_332] : memref<100x512x512xf32, #tpu.memory_space<hbm>> -> memref<1x16x512xf32, #tpu.memory_space<hbm>>
      %dma_wait3A_334 = tpu.memref_squeeze %dma_wait3A_333 : memref<1x16x512xf32, #tpu.memory_space<hbm>> -> memref<16x512xf32, #tpu.memory_space<hbm>>
      %dma_wait3A_335 = arith.constant 0 : i32
      %dma_wait3A_336 = arith.constant 0 : i32
      %dma_wait3A_337 = tpu.memref_slice %arg5[%dma_wait3A_326, %dma_wait3A_327, %dma_wait3A_335, %dma_wait3A_336] : memref<2x4x16x512xf32, #tpu.memory_space<vmem>> -> memref<1x1x16x512xf32, #tpu.memory_space<vmem>>
      %dma_wait3A_338 = tpu.memref_squeeze %dma_wait3A_337 : memref<1x1x16x512xf32, #tpu.memory_space<vmem>> -> memref<16x512xf32, #tpu.memory_space<vmem>>
      %dma_wait3A_339 = arith.constant 0 : i32
      %dma_wait3A_340 = tpu.memref_slice %arg2[%dma_wait3A_325, %mul3A_2, %dma_wait3A_339] : memref<100x512x512xf32, #tpu.memory_space<hbm>> -> memref<1x16x512xf32, #tpu.memory_space<hbm>>
      %dma_wait3A_341 = tpu.memref_squeeze %dma_wait3A_340 : memref<1x16x512xf32, #tpu.memory_space<hbm>> -> memref<16x512xf32, #tpu.memory_space<hbm>>
      tpu.wait_dma2 semaphore(%arg8 : memref<!tpu.dma_semaphore, #tpu.memory_space<semaphore_mem>>) src(%dma_wait3A_341 : memref<16x512xf32, #tpu.memory_space<hbm>>) dst(%dma_wait3A_338 : memref<16x512xf32, #tpu.memory_space<vmem>>)
      %dma_wait3A_342 = arith.constant 0 : i32
      %dma_wait3A_343 = arith.constant 0 : i32
      %dma_wait3A_344 = arith.constant 3 : i32
      %dma_wait3A_345 = arith.constant 0 : i32
      %dma_wait3A_346 = arith.constant 0 : i32
      %dma_wait3A_347 = tpu.memref_slice %arg5[%dma_wait3A_343, %dma_wait3A_344, %dma_wait3A_345, %dma_wait3A_346] : memref<2x4x16x512xf32, #tpu.memory_space<vmem>> -> memref<1x1x16x512xf32, #tpu.memory_space<vmem>>
      %dma_wait3A_348 = tpu.memref_squeeze %dma_wait3A_347 : memref<1x1x16x512xf32, #tpu.memory_space<vmem>> -> memref<16x512xf32, #tpu.memory_space<vmem>>
      %dma_wait3A_349 = arith.constant 0 : i32
      %dma_wait3A_350 = tpu.memref_slice %arg2[%dma_wait3A_342, %mul3A_2, %dma_wait3A_349] : memref<100x512x512xf32, #tpu.memory_space<hbm>> -> memref<1x16x512xf32, #tpu.memory_space<hbm>>
      %dma_wait3A_351 = tpu.memref_squeeze %dma_wait3A_350 : memref<1x16x512xf32, #tpu.memory_space<hbm>> -> memref<16x512xf32, #tpu.memory_space<hbm>>
      %dma_wait3A_352 = arith.constant 0 : i32
      %dma_wait3A_353 = arith.constant 0 : i32
      %dma_wait3A_354 = tpu.memref_slice %arg5[%dma_wait3A_343, %dma_wait3A_344, %dma_wait3A_352, %dma_wait3A_353] : memref<2x4x16x512xf32, #tpu.memory_space<vmem>> -> memref<1x1x16x512xf32, #tpu.memory_space<vmem>>
      %dma_wait3A_355 = tpu.memref_squeeze %dma_wait3A_354 : memref<1x1x16x512xf32, #tpu.memory_space<vmem>> -> memref<16x512xf32, #tpu.memory_space<vmem>>
      %dma_wait3A_356 = arith.constant 0 : i32
      %dma_wait3A_357 = tpu.memref_slice %arg2[%dma_wait3A_342, %mul3A_2, %dma_wait3A_356] : memref<100x512x512xf32, #tpu.memory_space<hbm>> -> memref<1x16x512xf32, #tpu.memory_space<hbm>>
      %dma_wait3A_358 = tpu.memref_squeeze %dma_wait3A_357 : memref<1x16x512xf32, #tpu.memory_space<hbm>> -> memref<16x512xf32, #tpu.memory_space<hbm>>
      tpu.wait_dma2 semaphore(%arg8 : memref<!tpu.dma_semaphore, #tpu.memory_space<semaphore_mem>>) src(%dma_wait3A_358 : memref<16x512xf32, #tpu.memory_space<hbm>>) dst(%dma_wait3A_355 : memref<16x512xf32, #tpu.memory_space<vmem>>)
      %mul3A_359 = arith.constant 4 : i32
      %mul3A_360 = arith.muli %mul3A_291, %mul3A_359 : i32
      %add3A_361 = arith.constant 0 : i32
      %add3A_362 = arith.addi %mul3A_360, %add3A_361 : i32
      %lt3A = arith.cmpi slt, %add3A_362, %reduce_max3A_20 : i32
      %jit3A = arith.constant 1.000000e+00 : f32
      %jit3A_363 = arith.constant 0.000000e+00 : f32
      %select_n3A_364 = arith.select %lt3A, %jit3A, %jit3A_363 : f32
      %broadcast_in_dim3A_365 = vector.broadcast %select_n3A_364 : f32 to vector<16xf32>
      %mul3A_366 = arith.constant 4 : i32
      %mul3A_367 = arith.muli %mul3A_291, %mul3A_366 : i32
      %add3A_368 = arith.constant 1 : i32
      %add3A_369 = arith.addi %mul3A_367, %add3A_368 : i32
      %lt3A_370 = arith.cmpi slt, %add3A_369, %reduce_max3A_20 : i32
      %jit3A_371 = arith.constant 1.000000e+00 : f32
      %jit3A_372 = arith.constant 0.000000e+00 : f32
      %select_n3A_373 = arith.select %lt3A_370, %jit3A_371, %jit3A_372 : f32
      %broadcast_in_dim3A_374 = vector.broadcast %select_n3A_373 : f32 to vector<16xf32>
      %mul3A_375 = arith.constant 4 : i32
      %mul3A_376 = arith.muli %mul3A_291, %mul3A_375 : i32
      %add3A_377 = arith.constant 2 : i32
      %add3A_378 = arith.addi %mul3A_376, %add3A_377 : i32
      %lt3A_379 = arith.cmpi slt, %add3A_378, %reduce_max3A_20 : i32
      %jit3A_380 = arith.constant 1.000000e+00 : f32
      %jit3A_381 = arith.constant 0.000000e+00 : f32
      %select_n3A_382 = arith.select %lt3A_379, %jit3A_380, %jit3A_381 : f32
      %broadcast_in_dim3A_383 = vector.broadcast %select_n3A_382 : f32 to vector<16xf32>
      %mul3A_384 = arith.constant 4 : i32
      %mul3A_385 = arith.muli %mul3A_291, %mul3A_384 : i32
      %add3A_386 = arith.constant 3 : i32
      %add3A_387 = arith.addi %mul3A_385, %add3A_386 : i32
      %lt3A_388 = arith.cmpi slt, %add3A_387, %reduce_max3A_20 : i32
      %jit3A_389 = arith.constant 1.000000e+00 : f32
      %jit3A_390 = arith.constant 0.000000e+00 : f32
      %select_n3A_391 = arith.select %lt3A_388, %jit3A_389, %jit3A_390 : f32
      %broadcast_in_dim3A_392 = vector.broadcast %select_n3A_391 : f32 to vector<16xf32>
      %parallel_loop3A_393 = arith.constant 0 : i32
      %parallel_loop3A_394 = arith.constant 512 : i32
      %parallel_loop3A_395 = arith.constant 1 : i32
      scf.for %parallel_loop3A_518 = %parallel_loop3A_393 to %parallel_loop3A_394 step %parallel_loop3A_395  : i32 {
        %parallel_loop3A_519 = arith.constant 32 : i32
        %parallel_loop3A_520 = arith.divsi %parallel_loop3A_518, %parallel_loop3A_519 : i32
        %parallel_loop3A_521 = arith.constant 0 : i32
        %parallel_loop3A_522 = arith.cmpi sgt, %parallel_loop3A_518, %parallel_loop3A_521 : i32
        %parallel_loop3A_523 = arith.extui %parallel_loop3A_522 : i1 to i32
        %parallel_loop3A_524 = arith.constant 0 : i32
        %parallel_loop3A_525 = arith.cmpi slt, %parallel_loop3A_518, %parallel_loop3A_524 : i32
        %parallel_loop3A_526 = arith.extui %parallel_loop3A_525 : i1 to i32
        %parallel_loop3A_527 = arith.subi %parallel_loop3A_523, %parallel_loop3A_526 : i32
        %parallel_loop3A_528 = arith.constant 0 : i32
        %parallel_loop3A_529 = arith.cmpi sgt, %parallel_loop3A_519, %parallel_loop3A_528 : i32
        %parallel_loop3A_530 = arith.extui %parallel_loop3A_529 : i1 to i32
        %parallel_loop3A_531 = arith.constant 0 : i32
        %parallel_loop3A_532 = arith.cmpi slt, %parallel_loop3A_519, %parallel_loop3A_531 : i32
        %parallel_loop3A_533 = arith.extui %parallel_loop3A_532 : i1 to i32
        %parallel_loop3A_534 = arith.subi %parallel_loop3A_530, %parallel_loop3A_533 : i32
        %parallel_loop3A_535 = arith.cmpi ne, %parallel_loop3A_527, %parallel_loop3A_534 : i32
        %parallel_loop3A_536 = arith.remsi %parallel_loop3A_518, %parallel_loop3A_519 : i32
        %parallel_loop3A_537 = arith.constant 0 : i32
        %parallel_loop3A_538 = arith.cmpi ne, %parallel_loop3A_536, %parallel_loop3A_537 : i32
        %parallel_loop3A_539 = arith.andi %parallel_loop3A_535, %parallel_loop3A_538 : i1
        %parallel_loop3A_540 = arith.constant 1 : i32
        %parallel_loop3A_541 = arith.subi %parallel_loop3A_520, %parallel_loop3A_540 : i32
        %parallel_loop3A_542 = arith.select %parallel_loop3A_539, %parallel_loop3A_541, %parallel_loop3A_520 : i32
        %parallel_loop3A_543 = arith.constant 32 : i32
        %parallel_loop3A_544 = arith.constant 0 : i32
        %parallel_loop3A_545 = arith.cmpi eq, %parallel_loop3A_543, %parallel_loop3A_544 : i32
        %parallel_loop3A_546 = arith.constant 1 : i32
        %parallel_loop3A_547 = arith.select %parallel_loop3A_545, %parallel_loop3A_546, %parallel_loop3A_543 : i32
        %parallel_loop3A_548 = arith.remsi %parallel_loop3A_518, %parallel_loop3A_547 : i32
        %parallel_loop3A_549 = arith.constant 0 : i32
        %parallel_loop3A_550 = arith.cmpi ne, %parallel_loop3A_548, %parallel_loop3A_549 : i32
        %parallel_loop3A_551 = arith.constant 0 : i32
        %parallel_loop3A_552 = arith.cmpi slt, %parallel_loop3A_548, %parallel_loop3A_551 : i32
        %parallel_loop3A_553 = arith.constant 0 : i32
        %parallel_loop3A_554 = arith.cmpi slt, %parallel_loop3A_547, %parallel_loop3A_553 : i32
        %parallel_loop3A_555 = arith.xori %parallel_loop3A_552, %parallel_loop3A_554 : i1
        %parallel_loop3A_556 = arith.andi %parallel_loop3A_555, %parallel_loop3A_550 : i1
        %parallel_loop3A_557 = arith.addi %parallel_loop3A_548, %parallel_loop3A_547 : i32
        %parallel_loop3A_558 = arith.select %parallel_loop3A_556, %parallel_loop3A_557, %parallel_loop3A_548 : i32
        %parallel_loop3A_559 = arith.constant 16 : i32
        %parallel_loop3A_560 = arith.muli %parallel_loop3A_558, %parallel_loop3A_559 : i32
        %parallel_loop3A_561 = arith.index_cast %parallel_loop3A_542 : i32 to index
        %parallel_loop3A_562 = arith.index_cast %parallel_loop3A_560 : i32 to index
        %parallel_loop3A_563 = tpu.vector_load %arg6[%parallel_loop3A_561, %parallel_loop3A_562] {strides = array<i32>} : memref<16x512xf32, #tpu.memory_space<vmem>>, vector<16xf32>,
        %parallel_loop3A_564 = arith.constant 0 : i32
        %parallel_loop3A_565 = arith.constant 0 : i32
        %parallel_loop3A_566 = arith.index_cast %parallel_loop3A_564 : i32 to index
        %parallel_loop3A_567 = arith.index_cast %parallel_loop3A_565 : i32 to index
        %parallel_loop3A_568 = arith.index_cast %parallel_loop3A_542 : i32 to index
        %parallel_loop3A_569 = arith.index_cast %parallel_loop3A_560 : i32 to index
        %parallel_loop3A_570 = tpu.vector_load %arg5[%parallel_loop3A_566, %parallel_loop3A_567, %parallel_loop3A_568, %parallel_loop3A_569] {strides = array<i32>} : memref<2x4x16x512xf32, #tpu.memory_space<vmem>>, vector<16xf32>,
        %parallel_loop3A_571 = arith.mulf %broadcast_in_dim3A_365, %parallel_loop3A_570 : vector<16xf32>
        %parallel_loop3A_572 = arith.constant 0 : i32
        %parallel_loop3A_573 = arith.constant 1 : i32
        %parallel_loop3A_574 = arith.index_cast %parallel_loop3A_572 : i32 to index
        %parallel_loop3A_575 = arith.index_cast %parallel_loop3A_573 : i32 to index
        %parallel_loop3A_576 = arith.index_cast %parallel_loop3A_542 : i32 to index
        %parallel_loop3A_577 = arith.index_cast %parallel_loop3A_560 : i32 to index
        %parallel_loop3A_578 = tpu.vector_load %arg5[%parallel_loop3A_574, %parallel_loop3A_575, %parallel_loop3A_576, %parallel_loop3A_577] {strides = array<i32>} : memref<2x4x16x512xf32, #tpu.memory_space<vmem>>, vector<16xf32>,
        %parallel_loop3A_579 = arith.mulf %broadcast_in_dim3A_374, %parallel_loop3A_578 : vector<16xf32>
        %parallel_loop3A_580 = arith.addf %parallel_loop3A_571, %parallel_loop3A_579 : vector<16xf32>
        %parallel_loop3A_581 = arith.addf %parallel_loop3A_563, %parallel_loop3A_580 : vector<16xf32>
        %parallel_loop3A_582 = arith.constant 0 : i32
        %parallel_loop3A_583 = arith.constant 2 : i32
        %parallel_loop3A_584 = arith.index_cast %parallel_loop3A_582 : i32 to index
        %parallel_loop3A_585 = arith.index_cast %parallel_loop3A_583 : i32 to index
        %parallel_loop3A_586 = arith.index_cast %parallel_loop3A_542 : i32 to index
        %parallel_loop3A_587 = arith.index_cast %parallel_loop3A_560 : i32 to index
        %parallel_loop3A_588 = tpu.vector_load %arg5[%parallel_loop3A_584, %parallel_loop3A_585, %parallel_loop3A_586, %parallel_loop3A_587] {strides = array<i32>} : memref<2x4x16x512xf32, #tpu.memory_space<vmem>>, vector<16xf32>,
        %parallel_loop3A_589 = arith.mulf %broadcast_in_dim3A_383, %parallel_loop3A_588 : vector<16xf32>
        %parallel_loop3A_590 = arith.constant 0 : i32
        %parallel_loop3A_591 = arith.constant 3 : i32
        %parallel_loop3A_592 = arith.index_cast %parallel_loop3A_590 : i32 to index
        %parallel_loop3A_593 = arith.index_cast %parallel_loop3A_591 : i32 to index
        %parallel_loop3A_594 = arith.index_cast %parallel_loop3A_542 : i32 to index
        %parallel_loop3A_595 = arith.index_cast %parallel_loop3A_560 : i32 to index
        %parallel_loop3A_596 = tpu.vector_load %arg5[%parallel_loop3A_592, %parallel_loop3A_593, %parallel_loop3A_594, %parallel_loop3A_595] {strides = array<i32>} : memref<2x4x16x512xf32, #tpu.memory_space<vmem>>, vector<16xf32>,
        %parallel_loop3A_597 = arith.mulf %broadcast_in_dim3A_392, %parallel_loop3A_596 : vector<16xf32>
        %parallel_loop3A_598 = arith.addf %parallel_loop3A_589, %parallel_loop3A_597 : vector<16xf32>
        %parallel_loop3A_599 = arith.addf %parallel_loop3A_581, %parallel_loop3A_598 : vector<16xf32>
        %parallel_loop3A_600 = arith.index_cast %parallel_loop3A_542 : i32 to index
        %parallel_loop3A_601 = arith.index_cast %parallel_loop3A_560 : i32 to index
        %parallel_loop3A_602 = tpu.vector_load %arg6[%parallel_loop3A_600, %parallel_loop3A_601] {strides = array<i32>} : memref<16x512xf32, #tpu.memory_space<vmem>>, vector<16xf32>,
        tpu.vector_store %arg6[%parallel_loop3A_600, %parallel_loop3A_601], %parallel_loop3A_599 {strides = array<i32>} : memref<16x512xf32, #tpu.memory_space<vmem>>, vector<16xf32>,
      } {sc.loop_unroll_factor = 4 : i64, sc.parallel_access}
      %add3A_396 = arith.constant 2 : i32
      %add3A_397 = arith.addi %mul3A_291, %add3A_396 : i32
      %lt3A_398 = arith.cmpi slt, %add3A_397, %mul3A_22 : i32
      %convert_element_type3A = arith.extui %lt3A_398 : i1 to i32
      %cond3A = arith.constant 0 : i32
      %cond3A_399 = arith.cmpi ne, %convert_element_type3A, %cond3A : i32
      scf.if %cond3A_399 {
        %add3A_518 = arith.constant 2 : i32
        %add3A_519 = arith.addi %mul3A_291, %add3A_518 : i32
        %mul3A_520 = arith.constant 4 : i32
        %mul3A_521 = arith.muli %add3A_519, %mul3A_520 : i32
        %add3A_522 = arith.constant 0 : i32
        %add3A_523 = arith.addi %mul3A_521, %add3A_522 : i32
        %jit3A_524 = arith.constant 16 : i32
        %div3A = arith.divsi %add3A_523, %jit3A_524 : i32
        %sign3A = arith.constant 0 : i32
        %sign3A_525 = arith.cmpi sgt, %add3A_523, %sign3A : i32
        %sign3A_526 = arith.extui %sign3A_525 : i1 to i32
        %sign3A_527 = arith.constant 0 : i32
        %sign3A_528 = arith.cmpi slt, %add3A_523, %sign3A_527 : i32
        %sign3A_529 = arith.extui %sign3A_528 : i1 to i32
        %sign3A_530 = arith.subi %sign3A_526, %sign3A_529 : i32
        %sign3A_531 = arith.constant 0 : i32
        %sign3A_532 = arith.cmpi sgt, %jit3A_524, %sign3A_531 : i32
        %sign3A_533 = arith.extui %sign3A_532 : i1 to i32
        %sign3A_534 = arith.constant 0 : i32
        %sign3A_535 = arith.cmpi slt, %jit3A_524, %sign3A_534 : i32
        %sign3A_536 = arith.extui %sign3A_535 : i1 to i32
        %sign3A_537 = arith.subi %sign3A_533, %sign3A_536 : i32
        %ne3A = arith.cmpi ne, %sign3A_530, %sign3A_537 : i32
        %rem3A = arith.remsi %add3A_523, %jit3A_524 : i32
        %ne3A_538 = arith.constant 0 : i32
        %ne3A_539 = arith.cmpi ne, %rem3A, %ne3A_538 : i32
        %and3A = arith.andi %ne3A, %ne3A_539 : i1
        %sub3A = arith.constant 1 : i32
        %sub3A_540 = arith.subi %div3A, %sub3A : i32
        %select_n3A_541 = arith.select %and3A, %sub3A_540, %div3A : i32
        %mul3A_542 = arith.constant 16 : i32
        %mul3A_543 = arith.muli %select_n3A_541, %mul3A_542 : i32
        %get3A_544 = arith.index_cast %mul3A_543 : i32 to index
        %get3A_545 = tpu.vector_load %arg7[%get3A_544] {strides = array<i32>} : memref<136xi32, #tpu.memory_space<vmem>>, vector<16xi32>,
        %sub3A_546 = arith.subi %add3A_523, %mul3A_543 : i32
        %broadcast_in_dim3A_547 = vector.broadcast %sub3A_546 : i32 to vector<16xi32>
        %eq3A_548 = arith.cmpi eq, %iota3A, %broadcast_in_dim3A_547 : vector<16xi32>
        %broadcast_in_dim3A_549 = arith.constant -1 : i32
        %broadcast_in_dim3A_550 = vector.broadcast %broadcast_in_dim3A_549 : i32 to vector<16xi32>
        %select_n3A_551 = arith.select %eq3A_548, %get3A_545, %broadcast_in_dim3A_550 : vector<16xi1>, vector<16xi32>
        %reduce_max3A_552 = arith.constant true
        %reduce_max3A_553 = vector.broadcast %reduce_max3A_552 : i1 to vector<16xi1>
        %reduce_max3A_554 = arith.constant -2147483648 : i32
        %reduce_max3A_555 = vector.broadcast %reduce_max3A_554 : i32 to vector<16xi32>
        %reduce_max3A_556 = arith.xori %select_n3A_551, %reduce_max3A_555 : vector<16xi32>
        %reduce_max3A_557 = tpu.scan <max>, %reduce_max3A_556 masked %reduce_max3A_553 : vector<16xi32>, vector<16xi1> -> vector<16xi32>
        %reduce_max3A_558 = arith.xori %reduce_max3A_557, %reduce_max3A_555 : vector<16xi32>
        %reduce_max3A_559 = vector.extract %reduce_max3A_558[15] : i32 from vector<16xi32>
        %dma_start3A_560 = arith.constant 0 : i32
        %dma_start3A_561 = arith.constant 0 : i32
        %dma_start3A_562 = arith.constant 0 : i32
        %dma_start3A_563 = arith.constant 0 : i32
        %dma_start3A_564 = tpu.memref_slice %arg5[%dma_start3A_560, %dma_start3A_561, %dma_start3A_562, %dma_start3A_563] : memref<2x4x16x512xf32, #tpu.memory_space<vmem>> -> memref<1x1x16x512xf32, #tpu.memory_space<vmem>>
        %dma_start3A_565 = tpu.memref_squeeze %dma_start3A_564 : memref<1x1x16x512xf32, #tpu.memory_space<vmem>> -> memref<16x512xf32, #tpu.memory_space<vmem>>
        %dma_start3A_566 = arith.constant 0 : i32
        %dma_start3A_567 = tpu.memref_slice %arg2[%reduce_max3A_559, %mul3A_2, %dma_start3A_566] : memref<100x512x512xf32, #tpu.memory_space<hbm>> -> memref<1x16x512xf32, #tpu.memory_space<hbm>>
        %dma_start3A_568 = tpu.memref_squeeze %dma_start3A_567 : memref<1x16x512xf32, #tpu.memory_space<hbm>> -> memref<16x512xf32, #tpu.memory_space<hbm>>
        %dma_start3A_569 = arith.constant 0 : i32
        %dma_start3A_570 = arith.constant 0 : i32
        %dma_start3A_571 = tpu.memref_slice %arg5[%dma_start3A_560, %dma_start3A_561, %dma_start3A_569, %dma_start3A_570] : memref<2x4x16x512xf32, #tpu.memory_space<vmem>> -> memref<1x1x16x512xf32, #tpu.memory_space<vmem>>
        %dma_start3A_572 = tpu.memref_squeeze %dma_start3A_571 : memref<1x1x16x512xf32, #tpu.memory_space<vmem>> -> memref<16x512xf32, #tpu.memory_space<vmem>>
        %dma_start3A_573 = arith.constant 0 : i32
        %dma_start3A_574 = tpu.memref_slice %arg2[%reduce_max3A_559, %mul3A_2, %dma_start3A_573] : memref<100x512x512xf32, #tpu.memory_space<hbm>> -> memref<1x16x512xf32, #tpu.memory_space<hbm>>
        %dma_start3A_575 = tpu.memref_squeeze %dma_start3A_574 : memref<1x16x512xf32, #tpu.memory_space<hbm>> -> memref<16x512xf32, #tpu.memory_space<hbm>>
        tpu.enqueue_dma source(%dma_start3A_575 : memref<16x512xf32, #tpu.memory_space<hbm>>) target(%dma_start3A_572 : memref<16x512xf32, #tpu.memory_space<vmem>>) target_semaphore(%arg8 : memref<!tpu.dma_semaphore, #tpu.memory_space<semaphore_mem>>)
        %mul3A_576 = arith.constant 4 : i32
        %mul3A_577 = arith.muli %add3A_519, %mul3A_576 : i32
        %add3A_578 = arith.constant 1 : i32
        %add3A_579 = arith.addi %mul3A_577, %add3A_578 : i32
        %jit3A_580 = arith.constant 16 : i32
        %div3A_581 = arith.divsi %add3A_579, %jit3A_580 : i32
        %sign3A_582 = arith.constant 0 : i32
        %sign3A_583 = arith.cmpi sgt, %add3A_579, %sign3A_582 : i32
        %sign3A_584 = arith.extui %sign3A_583 : i1 to i32
        %sign3A_585 = arith.constant 0 : i32
        %sign3A_586 = arith.cmpi slt, %add3A_579, %sign3A_585 : i32
        %sign3A_587 = arith.extui %sign3A_586 : i1 to i32
        %sign3A_588 = arith.subi %sign3A_584, %sign3A_587 : i32
        %sign3A_589 = arith.constant 0 : i32
        %sign3A_590 = arith.cmpi sgt, %jit3A_580, %sign3A_589 : i32
        %sign3A_591 = arith.extui %sign3A_590 : i1 to i32
        %sign3A_592 = arith.constant 0 : i32
        %sign3A_593 = arith.cmpi slt, %jit3A_580, %sign3A_592 : i32
        %sign3A_594 = arith.extui %sign3A_593 : i1 to i32
        %sign3A_595 = arith.subi %sign3A_591, %sign3A_594 : i32
        %ne3A_596 = arith.cmpi ne, %sign3A_588, %sign3A_595 : i32
        %rem3A_597 = arith.remsi %add3A_579, %jit3A_580 : i32
        %ne3A_598 = arith.constant 0 : i32
        %ne3A_599 = arith.cmpi ne, %rem3A_597, %ne3A_598 : i32
        %and3A_600 = arith.andi %ne3A_596, %ne3A_599 : i1
        %sub3A_601 = arith.constant 1 : i32
        %sub3A_602 = arith.subi %div3A_581, %sub3A_601 : i32
        %select_n3A_603 = arith.select %and3A_600, %sub3A_602, %div3A_581 : i32
        %mul3A_604 = arith.constant 16 : i32
        %mul3A_605 = arith.muli %select_n3A_603, %mul3A_604 : i32
        %get3A_606 = arith.index_cast %mul3A_605 : i32 to index
        %get3A_607 = tpu.vector_load %arg7[%get3A_606] {strides = array<i32>} : memref<136xi32, #tpu.memory_space<vmem>>, vector<16xi32>,
        %sub3A_608 = arith.subi %add3A_579, %mul3A_605 : i32
        %broadcast_in_dim3A_609 = vector.broadcast %sub3A_608 : i32 to vector<16xi32>
        %eq3A_610 = arith.cmpi eq, %iota3A, %broadcast_in_dim3A_609 : vector<16xi32>
        %broadcast_in_dim3A_611 = arith.constant -1 : i32
        %broadcast_in_dim3A_612 = vector.broadcast %broadcast_in_dim3A_611 : i32 to vector<16xi32>
        %select_n3A_613 = arith.select %eq3A_610, %get3A_607, %broadcast_in_dim3A_612 : vector<16xi1>, vector<16xi32>
        %reduce_max3A_614 = arith.constant true
        %reduce_max3A_615 = vector.broadcast %reduce_max3A_614 : i1 to vector<16xi1>
        %reduce_max3A_616 = arith.constant -2147483648 : i32
        %reduce_max3A_617 = vector.broadcast %reduce_max3A_616 : i32 to vector<16xi32>
        %reduce_max3A_618 = arith.xori %select_n3A_613, %reduce_max3A_617 : vector<16xi32>
        %reduce_max3A_619 = tpu.scan <max>, %reduce_max3A_618 masked %reduce_max3A_615 : vector<16xi32>, vector<16xi1> -> vector<16xi32>
        %reduce_max3A_620 = arith.xori %reduce_max3A_619, %reduce_max3A_617 : vector<16xi32>
        %reduce_max3A_621 = vector.extract %reduce_max3A_620[15] : i32 from vector<16xi32>
        %dma_start3A_622 = arith.constant 0 : i32
        %dma_start3A_623 = arith.constant 1 : i32
        %dma_start3A_624 = arith.constant 0 : i32
        %dma_start3A_625 = arith.constant 0 : i32
        %dma_start3A_626 = tpu.memref_slice %arg5[%dma_start3A_622, %dma_start3A_623, %dma_start3A_624, %dma_start3A_625] : memref<2x4x16x512xf32, #tpu.memory_space<vmem>> -> memref<1x1x16x512xf32, #tpu.memory_space<vmem>>
        %dma_start3A_627 = tpu.memref_squeeze %dma_start3A_626 : memref<1x1x16x512xf32, #tpu.memory_space<vmem>> -> memref<16x512xf32, #tpu.memory_space<vmem>>
        %dma_start3A_628 = arith.constant 0 : i32
        %dma_start3A_629 = tpu.memref_slice %arg2[%reduce_max3A_621, %mul3A_2, %dma_start3A_628] : memref<100x512x512xf32, #tpu.memory_space<hbm>> -> memref<1x16x512xf32, #tpu.memory_space<hbm>>
        %dma_start3A_630 = tpu.memref_squeeze %dma_start3A_629 : memref<1x16x512xf32, #tpu.memory_space<hbm>> -> memref<16x512xf32, #tpu.memory_space<hbm>>
        %dma_start3A_631 = arith.constant 0 : i32
        %dma_start3A_632 = arith.constant 0 : i32
        %dma_start3A_633 = tpu.memref_slice %arg5[%dma_start3A_622, %dma_start3A_623, %dma_start3A_631, %dma_start3A_632] : memref<2x4x16x512xf32, #tpu.memory_space<vmem>> -> memref<1x1x16x512xf32, #tpu.memory_space<vmem>>
        %dma_start3A_634 = tpu.memref_squeeze %dma_start3A_633 : memref<1x1x16x512xf32, #tpu.memory_space<vmem>> -> memref<16x512xf32, #tpu.memory_space<vmem>>
        %dma_start3A_635 = arith.constant 0 : i32
        %dma_start3A_636 = tpu.memref_slice %arg2[%reduce_max3A_621, %mul3A_2, %dma_start3A_635] : memref<100x512x512xf32, #tpu.memory_space<hbm>> -> memref<1x16x512xf32, #tpu.memory_space<hbm>>
        %dma_start3A_637 = tpu.memref_squeeze %dma_start3A_636 : memref<1x16x512xf32, #tpu.memory_space<hbm>> -> memref<16x512xf32, #tpu.memory_space<hbm>>
        tpu.enqueue_dma source(%dma_start3A_637 : memref<16x512xf32, #tpu.memory_space<hbm>>) target(%dma_start3A_634 : memref<16x512xf32, #tpu.memory_space<vmem>>) target_semaphore(%arg8 : memref<!tpu.dma_semaphore, #tpu.memory_space<semaphore_mem>>)
        %mul3A_638 = arith.constant 4 : i32
        %mul3A_639 = arith.muli %add3A_519, %mul3A_638 : i32
        %add3A_640 = arith.constant 2 : i32
        %add3A_641 = arith.addi %mul3A_639, %add3A_640 : i32
        %jit3A_642 = arith.constant 16 : i32
        %div3A_643 = arith.divsi %add3A_641, %jit3A_642 : i32
        %sign3A_644 = arith.constant 0 : i32
        %sign3A_645 = arith.cmpi sgt, %add3A_641, %sign3A_644 : i32
        %sign3A_646 = arith.extui %sign3A_645 : i1 to i32
        %sign3A_647 = arith.constant 0 : i32
        %sign3A_648 = arith.cmpi slt, %add3A_641, %sign3A_647 : i32
        %sign3A_649 = arith.extui %sign3A_648 : i1 to i32
        %sign3A_650 = arith.subi %sign3A_646, %sign3A_649 : i32
        %sign3A_651 = arith.constant 0 : i32
        %sign3A_652 = arith.cmpi sgt, %jit3A_642, %sign3A_651 : i32
        %sign3A_653 = arith.extui %sign3A_652 : i1 to i32
        %sign3A_654 = arith.constant 0 : i32
        %sign3A_655 = arith.cmpi slt, %jit3A_642, %sign3A_654 : i32
        %sign3A_656 = arith.extui %sign3A_655 : i1 to i32
        %sign3A_657 = arith.subi %sign3A_653, %sign3A_656 : i32
        %ne3A_658 = arith.cmpi ne, %sign3A_650, %sign3A_657 : i32
        %rem3A_659 = arith.remsi %add3A_641, %jit3A_642 : i32
        %ne3A_660 = arith.constant 0 : i32
        %ne3A_661 = arith.cmpi ne, %rem3A_659, %ne3A_660 : i32
        %and3A_662 = arith.andi %ne3A_658, %ne3A_661 : i1
        %sub3A_663 = arith.constant 1 : i32
        %sub3A_664 = arith.subi %div3A_643, %sub3A_663 : i32
        %select_n3A_665 = arith.select %and3A_662, %sub3A_664, %div3A_643 : i32
        %mul3A_666 = arith.constant 16 : i32
        %mul3A_667 = arith.muli %select_n3A_665, %mul3A_666 : i32
        %get3A_668 = arith.index_cast %mul3A_667 : i32 to index
        %get3A_669 = tpu.vector_load %arg7[%get3A_668] {strides = array<i32>} : memref<136xi32, #tpu.memory_space<vmem>>, vector<16xi32>,
        %sub3A_670 = arith.subi %add3A_641, %mul3A_667 : i32
        %broadcast_in_dim3A_671 = vector.broadcast %sub3A_670 : i32 to vector<16xi32>
        %eq3A_672 = arith.cmpi eq, %iota3A, %broadcast_in_dim3A_671 : vector<16xi32>
        %broadcast_in_dim3A_673 = arith.constant -1 : i32
        %broadcast_in_dim3A_674 = vector.broadcast %broadcast_in_dim3A_673 : i32 to vector<16xi32>
        %select_n3A_675 = arith.select %eq3A_672, %get3A_669, %broadcast_in_dim3A_674 : vector<16xi1>, vector<16xi32>
        %reduce_max3A_676 = arith.constant true
        %reduce_max3A_677 = vector.broadcast %reduce_max3A_676 : i1 to vector<16xi1>
        %reduce_max3A_678 = arith.constant -2147483648 : i32
        %reduce_max3A_679 = vector.broadcast %reduce_max3A_678 : i32 to vector<16xi32>
        %reduce_max3A_680 = arith.xori %select_n3A_675, %reduce_max3A_679 : vector<16xi32>
        %reduce_max3A_681 = tpu.scan <max>, %reduce_max3A_680 masked %reduce_max3A_677 : vector<16xi32>, vector<16xi1> -> vector<16xi32>
        %reduce_max3A_682 = arith.xori %reduce_max3A_681, %reduce_max3A_679 : vector<16xi32>
        %reduce_max3A_683 = vector.extract %reduce_max3A_682[15] : i32 from vector<16xi32>
        %dma_start3A_684 = arith.constant 0 : i32
        %dma_start3A_685 = arith.constant 2 : i32
        %dma_start3A_686 = arith.constant 0 : i32
        %dma_start3A_687 = arith.constant 0 : i32
        %dma_start3A_688 = tpu.memref_slice %arg5[%dma_start3A_684, %dma_start3A_685, %dma_start3A_686, %dma_start3A_687] : memref<2x4x16x512xf32, #tpu.memory_space<vmem>> -> memref<1x1x16x512xf32, #tpu.memory_space<vmem>>
        %dma_start3A_689 = tpu.memref_squeeze %dma_start3A_688 : memref<1x1x16x512xf32, #tpu.memory_space<vmem>> -> memref<16x512xf32, #tpu.memory_space<vmem>>
        %dma_start3A_690 = arith.constant 0 : i32
        %dma_start3A_691 = tpu.memref_slice %arg2[%reduce_max3A_683, %mul3A_2, %dma_start3A_690] : memref<100x512x512xf32, #tpu.memory_space<hbm>> -> memref<1x16x512xf32, #tpu.memory_space<hbm>>
        %dma_start3A_692 = tpu.memref_squeeze %dma_start3A_691 : memref<1x16x512xf32, #tpu.memory_space<hbm>> -> memref<16x512xf32, #tpu.memory_space<hbm>>
        %dma_start3A_693 = arith.constant 0 : i32
        %dma_start3A_694 = arith.constant 0 : i32
        %dma_start3A_695 = tpu.memref_slice %arg5[%dma_start3A_684, %dma_start3A_685, %dma_start3A_693, %dma_start3A_694] : memref<2x4x16x512xf32, #tpu.memory_space<vmem>> -> memref<1x1x16x512xf32, #tpu.memory_space<vmem>>
        %dma_start3A_696 = tpu.memref_squeeze %dma_start3A_695 : memref<1x1x16x512xf32, #tpu.memory_space<vmem>> -> memref<16x512xf32, #tpu.memory_space<vmem>>
        %dma_start3A_697 = arith.constant 0 : i32
        %dma_start3A_698 = tpu.memref_slice %arg2[%reduce_max3A_683, %mul3A_2, %dma_start3A_697] : memref<100x512x512xf32, #tpu.memory_space<hbm>> -> memref<1x16x512xf32, #tpu.memory_space<hbm>>
        %dma_start3A_699 = tpu.memref_squeeze %dma_start3A_698 : memref<1x16x512xf32, #tpu.memory_space<hbm>> -> memref<16x512xf32, #tpu.memory_space<hbm>>
        tpu.enqueue_dma source(%dma_start3A_699 : memref<16x512xf32, #tpu.memory_space<hbm>>) target(%dma_start3A_696 : memref<16x512xf32, #tpu.memory_space<vmem>>) target_semaphore(%arg8 : memref<!tpu.dma_semaphore, #tpu.memory_space<semaphore_mem>>)
        %mul3A_700 = arith.constant 4 : i32
        %mul3A_701 = arith.muli %add3A_519, %mul3A_700 : i32
        %add3A_702 = arith.constant 3 : i32
        %add3A_703 = arith.addi %mul3A_701, %add3A_702 : i32
        %jit3A_704 = arith.constant 16 : i32
        %div3A_705 = arith.divsi %add3A_703, %jit3A_704 : i32
        %sign3A_706 = arith.constant 0 : i32
        %sign3A_707 = arith.cmpi sgt, %add3A_703, %sign3A_706 : i32
        %sign3A_708 = arith.extui %sign3A_707 : i1 to i32
        %sign3A_709 = arith.constant 0 : i32
        %sign3A_710 = arith.cmpi slt, %add3A_703, %sign3A_709 : i32
        %sign3A_711 = arith.extui %sign3A_710 : i1 to i32
        %sign3A_712 = arith.subi %sign3A_708, %sign3A_711 : i32
        %sign3A_713 = arith.constant 0 : i32
        %sign3A_714 = arith.cmpi sgt, %jit3A_704, %sign3A_713 : i32
        %sign3A_715 = arith.extui %sign3A_714 : i1 to i32
        %sign3A_716 = arith.constant 0 : i32
        %sign3A_717 = arith.cmpi slt, %jit3A_704, %sign3A_716 : i32
        %sign3A_718 = arith.extui %sign3A_717 : i1 to i32
        %sign3A_719 = arith.subi %sign3A_715, %sign3A_718 : i32
        %ne3A_720 = arith.cmpi ne, %sign3A_712, %sign3A_719 : i32
        %rem3A_721 = arith.remsi %add3A_703, %jit3A_704 : i32
        %ne3A_722 = arith.constant 0 : i32
        %ne3A_723 = arith.cmpi ne, %rem3A_721, %ne3A_722 : i32
        %and3A_724 = arith.andi %ne3A_720, %ne3A_723 : i1
        %sub3A_725 = arith.constant 1 : i32
        %sub3A_726 = arith.subi %div3A_705, %sub3A_725 : i32
        %select_n3A_727 = arith.select %and3A_724, %sub3A_726, %div3A_705 : i32
        %mul3A_728 = arith.constant 16 : i32
        %mul3A_729 = arith.muli %select_n3A_727, %mul3A_728 : i32
        %get3A_730 = arith.index_cast %mul3A_729 : i32 to index
        %get3A_731 = tpu.vector_load %arg7[%get3A_730] {strides = array<i32>} : memref<136xi32, #tpu.memory_space<vmem>>, vector<16xi32>,
        %sub3A_732 = arith.subi %add3A_703, %mul3A_729 : i32
        %broadcast_in_dim3A_733 = vector.broadcast %sub3A_732 : i32 to vector<16xi32>
        %eq3A_734 = arith.cmpi eq, %iota3A, %broadcast_in_dim3A_733 : vector<16xi32>
        %broadcast_in_dim3A_735 = arith.constant -1 : i32
        %broadcast_in_dim3A_736 = vector.broadcast %broadcast_in_dim3A_735 : i32 to vector<16xi32>
        %select_n3A_737 = arith.select %eq3A_734, %get3A_731, %broadcast_in_dim3A_736 : vector<16xi1>, vector<16xi32>
        %reduce_max3A_738 = arith.constant true
        %reduce_max3A_739 = vector.broadcast %reduce_max3A_738 : i1 to vector<16xi1>
        %reduce_max3A_740 = arith.constant -2147483648 : i32
        %reduce_max3A_741 = vector.broadcast %reduce_max3A_740 : i32 to vector<16xi32>
        %reduce_max3A_742 = arith.xori %select_n3A_737, %reduce_max3A_741 : vector<16xi32>
        %reduce_max3A_743 = tpu.scan <max>, %reduce_max3A_742 masked %reduce_max3A_739 : vector<16xi32>, vector<16xi1> -> vector<16xi32>
        %reduce_max3A_744 = arith.xori %reduce_max3A_743, %reduce_max3A_741 : vector<16xi32>
        %reduce_max3A_745 = vector.extract %reduce_max3A_744[15] : i32 from vector<16xi32>
        %dma_start3A_746 = arith.constant 0 : i32
        %dma_start3A_747 = arith.constant 3 : i32
        %dma_start3A_748 = arith.constant 0 : i32
        %dma_start3A_749 = arith.constant 0 : i32
        %dma_start3A_750 = tpu.memref_slice %arg5[%dma_start3A_746, %dma_start3A_747, %dma_start3A_748, %dma_start3A_749] : memref<2x4x16x512xf32, #tpu.memory_space<vmem>> -> memref<1x1x16x512xf32, #tpu.memory_space<vmem>>
        %dma_start3A_751 = tpu.memref_squeeze %dma_start3A_750 : memref<1x1x16x512xf32, #tpu.memory_space<vmem>> -> memref<16x512xf32, #tpu.memory_space<vmem>>
        %dma_start3A_752 = arith.constant 0 : i32
        %dma_start3A_753 = tpu.memref_slice %arg2[%reduce_max3A_745, %mul3A_2, %dma_start3A_752] : memref<100x512x512xf32, #tpu.memory_space<hbm>> -> memref<1x16x512xf32, #tpu.memory_space<hbm>>
        %dma_start3A_754 = tpu.memref_squeeze %dma_start3A_753 : memref<1x16x512xf32, #tpu.memory_space<hbm>> -> memref<16x512xf32, #tpu.memory_space<hbm>>
        %dma_start3A_755 = arith.constant 0 : i32
        %dma_start3A_756 = arith.constant 0 : i32
        %dma_start3A_757 = tpu.memref_slice %arg5[%dma_start3A_746, %dma_start3A_747, %dma_start3A_755, %dma_start3A_756] : memref<2x4x16x512xf32, #tpu.memory_space<vmem>> -> memref<1x1x16x512xf32, #tpu.memory_space<vmem>>
        %dma_start3A_758 = tpu.memref_squeeze %dma_start3A_757 : memref<1x1x16x512xf32, #tpu.memory_space<vmem>> -> memref<16x512xf32, #tpu.memory_space<vmem>>
        %dma_start3A_759 = arith.constant 0 : i32
        %dma_start3A_760 = tpu.memref_slice %arg2[%reduce_max3A_745, %mul3A_2, %dma_start3A_759] : memref<100x512x512xf32, #tpu.memory_space<hbm>> -> memref<1x16x512xf32, #tpu.memory_space<hbm>>
        %dma_start3A_761 = tpu.memref_squeeze %dma_start3A_760 : memref<1x16x512xf32, #tpu.memory_space<hbm>> -> memref<16x512xf32, #tpu.memory_space<hbm>>
        tpu.enqueue_dma source(%dma_start3A_761 : memref<16x512xf32, #tpu.memory_space<hbm>>) target(%dma_start3A_758 : memref<16x512xf32, #tpu.memory_space<vmem>>) target_semaphore(%arg8 : memref<!tpu.dma_semaphore, #tpu.memory_space<semaphore_mem>>)
      } else {
      }
      %mul3A_400 = arith.constant 2 : i32
      %mul3A_401 = arith.muli %while3A_288, %mul3A_400 : i32
      %add3A_402 = arith.constant 1 : i32
      %add3A_403 = arith.addi %mul3A_401, %add3A_402 : i32
      %dma_wait3A_404 = arith.constant 0 : i32
      %dma_wait3A_405 = arith.constant 1 : i32
      %dma_wait3A_406 = arith.constant 0 : i32
      %dma_wait3A_407 = arith.constant 0 : i32
      %dma_wait3A_408 = arith.constant 0 : i32
      %dma_wait3A_409 = tpu.memref_slice %arg5[%dma_wait3A_405, %dma_wait3A_406, %dma_wait3A_407, %dma_wait3A_408] : memref<2x4x16x512xf32, #tpu.memory_space<vmem>> -> memref<1x1x16x512xf32, #tpu.memory_space<vmem>>
      %dma_wait3A_410 = tpu.memref_squeeze %dma_wait3A_409 : memref<1x1x16x512xf32, #tpu.memory_space<vmem>> -> memref<16x512xf32, #tpu.memory_space<vmem>>
      %dma_wait3A_411 = arith.constant 0 : i32
      %dma_wait3A_412 = tpu.memref_slice %arg2[%dma_wait3A_404, %mul3A_2, %dma_wait3A_411] : memref<100x512x512xf32, #tpu.memory_space<hbm>> -> memref<1x16x512xf32, #tpu.memory_space<hbm>>
      %dma_wait3A_413 = tpu.memref_squeeze %dma_wait3A_412 : memref<1x16x512xf32, #tpu.memory_space<hbm>> -> memref<16x512xf32, #tpu.memory_space<hbm>>
      %dma_wait3A_414 = arith.constant 0 : i32
      %dma_wait3A_415 = arith.constant 0 : i32
      %dma_wait3A_416 = tpu.memref_slice %arg5[%dma_wait3A_405, %dma_wait3A_406, %dma_wait3A_414, %dma_wait3A_415] : memref<2x4x16x512xf32, #tpu.memory_space<vmem>> -> memref<1x1x16x512xf32, #tpu.memory_space<vmem>>
      %dma_wait3A_417 = tpu.memref_squeeze %dma_wait3A_416 : memref<1x1x16x512xf32, #tpu.memory_space<vmem>> -> memref<16x512xf32, #tpu.memory_space<vmem>>
      %dma_wait3A_418 = arith.constant 0 : i32
      %dma_wait3A_419 = tpu.memref_slice %arg2[%dma_wait3A_404, %mul3A_2, %dma_wait3A_418] : memref<100x512x512xf32, #tpu.memory_space<hbm>> -> memref<1x16x512xf32, #tpu.memory_space<hbm>>
      %dma_wait3A_420 = tpu.memref_squeeze %dma_wait3A_419 : memref<1x16x512xf32, #tpu.memory_space<hbm>> -> memref<16x512xf32, #tpu.memory_space<hbm>>
      tpu.wait_dma2 semaphore(%arg9 : memref<!tpu.dma_semaphore, #tpu.memory_space<semaphore_mem>>) src(%dma_wait3A_420 : memref<16x512xf32, #tpu.memory_space<hbm>>) dst(%dma_wait3A_417 : memref<16x512xf32, #tpu.memory_space<vmem>>)
      %dma_wait3A_421 = arith.constant 0 : i32
      %dma_wait3A_422 = arith.constant 1 : i32
      %dma_wait3A_423 = arith.constant 1 : i32
      %dma_wait3A_424 = arith.constant 0 : i32
      %dma_wait3A_425 = arith.constant 0 : i32
      %dma_wait3A_426 = tpu.memref_slice %arg5[%dma_wait3A_422, %dma_wait3A_423, %dma_wait3A_424, %dma_wait3A_425] : memref<2x4x16x512xf32, #tpu.memory_space<vmem>> -> memref<1x1x16x512xf32, #tpu.memory_space<vmem>>
      %dma_wait3A_427 = tpu.memref_squeeze %dma_wait3A_426 : memref<1x1x16x512xf32, #tpu.memory_space<vmem>> -> memref<16x512xf32, #tpu.memory_space<vmem>>
      %dma_wait3A_428 = arith.constant 0 : i32
      %dma_wait3A_429 = tpu.memref_slice %arg2[%dma_wait3A_421, %mul3A_2, %dma_wait3A_428] : memref<100x512x512xf32, #tpu.memory_space<hbm>> -> memref<1x16x512xf32, #tpu.memory_space<hbm>>
      %dma_wait3A_430 = tpu.memref_squeeze %dma_wait3A_429 : memref<1x16x512xf32, #tpu.memory_space<hbm>> -> memref<16x512xf32, #tpu.memory_space<hbm>>
      %dma_wait3A_431 = arith.constant 0 : i32
      %dma_wait3A_432 = arith.constant 0 : i32
      %dma_wait3A_433 = tpu.memref_slice %arg5[%dma_wait3A_422, %dma_wait3A_423, %dma_wait3A_431, %dma_wait3A_432] : memref<2x4x16x512xf32, #tpu.memory_space<vmem>> -> memref<1x1x16x512xf32, #tpu.memory_space<vmem>>
      %dma_wait3A_434 = tpu.memref_squeeze %dma_wait3A_433 : memref<1x1x16x512xf32, #tpu.memory_space<vmem>> -> memref<16x512xf32, #tpu.memory_space<vmem>>
      %dma_wait3A_435 = arith.constant 0 : i32
      %dma_wait3A_436 = tpu.memref_slice %arg2[%dma_wait3A_421, %mul3A_2, %dma_wait3A_435] : memref<100x512x512xf32, #tpu.memory_space<hbm>> -> memref<1x16x512xf32, #tpu.memory_space<hbm>>
      %dma_wait3A_437 = tpu.memref_squeeze %dma_wait3A_436 : memref<1x16x512xf32, #tpu.memory_space<hbm>> -> memref<16x512xf32, #tpu.memory_space<hbm>>
      tpu.wait_dma2 semaphore(%arg9 : memref<!tpu.dma_semaphore, #tpu.memory_space<semaphore_mem>>) src(%dma_wait3A_437 : memref<16x512xf32, #tpu.memory_space<hbm>>) dst(%dma_wait3A_434 : memref<16x512xf32, #tpu.memory_space<vmem>>)
      %dma_wait3A_438 = arith.constant 0 : i32
      %dma_wait3A_439 = arith.constant 1 : i32
      %dma_wait3A_440 = arith.constant 2 : i32
      %dma_wait3A_441 = arith.constant 0 : i32
      %dma_wait3A_442 = arith.constant 0 : i32
      %dma_wait3A_443 = tpu.memref_slice %arg5[%dma_wait3A_439, %dma_wait3A_440, %dma_wait3A_441, %dma_wait3A_442] : memref<2x4x16x512xf32, #tpu.memory_space<vmem>> -> memref<1x1x16x512xf32, #tpu.memory_space<vmem>>
      %dma_wait3A_444 = tpu.memref_squeeze %dma_wait3A_443 : memref<1x1x16x512xf32, #tpu.memory_space<vmem>> -> memref<16x512xf32, #tpu.memory_space<vmem>>
      %dma_wait3A_445 = arith.constant 0 : i32
      %dma_wait3A_446 = tpu.memref_slice %arg2[%dma_wait3A_438, %mul3A_2, %dma_wait3A_445] : memref<100x512x512xf32, #tpu.memory_space<hbm>> -> memref<1x16x512xf32, #tpu.memory_space<hbm>>
      %dma_wait3A_447 = tpu.memref_squeeze %dma_wait3A_446 : memref<1x16x512xf32, #tpu.memory_space<hbm>> -> memref<16x512xf32, #tpu.memory_space<hbm>>
      %dma_wait3A_448 = arith.constant 0 : i32
      %dma_wait3A_449 = arith.constant 0 : i32
      %dma_wait3A_450 = tpu.memref_slice %arg5[%dma_wait3A_439, %dma_wait3A_440, %dma_wait3A_448, %dma_wait3A_449] : memref<2x4x16x512xf32, #tpu.memory_space<vmem>> -> memref<1x1x16x512xf32, #tpu.memory_space<vmem>>
      %dma_wait3A_451 = tpu.memref_squeeze %dma_wait3A_450 : memref<1x1x16x512xf32, #tpu.memory_space<vmem>> -> memref<16x512xf32, #tpu.memory_space<vmem>>
      %dma_wait3A_452 = arith.constant 0 : i32
      %dma_wait3A_453 = tpu.memref_slice %arg2[%dma_wait3A_438, %mul3A_2, %dma_wait3A_452] : memref<100x512x512xf32, #tpu.memory_space<hbm>> -> memref<1x16x512xf32, #tpu.memory_space<hbm>>
      %dma_wait3A_454 = tpu.memref_squeeze %dma_wait3A_453 : memref<1x16x512xf32, #tpu.memory_space<hbm>> -> memref<16x512xf32, #tpu.memory_space<hbm>>
      tpu.wait_dma2 semaphore(%arg9 : memref<!tpu.dma_semaphore, #tpu.memory_space<semaphore_mem>>) src(%dma_wait3A_454 : memref<16x512xf32, #tpu.memory_space<hbm>>) dst(%dma_wait3A_451 : memref<16x512xf32, #tpu.memory_space<vmem>>)
      %dma_wait3A_455 = arith.constant 0 : i32
      %dma_wait3A_456 = arith.constant 1 : i32
      %dma_wait3A_457 = arith.constant 3 : i32
      %dma_wait3A_458 = arith.constant 0 : i32
      %dma_wait3A_459 = arith.constant 0 : i32
      %dma_wait3A_460 = tpu.memref_slice %arg5[%dma_wait3A_456, %dma_wait3A_457, %dma_wait3A_458, %dma_wait3A_459] : memref<2x4x16x512xf32, #tpu.memory_space<vmem>> -> memref<1x1x16x512xf32, #tpu.memory_space<vmem>>
      %dma_wait3A_461 = tpu.memref_squeeze %dma_wait3A_460 : memref<1x1x16x512xf32, #tpu.memory_space<vmem>> -> memref<16x512xf32, #tpu.memory_space<vmem>>
      %dma_wait3A_462 = arith.constant 0 : i32
      %dma_wait3A_463 = tpu.memref_slice %arg2[%dma_wait3A_455, %mul3A_2, %dma_wait3A_462] : memref<100x512x512xf32, #tpu.memory_space<hbm>> -> memref<1x16x512xf32, #tpu.memory_space<hbm>>
      %dma_wait3A_464 = tpu.memref_squeeze %dma_wait3A_463 : memref<1x16x512xf32, #tpu.memory_space<hbm>> -> memref<16x512xf32, #tpu.memory_space<hbm>>
      %dma_wait3A_465 = arith.constant 0 : i32
      %dma_wait3A_466 = arith.constant 0 : i32
      %dma_wait3A_467 = tpu.memref_slice %arg5[%dma_wait3A_456, %dma_wait3A_457, %dma_wait3A_465, %dma_wait3A_466] : memref<2x4x16x512xf32, #tpu.memory_space<vmem>> -> memref<1x1x16x512xf32, #tpu.memory_space<vmem>>
      %dma_wait3A_468 = tpu.memref_squeeze %dma_wait3A_467 : memref<1x1x16x512xf32, #tpu.memory_space<vmem>> -> memref<16x512xf32, #tpu.memory_space<vmem>>
      %dma_wait3A_469 = arith.constant 0 : i32
      %dma_wait3A_470 = tpu.memref_slice %arg2[%dma_wait3A_455, %mul3A_2, %dma_wait3A_469] : memref<100x512x512xf32, #tpu.memory_space<hbm>> -> memref<1x16x512xf32, #tpu.memory_space<hbm>>
      %dma_wait3A_471 = tpu.memref_squeeze %dma_wait3A_470 : memref<1x16x512xf32, #tpu.memory_space<hbm>> -> memref<16x512xf32, #tpu.memory_space<hbm>>
      tpu.wait_dma2 semaphore(%arg9 : memref<!tpu.dma_semaphore, #tpu.memory_space<semaphore_mem>>) src(%dma_wait3A_471 : memref<16x512xf32, #tpu.memory_space<hbm>>) dst(%dma_wait3A_468 : memref<16x512xf32, #tpu.memory_space<vmem>>)
      %mul3A_472 = arith.constant 4 : i32
      %mul3A_473 = arith.muli %add3A_403, %mul3A_472 : i32
      %add3A_474 = arith.constant 0 : i32
      %add3A_475 = arith.addi %mul3A_473, %add3A_474 : i32
      %lt3A_476 = arith.cmpi slt, %add3A_475, %reduce_max3A_20 : i32
      %jit3A_477 = arith.constant 1.000000e+00 : f32
      %jit3A_478 = arith.constant 0.000000e+00 : f32
      %select_n3A_479 = arith.select %lt3A_476, %jit3A_477, %jit3A_478 : f32
      %broadcast_in_dim3A_480 = vector.broadcast %select_n3A_479 : f32 to vector<16xf32>
      %mul3A_481 = arith.constant 4 : i32
      %mul3A_482 = arith.muli %add3A_403, %mul3A_481 : i32
      %add3A_483 = arith.constant 1 : i32
      %add3A_484 = arith.addi %mul3A_482, %add3A_483 : i32
      %lt3A_485 = arith.cmpi slt, %add3A_484, %reduce_max3A_20 : i32
      %jit3A_486 = arith.constant 1.000000e+00 : f32
      %jit3A_487 = arith.constant 0.000000e+00 : f32
      %select_n3A_488 = arith.select %lt3A_485, %jit3A_486, %jit3A_487 : f32
      %broadcast_in_dim3A_489 = vector.broadcast %select_n3A_488 : f32 to vector<16xf32>
      %mul3A_490 = arith.constant 4 : i32
      %mul3A_491 = arith.muli %add3A_403, %mul3A_490 : i32
      %add3A_492 = arith.constant 2 : i32
      %add3A_493 = arith.addi %mul3A_491, %add3A_492 : i32
      %lt3A_494 = arith.cmpi slt, %add3A_493, %reduce_max3A_20 : i32
      %jit3A_495 = arith.constant 1.000000e+00 : f32
      %jit3A_496 = arith.constant 0.000000e+00 : f32
      %select_n3A_497 = arith.select %lt3A_494, %jit3A_495, %jit3A_496 : f32
      %broadcast_in_dim3A_498 = vector.broadcast %select_n3A_497 : f32 to vector<16xf32>
      %mul3A_499 = arith.constant 4 : i32
      %mul3A_500 = arith.muli %add3A_403, %mul3A_499 : i32
      %add3A_501 = arith.constant 3 : i32
      %add3A_502 = arith.addi %mul3A_500, %add3A_501 : i32
      %lt3A_503 = arith.cmpi slt, %add3A_502, %reduce_max3A_20 : i32
      %jit3A_504 = arith.constant 1.000000e+00 : f32
      %jit3A_505 = arith.constant 0.000000e+00 : f32
      %select_n3A_506 = arith.select %lt3A_503, %jit3A_504, %jit3A_505 : f32
      %broadcast_in_dim3A_507 = vector.broadcast %select_n3A_506 : f32 to vector<16xf32>
      %parallel_loop3A_508 = arith.constant 0 : i32
      %parallel_loop3A_509 = arith.constant 512 : i32
      %parallel_loop3A_510 = arith.constant 1 : i32
      scf.for %parallel_loop3A_518 = %parallel_loop3A_508 to %parallel_loop3A_509 step %parallel_loop3A_510  : i32 {
        %parallel_loop3A_519 = arith.constant 32 : i32
        %parallel_loop3A_520 = arith.divsi %parallel_loop3A_518, %parallel_loop3A_519 : i32
        %parallel_loop3A_521 = arith.constant 0 : i32
        %parallel_loop3A_522 = arith.cmpi sgt, %parallel_loop3A_518, %parallel_loop3A_521 : i32
        %parallel_loop3A_523 = arith.extui %parallel_loop3A_522 : i1 to i32
        %parallel_loop3A_524 = arith.constant 0 : i32
        %parallel_loop3A_525 = arith.cmpi slt, %parallel_loop3A_518, %parallel_loop3A_524 : i32
        %parallel_loop3A_526 = arith.extui %parallel_loop3A_525 : i1 to i32
        %parallel_loop3A_527 = arith.subi %parallel_loop3A_523, %parallel_loop3A_526 : i32
        %parallel_loop3A_528 = arith.constant 0 : i32
        %parallel_loop3A_529 = arith.cmpi sgt, %parallel_loop3A_519, %parallel_loop3A_528 : i32
        %parallel_loop3A_530 = arith.extui %parallel_loop3A_529 : i1 to i32
        %parallel_loop3A_531 = arith.constant 0 : i32
        %parallel_loop3A_532 = arith.cmpi slt, %parallel_loop3A_519, %parallel_loop3A_531 : i32
        %parallel_loop3A_533 = arith.extui %parallel_loop3A_532 : i1 to i32
        %parallel_loop3A_534 = arith.subi %parallel_loop3A_530, %parallel_loop3A_533 : i32
        %parallel_loop3A_535 = arith.cmpi ne, %parallel_loop3A_527, %parallel_loop3A_534 : i32
        %parallel_loop3A_536 = arith.remsi %parallel_loop3A_518, %parallel_loop3A_519 : i32
        %parallel_loop3A_537 = arith.constant 0 : i32
        %parallel_loop3A_538 = arith.cmpi ne, %parallel_loop3A_536, %parallel_loop3A_537 : i32
        %parallel_loop3A_539 = arith.andi %parallel_loop3A_535, %parallel_loop3A_538 : i1
        %parallel_loop3A_540 = arith.constant 1 : i32
        %parallel_loop3A_541 = arith.subi %parallel_loop3A_520, %parallel_loop3A_540 : i32
        %parallel_loop3A_542 = arith.select %parallel_loop3A_539, %parallel_loop3A_541, %parallel_loop3A_520 : i32
        %parallel_loop3A_543 = arith.constant 32 : i32
        %parallel_loop3A_544 = arith.constant 0 : i32
        %parallel_loop3A_545 = arith.cmpi eq, %parallel_loop3A_543, %parallel_loop3A_544 : i32
        %parallel_loop3A_546 = arith.constant 1 : i32
        %parallel_loop3A_547 = arith.select %parallel_loop3A_545, %parallel_loop3A_546, %parallel_loop3A_543 : i32
        %parallel_loop3A_548 = arith.remsi %parallel_loop3A_518, %parallel_loop3A_547 : i32
        %parallel_loop3A_549 = arith.constant 0 : i32
        %parallel_loop3A_550 = arith.cmpi ne, %parallel_loop3A_548, %parallel_loop3A_549 : i32
        %parallel_loop3A_551 = arith.constant 0 : i32
        %parallel_loop3A_552 = arith.cmpi slt, %parallel_loop3A_548, %parallel_loop3A_551 : i32
        %parallel_loop3A_553 = arith.constant 0 : i32
        %parallel_loop3A_554 = arith.cmpi slt, %parallel_loop3A_547, %parallel_loop3A_553 : i32
        %parallel_loop3A_555 = arith.xori %parallel_loop3A_552, %parallel_loop3A_554 : i1
        %parallel_loop3A_556 = arith.andi %parallel_loop3A_555, %parallel_loop3A_550 : i1
        %parallel_loop3A_557 = arith.addi %parallel_loop3A_548, %parallel_loop3A_547 : i32
        %parallel_loop3A_558 = arith.select %parallel_loop3A_556, %parallel_loop3A_557, %parallel_loop3A_548 : i32
        %parallel_loop3A_559 = arith.constant 16 : i32
        %parallel_loop3A_560 = arith.muli %parallel_loop3A_558, %parallel_loop3A_559 : i32
        %parallel_loop3A_561 = arith.index_cast %parallel_loop3A_542 : i32 to index
        %parallel_loop3A_562 = arith.index_cast %parallel_loop3A_560 : i32 to index
        %parallel_loop3A_563 = tpu.vector_load %arg6[%parallel_loop3A_561, %parallel_loop3A_562] {strides = array<i32>} : memref<16x512xf32, #tpu.memory_space<vmem>>, vector<16xf32>,
        %parallel_loop3A_564 = arith.constant 1 : i32
        %parallel_loop3A_565 = arith.constant 0 : i32
        %parallel_loop3A_566 = arith.index_cast %parallel_loop3A_564 : i32 to index
        %parallel_loop3A_567 = arith.index_cast %parallel_loop3A_565 : i32 to index
        %parallel_loop3A_568 = arith.index_cast %parallel_loop3A_542 : i32 to index
        %parallel_loop3A_569 = arith.index_cast %parallel_loop3A_560 : i32 to index
        %parallel_loop3A_570 = tpu.vector_load %arg5[%parallel_loop3A_566, %parallel_loop3A_567, %parallel_loop3A_568, %parallel_loop3A_569] {strides = array<i32>} : memref<2x4x16x512xf32, #tpu.memory_space<vmem>>, vector<16xf32>,
        %parallel_loop3A_571 = arith.mulf %broadcast_in_dim3A_480, %parallel_loop3A_570 : vector<16xf32>
        %parallel_loop3A_572 = arith.constant 1 : i32
        %parallel_loop3A_573 = arith.constant 1 : i32
        %parallel_loop3A_574 = arith.index_cast %parallel_loop3A_572 : i32 to index
        %parallel_loop3A_575 = arith.index_cast %parallel_loop3A_573 : i32 to index
        %parallel_loop3A_576 = arith.index_cast %parallel_loop3A_542 : i32 to index
        %parallel_loop3A_577 = arith.index_cast %parallel_loop3A_560 : i32 to index
        %parallel_loop3A_578 = tpu.vector_load %arg5[%parallel_loop3A_574, %parallel_loop3A_575, %parallel_loop3A_576, %parallel_loop3A_577] {strides = array<i32>} : memref<2x4x16x512xf32, #tpu.memory_space<vmem>>, vector<16xf32>,
        %parallel_loop3A_579 = arith.mulf %broadcast_in_dim3A_489, %parallel_loop3A_578 : vector<16xf32>
        %parallel_loop3A_580 = arith.addf %parallel_loop3A_571, %parallel_loop3A_579 : vector<16xf32>
        %parallel_loop3A_581 = arith.addf %parallel_loop3A_563, %parallel_loop3A_580 : vector<16xf32>
        %parallel_loop3A_582 = arith.constant 1 : i32
        %parallel_loop3A_583 = arith.constant 2 : i32
        %parallel_loop3A_584 = arith.index_cast %parallel_loop3A_582 : i32 to index
        %parallel_loop3A_585 = arith.index_cast %parallel_loop3A_583 : i32 to index
        %parallel_loop3A_586 = arith.index_cast %parallel_loop3A_542 : i32 to index
        %parallel_loop3A_587 = arith.index_cast %parallel_loop3A_560 : i32 to index
        %parallel_loop3A_588 = tpu.vector_load %arg5[%parallel_loop3A_584, %parallel_loop3A_585, %parallel_loop3A_586, %parallel_loop3A_587] {strides = array<i32>} : memref<2x4x16x512xf32, #tpu.memory_space<vmem>>, vector<16xf32>,
        %parallel_loop3A_589 = arith.mulf %broadcast_in_dim3A_498, %parallel_loop3A_588 : vector<16xf32>
        %parallel_loop3A_590 = arith.constant 1 : i32
        %parallel_loop3A_591 = arith.constant 3 : i32
        %parallel_loop3A_592 = arith.index_cast %parallel_loop3A_590 : i32 to index
        %parallel_loop3A_593 = arith.index_cast %parallel_loop3A_591 : i32 to index
        %parallel_loop3A_594 = arith.index_cast %parallel_loop3A_542 : i32 to index
        %parallel_loop3A_595 = arith.index_cast %parallel_loop3A_560 : i32 to index
        %parallel_loop3A_596 = tpu.vector_load %arg5[%parallel_loop3A_592, %parallel_loop3A_593, %parallel_loop3A_594, %parallel_loop3A_595] {strides = array<i32>} : memref<2x4x16x512xf32, #tpu.memory_space<vmem>>, vector<16xf32>,
        %parallel_loop3A_597 = arith.mulf %broadcast_in_dim3A_507, %parallel_loop3A_596 : vector<16xf32>
        %parallel_loop3A_598 = arith.addf %parallel_loop3A_589, %parallel_loop3A_597 : vector<16xf32>
        %parallel_loop3A_599 = arith.addf %parallel_loop3A_581, %parallel_loop3A_598 : vector<16xf32>
        %parallel_loop3A_600 = arith.index_cast %parallel_loop3A_542 : i32 to index
        %parallel_loop3A_601 = arith.index_cast %parallel_loop3A_560 : i32 to index
        %parallel_loop3A_602 = tpu.vector_load %arg6[%parallel_loop3A_600, %parallel_loop3A_601] {strides = array<i32>} : memref<16x512xf32, #tpu.memory_space<vmem>>, vector<16xf32>,
        tpu.vector_store %arg6[%parallel_loop3A_600, %parallel_loop3A_601], %parallel_loop3A_599 {strides = array<i32>} : memref<16x512xf32, #tpu.memory_space<vmem>>, vector<16xf32>,
      } {sc.loop_unroll_factor = 4 : i64, sc.parallel_access}
      %add3A_511 = arith.constant 2 : i32
      %add3A_512 = arith.addi %add3A_403, %add3A_511 : i32
      %lt3A_513 = arith.cmpi slt, %add3A_512, %mul3A_22 : i32
      %convert_element_type3A_514 = arith.extui %lt3A_513 : i1 to i32
      %cond3A_515 = arith.constant 0 : i32
      %cond3A_516 = arith.cmpi ne, %convert_element_type3A_514, %cond3A_515 : i32
      scf.if %cond3A_516 {
        %add3A_518 = arith.constant 2 : i32
        %add3A_519 = arith.addi %add3A_403, %add3A_518 : i32
        %mul3A_520 = arith.constant 4 : i32
        %mul3A_521 = arith.muli %add3A_519, %mul3A_520 : i32
        %add3A_522 = arith.constant 0 : i32
        %add3A_523 = arith.addi %mul3A_521, %add3A_522 : i32
        %jit3A_524 = arith.constant 16 : i32
        %div3A = arith.divsi %add3A_523, %jit3A_524 : i32
        %sign3A = arith.constant 0 : i32
        %sign3A_525 = arith.cmpi sgt, %add3A_523, %sign3A : i32
        %sign3A_526 = arith.extui %sign3A_525 : i1 to i32
        %sign3A_527 = arith.constant 0 : i32
        %sign3A_528 = arith.cmpi slt, %add3A_523, %sign3A_527 : i32
        %sign3A_529 = arith.extui %sign3A_528 : i1 to i32
        %sign3A_530 = arith.subi %sign3A_526, %sign3A_529 : i32
        %sign3A_531 = arith.constant 0 : i32
        %sign3A_532 = arith.cmpi sgt, %jit3A_524, %sign3A_531 : i32
        %sign3A_533 = arith.extui %sign3A_532 : i1 to i32
        %sign3A_534 = arith.constant 0 : i32
        %sign3A_535 = arith.cmpi slt, %jit3A_524, %sign3A_534 : i32
        %sign3A_536 = arith.extui %sign3A_535 : i1 to i32
        %sign3A_537 = arith.subi %sign3A_533, %sign3A_536 : i32
        %ne3A = arith.cmpi ne, %sign3A_530, %sign3A_537 : i32
        %rem3A = arith.remsi %add3A_523, %jit3A_524 : i32
        %ne3A_538 = arith.constant 0 : i32
        %ne3A_539 = arith.cmpi ne, %rem3A, %ne3A_538 : i32
        %and3A = arith.andi %ne3A, %ne3A_539 : i1
        %sub3A = arith.constant 1 : i32
        %sub3A_540 = arith.subi %div3A, %sub3A : i32
        %select_n3A_541 = arith.select %and3A, %sub3A_540, %div3A : i32
        %mul3A_542 = arith.constant 16 : i32
        %mul3A_543 = arith.muli %select_n3A_541, %mul3A_542 : i32
        %get3A_544 = arith.index_cast %mul3A_543 : i32 to index
        %get3A_545 = tpu.vector_load %arg7[%get3A_544] {strides = array<i32>} : memref<136xi32, #tpu.memory_space<vmem>>, vector<16xi32>,
        %sub3A_546 = arith.subi %add3A_523, %mul3A_543 : i32
        %broadcast_in_dim3A_547 = vector.broadcast %sub3A_546 : i32 to vector<16xi32>
        %eq3A_548 = arith.cmpi eq, %iota3A, %broadcast_in_dim3A_547 : vector<16xi32>
        %broadcast_in_dim3A_549 = arith.constant -1 : i32
        %broadcast_in_dim3A_550 = vector.broadcast %broadcast_in_dim3A_549 : i32 to vector<16xi32>
        %select_n3A_551 = arith.select %eq3A_548, %get3A_545, %broadcast_in_dim3A_550 : vector<16xi1>, vector<16xi32>
        %reduce_max3A_552 = arith.constant true
        %reduce_max3A_553 = vector.broadcast %reduce_max3A_552 : i1 to vector<16xi1>
        %reduce_max3A_554 = arith.constant -2147483648 : i32
        %reduce_max3A_555 = vector.broadcast %reduce_max3A_554 : i32 to vector<16xi32>
        %reduce_max3A_556 = arith.xori %select_n3A_551, %reduce_max3A_555 : vector<16xi32>
        %reduce_max3A_557 = tpu.scan <max>, %reduce_max3A_556 masked %reduce_max3A_553 : vector<16xi32>, vector<16xi1> -> vector<16xi32>
        %reduce_max3A_558 = arith.xori %reduce_max3A_557, %reduce_max3A_555 : vector<16xi32>
        %reduce_max3A_559 = vector.extract %reduce_max3A_558[15] : i32 from vector<16xi32>
        %dma_start3A_560 = arith.constant 1 : i32
        %dma_start3A_561 = arith.constant 0 : i32
        %dma_start3A_562 = arith.constant 0 : i32
        %dma_start3A_563 = arith.constant 0 : i32
        %dma_start3A_564 = tpu.memref_slice %arg5[%dma_start3A_560, %dma_start3A_561, %dma_start3A_562, %dma_start3A_563] : memref<2x4x16x512xf32, #tpu.memory_space<vmem>> -> memref<1x1x16x512xf32, #tpu.memory_space<vmem>>
        %dma_start3A_565 = tpu.memref_squeeze %dma_start3A_564 : memref<1x1x16x512xf32, #tpu.memory_space<vmem>> -> memref<16x512xf32, #tpu.memory_space<vmem>>
        %dma_start3A_566 = arith.constant 0 : i32
        %dma_start3A_567 = tpu.memref_slice %arg2[%reduce_max3A_559, %mul3A_2, %dma_start3A_566] : memref<100x512x512xf32, #tpu.memory_space<hbm>> -> memref<1x16x512xf32, #tpu.memory_space<hbm>>
        %dma_start3A_568 = tpu.memref_squeeze %dma_start3A_567 : memref<1x16x512xf32, #tpu.memory_space<hbm>> -> memref<16x512xf32, #tpu.memory_space<hbm>>
        %dma_start3A_569 = arith.constant 0 : i32
        %dma_start3A_570 = arith.constant 0 : i32
        %dma_start3A_571 = tpu.memref_slice %arg5[%dma_start3A_560, %dma_start3A_561, %dma_start3A_569, %dma_start3A_570] : memref<2x4x16x512xf32, #tpu.memory_space<vmem>> -> memref<1x1x16x512xf32, #tpu.memory_space<vmem>>
        %dma_start3A_572 = tpu.memref_squeeze %dma_start3A_571 : memref<1x1x16x512xf32, #tpu.memory_space<vmem>> -> memref<16x512xf32, #tpu.memory_space<vmem>>
        %dma_start3A_573 = arith.constant 0 : i32
        %dma_start3A_574 = tpu.memref_slice %arg2[%reduce_max3A_559, %mul3A_2, %dma_start3A_573] : memref<100x512x512xf32, #tpu.memory_space<hbm>> -> memref<1x16x512xf32, #tpu.memory_space<hbm>>
        %dma_start3A_575 = tpu.memref_squeeze %dma_start3A_574 : memref<1x16x512xf32, #tpu.memory_space<hbm>> -> memref<16x512xf32, #tpu.memory_space<hbm>>
        tpu.enqueue_dma source(%dma_start3A_575 : memref<16x512xf32, #tpu.memory_space<hbm>>) target(%dma_start3A_572 : memref<16x512xf32, #tpu.memory_space<vmem>>) target_semaphore(%arg9 : memref<!tpu.dma_semaphore, #tpu.memory_space<semaphore_mem>>)
        %mul3A_576 = arith.constant 4 : i32
        %mul3A_577 = arith.muli %add3A_519, %mul3A_576 : i32
        %add3A_578 = arith.constant 1 : i32
        %add3A_579 = arith.addi %mul3A_577, %add3A_578 : i32
        %jit3A_580 = arith.constant 16 : i32
        %div3A_581 = arith.divsi %add3A_579, %jit3A_580 : i32
        %sign3A_582 = arith.constant 0 : i32
        %sign3A_583 = arith.cmpi sgt, %add3A_579, %sign3A_582 : i32
        %sign3A_584 = arith.extui %sign3A_583 : i1 to i32
        %sign3A_585 = arith.constant 0 : i32
        %sign3A_586 = arith.cmpi slt, %add3A_579, %sign3A_585 : i32
        %sign3A_587 = arith.extui %sign3A_586 : i1 to i32
        %sign3A_588 = arith.subi %sign3A_584, %sign3A_587 : i32
        %sign3A_589 = arith.constant 0 : i32
        %sign3A_590 = arith.cmpi sgt, %jit3A_580, %sign3A_589 : i32
        %sign3A_591 = arith.extui %sign3A_590 : i1 to i32
        %sign3A_592 = arith.constant 0 : i32
        %sign3A_593 = arith.cmpi slt, %jit3A_580, %sign3A_592 : i32
        %sign3A_594 = arith.extui %sign3A_593 : i1 to i32
        %sign3A_595 = arith.subi %sign3A_591, %sign3A_594 : i32
        %ne3A_596 = arith.cmpi ne, %sign3A_588, %sign3A_595 : i32
        %rem3A_597 = arith.remsi %add3A_579, %jit3A_580 : i32
        %ne3A_598 = arith.constant 0 : i32
        %ne3A_599 = arith.cmpi ne, %rem3A_597, %ne3A_598 : i32
        %and3A_600 = arith.andi %ne3A_596, %ne3A_599 : i1
        %sub3A_601 = arith.constant 1 : i32
        %sub3A_602 = arith.subi %div3A_581, %sub3A_601 : i32
        %select_n3A_603 = arith.select %and3A_600, %sub3A_602, %div3A_581 : i32
        %mul3A_604 = arith.constant 16 : i32
        %mul3A_605 = arith.muli %select_n3A_603, %mul3A_604 : i32
        %get3A_606 = arith.index_cast %mul3A_605 : i32 to index
        %get3A_607 = tpu.vector_load %arg7[%get3A_606] {strides = array<i32>} : memref<136xi32, #tpu.memory_space<vmem>>, vector<16xi32>,
        %sub3A_608 = arith.subi %add3A_579, %mul3A_605 : i32
        %broadcast_in_dim3A_609 = vector.broadcast %sub3A_608 : i32 to vector<16xi32>
        %eq3A_610 = arith.cmpi eq, %iota3A, %broadcast_in_dim3A_609 : vector<16xi32>
        %broadcast_in_dim3A_611 = arith.constant -1 : i32
        %broadcast_in_dim3A_612 = vector.broadcast %broadcast_in_dim3A_611 : i32 to vector<16xi32>
        %select_n3A_613 = arith.select %eq3A_610, %get3A_607, %broadcast_in_dim3A_612 : vector<16xi1>, vector<16xi32>
        %reduce_max3A_614 = arith.constant true
        %reduce_max3A_615 = vector.broadcast %reduce_max3A_614 : i1 to vector<16xi1>
        %reduce_max3A_616 = arith.constant -2147483648 : i32
        %reduce_max3A_617 = vector.broadcast %reduce_max3A_616 : i32 to vector<16xi32>
        %reduce_max3A_618 = arith.xori %select_n3A_613, %reduce_max3A_617 : vector<16xi32>
        %reduce_max3A_619 = tpu.scan <max>, %reduce_max3A_618 masked %reduce_max3A_615 : vector<16xi32>, vector<16xi1> -> vector<16xi32>
        %reduce_max3A_620 = arith.xori %reduce_max3A_619, %reduce_max3A_617 : vector<16xi32>
        %reduce_max3A_621 = vector.extract %reduce_max3A_620[15] : i32 from vector<16xi32>
        %dma_start3A_622 = arith.constant 1 : i32
        %dma_start3A_623 = arith.constant 1 : i32
        %dma_start3A_624 = arith.constant 0 : i32
        %dma_start3A_625 = arith.constant 0 : i32
        %dma_start3A_626 = tpu.memref_slice %arg5[%dma_start3A_622, %dma_start3A_623, %dma_start3A_624, %dma_start3A_625] : memref<2x4x16x512xf32, #tpu.memory_space<vmem>> -> memref<1x1x16x512xf32, #tpu.memory_space<vmem>>
        %dma_start3A_627 = tpu.memref_squeeze %dma_start3A_626 : memref<1x1x16x512xf32, #tpu.memory_space<vmem>> -> memref<16x512xf32, #tpu.memory_space<vmem>>
        %dma_start3A_628 = arith.constant 0 : i32
        %dma_start3A_629 = tpu.memref_slice %arg2[%reduce_max3A_621, %mul3A_2, %dma_start3A_628] : memref<100x512x512xf32, #tpu.memory_space<hbm>> -> memref<1x16x512xf32, #tpu.memory_space<hbm>>
        %dma_start3A_630 = tpu.memref_squeeze %dma_start3A_629 : memref<1x16x512xf32, #tpu.memory_space<hbm>> -> memref<16x512xf32, #tpu.memory_space<hbm>>
        %dma_start3A_631 = arith.constant 0 : i32
        %dma_start3A_632 = arith.constant 0 : i32
        %dma_start3A_633 = tpu.memref_slice %arg5[%dma_start3A_622, %dma_start3A_623, %dma_start3A_631, %dma_start3A_632] : memref<2x4x16x512xf32, #tpu.memory_space<vmem>> -> memref<1x1x16x512xf32, #tpu.memory_space<vmem>>
        %dma_start3A_634 = tpu.memref_squeeze %dma_start3A_633 : memref<1x1x16x512xf32, #tpu.memory_space<vmem>> -> memref<16x512xf32, #tpu.memory_space<vmem>>
        %dma_start3A_635 = arith.constant 0 : i32
        %dma_start3A_636 = tpu.memref_slice %arg2[%reduce_max3A_621, %mul3A_2, %dma_start3A_635] : memref<100x512x512xf32, #tpu.memory_space<hbm>> -> memref<1x16x512xf32, #tpu.memory_space<hbm>>
        %dma_start3A_637 = tpu.memref_squeeze %dma_start3A_636 : memref<1x16x512xf32, #tpu.memory_space<hbm>> -> memref<16x512xf32, #tpu.memory_space<hbm>>
        tpu.enqueue_dma source(%dma_start3A_637 : memref<16x512xf32, #tpu.memory_space<hbm>>) target(%dma_start3A_634 : memref<16x512xf32, #tpu.memory_space<vmem>>) target_semaphore(%arg9 : memref<!tpu.dma_semaphore, #tpu.memory_space<semaphore_mem>>)
        %mul3A_638 = arith.constant 4 : i32
        %mul3A_639 = arith.muli %add3A_519, %mul3A_638 : i32
        %add3A_640 = arith.constant 2 : i32
        %add3A_641 = arith.addi %mul3A_639, %add3A_640 : i32
        %jit3A_642 = arith.constant 16 : i32
        %div3A_643 = arith.divsi %add3A_641, %jit3A_642 : i32
        %sign3A_644 = arith.constant 0 : i32
        %sign3A_645 = arith.cmpi sgt, %add3A_641, %sign3A_644 : i32
        %sign3A_646 = arith.extui %sign3A_645 : i1 to i32
        %sign3A_647 = arith.constant 0 : i32
        %sign3A_648 = arith.cmpi slt, %add3A_641, %sign3A_647 : i32
        %sign3A_649 = arith.extui %sign3A_648 : i1 to i32
        %sign3A_650 = arith.subi %sign3A_646, %sign3A_649 : i32
        %sign3A_651 = arith.constant 0 : i32
        %sign3A_652 = arith.cmpi sgt, %jit3A_642, %sign3A_651 : i32
        %sign3A_653 = arith.extui %sign3A_652 : i1 to i32
        %sign3A_654 = arith.constant 0 : i32
        %sign3A_655 = arith.cmpi slt, %jit3A_642, %sign3A_654 : i32
        %sign3A_656 = arith.extui %sign3A_655 : i1 to i32
        %sign3A_657 = arith.subi %sign3A_653, %sign3A_656 : i32
        %ne3A_658 = arith.cmpi ne, %sign3A_650, %sign3A_657 : i32
        %rem3A_659 = arith.remsi %add3A_641, %jit3A_642 : i32
        %ne3A_660 = arith.constant 0 : i32
        %ne3A_661 = arith.cmpi ne, %rem3A_659, %ne3A_660 : i32
        %and3A_662 = arith.andi %ne3A_658, %ne3A_661 : i1
        %sub3A_663 = arith.constant 1 : i32
        %sub3A_664 = arith.subi %div3A_643, %sub3A_663 : i32
        %select_n3A_665 = arith.select %and3A_662, %sub3A_664, %div3A_643 : i32
        %mul3A_666 = arith.constant 16 : i32
        %mul3A_667 = arith.muli %select_n3A_665, %mul3A_666 : i32
        %get3A_668 = arith.index_cast %mul3A_667 : i32 to index
        %get3A_669 = tpu.vector_load %arg7[%get3A_668] {strides = array<i32>} : memref<136xi32, #tpu.memory_space<vmem>>, vector<16xi32>,
        %sub3A_670 = arith.subi %add3A_641, %mul3A_667 : i32
        %broadcast_in_dim3A_671 = vector.broadcast %sub3A_670 : i32 to vector<16xi32>
        %eq3A_672 = arith.cmpi eq, %iota3A, %broadcast_in_dim3A_671 : vector<16xi32>
        %broadcast_in_dim3A_673 = arith.constant -1 : i32
        %broadcast_in_dim3A_674 = vector.broadcast %broadcast_in_dim3A_673 : i32 to vector<16xi32>
        %select_n3A_675 = arith.select %eq3A_672, %get3A_669, %broadcast_in_dim3A_674 : vector<16xi1>, vector<16xi32>
        %reduce_max3A_676 = arith.constant true
        %reduce_max3A_677 = vector.broadcast %reduce_max3A_676 : i1 to vector<16xi1>
        %reduce_max3A_678 = arith.constant -2147483648 : i32
        %reduce_max3A_679 = vector.broadcast %reduce_max3A_678 : i32 to vector<16xi32>
        %reduce_max3A_680 = arith.xori %select_n3A_675, %reduce_max3A_679 : vector<16xi32>
        %reduce_max3A_681 = tpu.scan <max>, %reduce_max3A_680 masked %reduce_max3A_677 : vector<16xi32>, vector<16xi1> -> vector<16xi32>
        %reduce_max3A_682 = arith.xori %reduce_max3A_681, %reduce_max3A_679 : vector<16xi32>
        %reduce_max3A_683 = vector.extract %reduce_max3A_682[15] : i32 from vector<16xi32>
        %dma_start3A_684 = arith.constant 1 : i32
        %dma_start3A_685 = arith.constant 2 : i32
        %dma_start3A_686 = arith.constant 0 : i32
        %dma_start3A_687 = arith.constant 0 : i32
        %dma_start3A_688 = tpu.memref_slice %arg5[%dma_start3A_684, %dma_start3A_685, %dma_start3A_686, %dma_start3A_687] : memref<2x4x16x512xf32, #tpu.memory_space<vmem>> -> memref<1x1x16x512xf32, #tpu.memory_space<vmem>>
        %dma_start3A_689 = tpu.memref_squeeze %dma_start3A_688 : memref<1x1x16x512xf32, #tpu.memory_space<vmem>> -> memref<16x512xf32, #tpu.memory_space<vmem>>
        %dma_start3A_690 = arith.constant 0 : i32
        %dma_start3A_691 = tpu.memref_slice %arg2[%reduce_max3A_683, %mul3A_2, %dma_start3A_690] : memref<100x512x512xf32, #tpu.memory_space<hbm>> -> memref<1x16x512xf32, #tpu.memory_space<hbm>>
        %dma_start3A_692 = tpu.memref_squeeze %dma_start3A_691 : memref<1x16x512xf32, #tpu.memory_space<hbm>> -> memref<16x512xf32, #tpu.memory_space<hbm>>
        %dma_start3A_693 = arith.constant 0 : i32
        %dma_start3A_694 = arith.constant 0 : i32
        %dma_start3A_695 = tpu.memref_slice %arg5[%dma_start3A_684, %dma_start3A_685, %dma_start3A_693, %dma_start3A_694] : memref<2x4x16x512xf32, #tpu.memory_space<vmem>> -> memref<1x1x16x512xf32, #tpu.memory_space<vmem>>
        %dma_start3A_696 = tpu.memref_squeeze %dma_start3A_695 : memref<1x1x16x512xf32, #tpu.memory_space<vmem>> -> memref<16x512xf32, #tpu.memory_space<vmem>>
        %dma_start3A_697 = arith.constant 0 : i32
        %dma_start3A_698 = tpu.memref_slice %arg2[%reduce_max3A_683, %mul3A_2, %dma_start3A_697] : memref<100x512x512xf32, #tpu.memory_space<hbm>> -> memref<1x16x512xf32, #tpu.memory_space<hbm>>
        %dma_start3A_699 = tpu.memref_squeeze %dma_start3A_698 : memref<1x16x512xf32, #tpu.memory_space<hbm>> -> memref<16x512xf32, #tpu.memory_space<hbm>>
        tpu.enqueue_dma source(%dma_start3A_699 : memref<16x512xf32, #tpu.memory_space<hbm>>) target(%dma_start3A_696 : memref<16x512xf32, #tpu.memory_space<vmem>>) target_semaphore(%arg9 : memref<!tpu.dma_semaphore, #tpu.memory_space<semaphore_mem>>)
        %mul3A_700 = arith.constant 4 : i32
        %mul3A_701 = arith.muli %add3A_519, %mul3A_700 : i32
        %add3A_702 = arith.constant 3 : i32
        %add3A_703 = arith.addi %mul3A_701, %add3A_702 : i32
        %jit3A_704 = arith.constant 16 : i32
        %div3A_705 = arith.divsi %add3A_703, %jit3A_704 : i32
        %sign3A_706 = arith.constant 0 : i32
        %sign3A_707 = arith.cmpi sgt, %add3A_703, %sign3A_706 : i32
        %sign3A_708 = arith.extui %sign3A_707 : i1 to i32
        %sign3A_709 = arith.constant 0 : i32
        %sign3A_710 = arith.cmpi slt, %add3A_703, %sign3A_709 : i32
        %sign3A_711 = arith.extui %sign3A_710 : i1 to i32
        %sign3A_712 = arith.subi %sign3A_708, %sign3A_711 : i32
        %sign3A_713 = arith.constant 0 : i32
        %sign3A_714 = arith.cmpi sgt, %jit3A_704, %sign3A_713 : i32
        %sign3A_715 = arith.extui %sign3A_714 : i1 to i32
        %sign3A_716 = arith.constant 0 : i32
        %sign3A_717 = arith.cmpi slt, %jit3A_704, %sign3A_716 : i32
        %sign3A_718 = arith.extui %sign3A_717 : i1 to i32
        %sign3A_719 = arith.subi %sign3A_715, %sign3A_718 : i32
        %ne3A_720 = arith.cmpi ne, %sign3A_712, %sign3A_719 : i32
        %rem3A_721 = arith.remsi %add3A_703, %jit3A_704 : i32
        %ne3A_722 = arith.constant 0 : i32
        %ne3A_723 = arith.cmpi ne, %rem3A_721, %ne3A_722 : i32
        %and3A_724 = arith.andi %ne3A_720, %ne3A_723 : i1
        %sub3A_725 = arith.constant 1 : i32
        %sub3A_726 = arith.subi %div3A_705, %sub3A_725 : i32
        %select_n3A_727 = arith.select %and3A_724, %sub3A_726, %div3A_705 : i32
        %mul3A_728 = arith.constant 16 : i32
        %mul3A_729 = arith.muli %select_n3A_727, %mul3A_728 : i32
        %get3A_730 = arith.index_cast %mul3A_729 : i32 to index
        %get3A_731 = tpu.vector_load %arg7[%get3A_730] {strides = array<i32>} : memref<136xi32, #tpu.memory_space<vmem>>, vector<16xi32>,
        %sub3A_732 = arith.subi %add3A_703, %mul3A_729 : i32
        %broadcast_in_dim3A_733 = vector.broadcast %sub3A_732 : i32 to vector<16xi32>
        %eq3A_734 = arith.cmpi eq, %iota3A, %broadcast_in_dim3A_733 : vector<16xi32>
        %broadcast_in_dim3A_735 = arith.constant -1 : i32
        %broadcast_in_dim3A_736 = vector.broadcast %broadcast_in_dim3A_735 : i32 to vector<16xi32>
        %select_n3A_737 = arith.select %eq3A_734, %get3A_731, %broadcast_in_dim3A_736 : vector<16xi1>, vector<16xi32>
        %reduce_max3A_738 = arith.constant true
        %reduce_max3A_739 = vector.broadcast %reduce_max3A_738 : i1 to vector<16xi1>
        %reduce_max3A_740 = arith.constant -2147483648 : i32
        %reduce_max3A_741 = vector.broadcast %reduce_max3A_740 : i32 to vector<16xi32>
        %reduce_max3A_742 = arith.xori %select_n3A_737, %reduce_max3A_741 : vector<16xi32>
        %reduce_max3A_743 = tpu.scan <max>, %reduce_max3A_742 masked %reduce_max3A_739 : vector<16xi32>, vector<16xi1> -> vector<16xi32>
        %reduce_max3A_744 = arith.xori %reduce_max3A_743, %reduce_max3A_741 : vector<16xi32>
        %reduce_max3A_745 = vector.extract %reduce_max3A_744[15] : i32 from vector<16xi32>
        %dma_start3A_746 = arith.constant 1 : i32
        %dma_start3A_747 = arith.constant 3 : i32
        %dma_start3A_748 = arith.constant 0 : i32
        %dma_start3A_749 = arith.constant 0 : i32
        %dma_start3A_750 = tpu.memref_slice %arg5[%dma_start3A_746, %dma_start3A_747, %dma_start3A_748, %dma_start3A_749] : memref<2x4x16x512xf32, #tpu.memory_space<vmem>> -> memref<1x1x16x512xf32, #tpu.memory_space<vmem>>
        %dma_start3A_751 = tpu.memref_squeeze %dma_start3A_750 : memref<1x1x16x512xf32, #tpu.memory_space<vmem>> -> memref<16x512xf32, #tpu.memory_space<vmem>>
        %dma_start3A_752 = arith.constant 0 : i32
        %dma_start3A_753 = tpu.memref_slice %arg2[%reduce_max3A_745, %mul3A_2, %dma_start3A_752] : memref<100x512x512xf32, #tpu.memory_space<hbm>> -> memref<1x16x512xf32, #tpu.memory_space<hbm>>
        %dma_start3A_754 = tpu.memref_squeeze %dma_start3A_753 : memref<1x16x512xf32, #tpu.memory_space<hbm>> -> memref<16x512xf32, #tpu.memory_space<hbm>>
        %dma_start3A_755 = arith.constant 0 : i32
        %dma_start3A_756 = arith.constant 0 : i32
        %dma_start3A_757 = tpu.memref_slice %arg5[%dma_start3A_746, %dma_start3A_747, %dma_start3A_755, %dma_start3A_756] : memref<2x4x16x512xf32, #tpu.memory_space<vmem>> -> memref<1x1x16x512xf32, #tpu.memory_space<vmem>>
        %dma_start3A_758 = tpu.memref_squeeze %dma_start3A_757 : memref<1x1x16x512xf32, #tpu.memory_space<vmem>> -> memref<16x512xf32, #tpu.memory_space<vmem>>
        %dma_start3A_759 = arith.constant 0 : i32
        %dma_start3A_760 = tpu.memref_slice %arg2[%reduce_max3A_745, %mul3A_2, %dma_start3A_759] : memref<100x512x512xf32, #tpu.memory_space<hbm>> -> memref<1x16x512xf32, #tpu.memory_space<hbm>>
        %dma_start3A_761 = tpu.memref_squeeze %dma_start3A_760 : memref<1x16x512xf32, #tpu.memory_space<hbm>> -> memref<16x512xf32, #tpu.memory_space<hbm>>
        tpu.enqueue_dma source(%dma_start3A_761 : memref<16x512xf32, #tpu.memory_space<hbm>>) target(%dma_start3A_758 : memref<16x512xf32, #tpu.memory_space<vmem>>) target_semaphore(%arg9 : memref<!tpu.dma_semaphore, #tpu.memory_space<semaphore_mem>>)
      } else {
      }
      %while3A_517 = arith.constant 0 : i32
      scf.yield %while3A_517 : i32
    }
    "tpu.region"() ({
      %run_scoped3A = tpu.sem_alloc : memref<!tpu.dma_semaphore, #tpu.memory_space<semaphore_mem>>
      %dma_start3A_288 = arith.constant 0 : i32
      %dma_start3A_289 = tpu.memref_slice %arg4[%mul3A_2, %dma_start3A_288] : memref<512x512xf32, #tpu.memory_space<hbm>> -> memref<16x512xf32, #tpu.memory_space<hbm>>
      %dma_start3A_290 = arith.constant 0 : i32
      %dma_start3A_291 = tpu.memref_slice %arg4[%mul3A_2, %dma_start3A_290] : memref<512x512xf32, #tpu.memory_space<hbm>> -> memref<16x512xf32, #tpu.memory_space<hbm>>
      tpu.enqueue_dma source(%arg6 : memref<16x512xf32, #tpu.memory_space<vmem>>) target(%dma_start3A_291 : memref<16x512xf32, #tpu.memory_space<hbm>>) target_semaphore(%run_scoped3A : memref<!tpu.dma_semaphore, #tpu.memory_space<semaphore_mem>>)
      %dma_wait3A = arith.constant 0 : i32
      %dma_wait3A_292 = tpu.memref_slice %arg4[%mul3A_2, %dma_wait3A] : memref<512x512xf32, #tpu.memory_space<hbm>> -> memref<16x512xf32, #tpu.memory_space<hbm>>
      %dma_wait3A_293 = arith.constant 0 : i32
      %dma_wait3A_294 = tpu.memref_slice %arg4[%mul3A_2, %dma_wait3A_293] : memref<512x512xf32, #tpu.memory_space<hbm>> -> memref<16x512xf32, #tpu.memory_space<hbm>>
      tpu.wait_dma2 semaphore(%run_scoped3A : memref<!tpu.dma_semaphore, #tpu.memory_space<semaphore_mem>>) src(%arg6 : memref<16x512xf32, #tpu.memory_space<vmem>>) dst(%dma_wait3A_294 : memref<16x512xf32, #tpu.memory_space<hbm>>)
      tpu.yield
    }) : () -> ()
    return
  }
}

module attributes {stable_mosaic.version = 14 : i64} {
  func.func @body(%arg0: i32, %arg1: memref<48xi32, #tpu.memory_space<smem>>, %arg2: memref<1xi32, #tpu.memory_space<smem>>, %arg3: memref<1x512x512xf32, #tpu.memory_space<vmem>>, %arg4: memref<512x512xf32, #tpu.memory_space<vmem>>) attributes {dimension_semantics = [#tpu.dimension_semantics<arbitrary>], iteration_bounds = array<i64: 48>, scalar_prefetch = 2 : i64, scratch_operands = 0 : i64, tpu.core_type = #tpu.core_type<tc>, window_params = [{transform_indices = @transform_0, window_bounds = array<i64: 1, 512, 512>}, {pipeline_mode = #tpu.pipeline_mode<synchronous>, transform_indices = @transform_1, window_bounds = array<i64: 512, 512>}]} {
    %eq3A = arith.constant 0 : i32
    %eq3A_0 = arith.cmpi eq, %arg0, %eq3A : i32
    %convert_element_type3A = arith.extui %eq3A_0 : i1 to i32
    %cond3A = arith.constant 0 : i32
    %cond3A_1 = arith.cmpi ne, %convert_element_type3A, %cond3A : i32
    scf.if %cond3A_1 {
      %broadcast_in_dim3A = arith.constant 0.000000e+00 : f32
      %broadcast_in_dim3A_16 = vector.broadcast %broadcast_in_dim3A : f32 to vector<512x512xf32>
      %swap3A_17 = arith.constant 0 : index
      %swap3A_18 = arith.constant 0 : index
      %swap3A_19 = vector.load %arg4[%swap3A_17, %swap3A_18] : memref<512x512xf32, #tpu.memory_space<vmem>>, vector<512x512xf32>
      tpu.vector_store %arg4[%swap3A_17, %swap3A_18], %broadcast_in_dim3A_16 {strides = array<i32>} : memref<512x512xf32, #tpu.memory_space<vmem>>, vector<512x512xf32>,
    } else {
    }
    %get3A = arith.constant 0 : index
    %get3A_2 = memref.load %arg2[%get3A] : memref<1xi32, #tpu.memory_space<smem>>
    %lt3A = arith.cmpi slt, %arg0, %get3A_2 : i32
    %convert_element_type3A_3 = arith.extui %lt3A : i1 to i32
    %convert_element_type3A_4 = arith.sitofp %convert_element_type3A_3 : i32 to f32
    %get3A_5 = arith.constant 0 : index
    %get3A_6 = arith.constant 0 : index
    %get3A_7 = vector.load %arg4[%get3A_5, %get3A_6] : memref<512x512xf32, #tpu.memory_space<vmem>>, vector<512x512xf32>
    %get3A_8 = arith.constant 0 : index
    %get3A_9 = arith.constant 0 : index
    %get3A_10 = arith.constant 0 : index
    %get3A_11 = vector.load %arg3[%get3A_8, %get3A_9, %get3A_10] : memref<1x512x512xf32, #tpu.memory_space<vmem>>, vector<1x512x512xf32>
    %get3A_12 = vector.shape_cast %get3A_11 : vector<1x512x512xf32> to vector<512x512xf32>
    %mul3A = vector.broadcast %convert_element_type3A_4 : f32 to vector<512x512xf32>
    %mul3A_13 = arith.mulf %mul3A, %get3A_12 : vector<512x512xf32>
    %add3A = arith.addf %get3A_7, %mul3A_13 : vector<512x512xf32>
    %swap3A = arith.constant 0 : index
    %swap3A_14 = arith.constant 0 : index
    %swap3A_15 = vector.load %arg4[%swap3A, %swap3A_14] : memref<512x512xf32, #tpu.memory_space<vmem>>, vector<512x512xf32>
    tpu.vector_store %arg4[%swap3A, %swap3A_14], %add3A {strides = array<i32>} : memref<512x512xf32, #tpu.memory_space<vmem>>, vector<512x512xf32>,
    return
  }
  func.func @transform_0(%arg0: i32, %arg1: memref<48xi32, #tpu.memory_space<smem>>, %arg2: memref<1xi32, #tpu.memory_space<smem>>) -> (i32, i32, i32) {
    %get3A = arith.index_cast %arg0 : i32 to index
    %get3A_0 = memref.load %arg1[%get3A] : memref<48xi32, #tpu.memory_space<smem>>
    %c0_i32 = arith.constant 0 : i32
    %c0_i32_1 = arith.constant 0 : i32
    %c0_i32_2 = arith.constant 0 : i32
    return %get3A_0, %c0_i32, %c0_i32_1 : i32, i32, i32
  }
  func.func @transform_1(%arg0: i32, %arg1: memref<48xi32, #tpu.memory_space<smem>>, %arg2: memref<1xi32, #tpu.memory_space<smem>>) -> (i32, i32) {
    %c0_i32 = arith.constant 0 : i32
    %c0_i32_0 = arith.constant 0 : i32
    %c0_i32_1 = arith.constant 0 : i32
    return %c0_i32, %c0_i32_0 : i32, i32
  }
}

</mosaic_0001>

<sc_bundles>
// kernel: kernel.4.cloned.1.call-start
scs
__scs_entry_jumppad:
0x0: {  	(pc) =	sbr.rel $0x88, $3  }
0x1: {  	(tag) =	ssettag $0x0;
	lr =	simm.s32 $0x1  }
0x2: {  	[smem:$0x3F9E] =	sst lr;
	_ =	strace $0xD0000000  }
0x3: {  	_ = 	snop  }
0x4: {  	_ = 	snop  }
0x5: {  	_ = 	snop  }
0x6: {  	_ = 	snop  }
0x7: {  	_ = 	snop  }
__scs_overlays_trampoline_lowered:
0x8: {  	[smem:$0x3FAD] =	sst s0  }
0x9: {  	[smem:$0x3FAE] =	sst s1  }
0xa: {  	[smem:$0x3FAF] =	sst s2  }
0xb: {  	[smem:$0x3FB0] =	sst s3  }
0xc: {  	[smem:$0x3FB1] =	sst s4  }
0xd: {  	[smem:$0x3FB2] =	sst s5  }
0xe: {  	[smem:$0x3FB3] =	sst s6  }
0xf: {  	[smem:$0x3FB4] =	sst s7  }
0x10: {  	[smem:$0x3FB5] =	sst s8  }
0x11: {  	[smem:$0x3FB6] =	sst s9;
	s0 =	simm.s32 @!p0 $0x0  }
0x12: {  	s1 =	sld [smem:$0x3F9C];
	s0 =	simm.s32 @p0 $0x1  }
0x13: {  	[smem:$0x3FB7] =	sst s0;
	s0 =	simm.s32 @!p1 $0x0  }
0x14: {  	s2 =	sld [smem:$0x3F9B];
	s0 =	simm.s32 @p1 $0x1  }
0x15: {  	[smem:$0x3FB8] =	sst s0;
	s0 =	simm.s32 @!p2 $0x0  }
0x16: {  	s3 =	sld [smem:$0x3FDB];
	s0 =	simm.s32 @p2 $0x1  }
0x17: {  	s4 =	simm.s32 $0x1BF5;
	[smem:$0x3FBA] =	sst s0  }
0x18: {  	s0 =	sld [smem:$0x3F9D];
	_ =	swait.ge [sflag:s4], $0x0  }
0x19: {  	s7 =	sld [smem:$0x3F9E]  }
0x1a: {  	s8 =	sadd.s32 $0xFFFFE003, lr  }
0x1b: {  	s9 =	sadd.s32 $0xFFFFFEF7, lr;
	s5 =	simm.s32 $0xFFFFFFFF;
	p2 =	slt.u32 s8, $0xFFFFF086  }
0x1c: {  	p1 =	slt.u32 s9, $0xF7A;
	s5 =	simm.s32 @!p2 $0x0  }
0x1d: {  	s5 =	simm.s32 @p1 $0x1;
	p0 =	seq.s32 s7, s2  }
0x1e: {  	s7 =	smul.u32 @!p0 $0xF7A, s2;
	p2 =	seq.s32 @!p0 s5, $0x0  }
0x1f: {  	s9 =	smul.u32 $0xF7A, s1;
	s8 =	simm.s32 @!p0 $0x1BF5;
	p2 =	por !p2, p0  }
0x20: {  	[sflag:s8] =	ssyncset.s32 @!p0 $0xFFFFF086;
	s6 =	sadd.s32 @!p0 s3, s7;
	s7 =	simm.s32 @!p0 $0x108  }
0x21: {  	s3 =	sadd.s32 s3, s9;
	s6 =	sadd.s32 @!p0 $0x88, s6;
	s7 =	simm.s32 @p2 $0x1082  }
0x22: {  	[simem:s7], [sflag:s8] =	dma.local @!p0 [hbm:s6], $0xF7A  }
0x23: {  	s9 =	sor.u32 $0xD0000000, s2;
	s6 =	simm.s32 $0x108;
	_ =	swait.ge @!p0 [sflag:s8], $0x0  }
0x24: {  	s3 =	sadd.s32 $0x88, s3;
	s6 =	simm.s32 @!p1 $0x1082;
	[sflag:s4] =	ssyncset.s32 $0xFFFFF086  }
0x25: {  	[simem:s6], [sflag:s4] =	dma.local [hbm:s3], $0xF7A  }
0x26: {  	[smem:$0x3F9E] =	sst s1;
	(tag) =	ssettag s2;
	_ =	strace s9  }
0x27: {  	s1 =	sld [smem:$0x3FAE]  }
0x28: {  	s2 =	sld [smem:$0x3FAF]  }
0x29: {  	s4 =	sld [smem:$0x3FB1]  }
0x2a: {  	p0 =	seq.s32 s5, $0x0;
	s5 =	sld [smem:$0x3FB2]  }
0x2b: {  	s6 =	sld [smem:$0x3FB3]  }
0x2c: {  	s7 =	sld [smem:$0x3FB4]  }
0x2d: {  	s3 =	simm.s32 $0x108;
	s8 =	sld [smem:$0x3FB5]  }
0x2e: {  	s3 =	simm.s32 @!p0 $0x1082;
	s9 =	sld [smem:$0x3FB6]  }
0x2f: {  	lr =	sadd.s32 s0, s3;
	s0 =	sld [smem:$0x3FAD]  }
0x30: {  	s3 =	sld [smem:$0x3FB0]  }
0x31: {  	[smem:$0x3FB9] =	sst s10  }
0x32: {  	s10 =	sld [smem:$0x3FB7];
	_ =	sdelay $0x3  }
0x33: {  	p0 =	seq.s32 s10, $0x1;
	s10 =	sld [smem:$0x3FB9];
	_ =	sdelay $0x3  }
0x34: {  	[smem:$0x3FB9] =	sst s10  }
0x35: {  	s10 =	sld [smem:$0x3FB8];
	_ =	sdelay $0x3  }
0x36: {  	p1 =	seq.s32 s10, $0x1;
	s10 =	sld [smem:$0x3FB9];
	_ =	sdelay $0x3  }
0x37: {  	[smem:$0x3FB9] =	sst s10  }
0x38: {  	s10 =	sld [smem:$0x3FBA]  }
0x39: {  	_ = 	snop;
	(pc) =	sbr.ind lr, $3  }
0x3a: {  	_ = 	snop  }
0x3b: {  	_ = 	snop  }
0x3c: {  	p2 =	seq.s32 s10, $0x1;
	s10 =	sld [smem:$0x3FB9]  }
0x3d: {  	_ =	shalt  }
0x3e: {  	_ =	shalt  }
0x3f: {  	_ =	shalt  }
0x40: {  	_ =	shalt  }
0x41: {  	_ =	shalt  }
0x42: {  	_ =	shalt  }
0x43: {  	_ =	shalt  }
0x44: {  	_ =	shalt  }
0x45: {  	_ =	shalt  }
0x46: {  	_ =	shalt  }
0x47: {  	_ =	shalt  }
0x48: {  	_ =	shalt  }
0x49: {  	_ =	shalt  }
0x4a: {  	_ =	shalt  }
0x4b: {  	_ =	shalt  }
0x4c: {  	_ =	shalt  }
0x4d: {  	_ =	shalt  }
0x4e: {  	_ =	shalt  }
0x4f: {  	_ =	shalt  }
0x50: {  	_ =	shalt  }
0x51: {  	_ =	shalt  }
0x52: {  	_ =	shalt  }
0x53: {  	_ =	shalt  }
0x54: {  	_ =	shalt  }
0x55: {  	_ =	shalt  }
0x56: {  	_ =	shalt  }
0x57: {  	_ =	shalt  }
0x58: {  	_ =	shalt  }
0x59: {  	_ =	shalt  }
0x5a: {  	_ =	shalt  }
0x5b: {  	_ =	shalt  }
0x5c: {  	_ =	shalt  }
0x5d: {  	_ =	shalt  }
0x5e: {  	_ =	shalt  }
0x5f: {  	_ =	shalt  }
0x60: {  	_ =	shalt  }
0x61: {  	_ =	shalt  }
0x62: {  	_ =	shalt  }
0x63: {  	_ =	shalt  }
0x64: {  	_ =	shalt  }
0x65: {  	_ =	shalt  }
0x66: {  	_ =	shalt  }
0x67: {  	_ =	shalt  }
0x68: {  	_ =	shalt  }
0x69: {  	_ =	shalt  }
0x6a: {  	_ =	shalt  }
0x6b: {  	_ =	shalt  }
0x6c: {  	_ =	shalt  }
0x6d: {  	_ =	shalt  }
0x6e: {  	_ =	shalt  }
0x6f: {  	_ =	shalt  }
0x70: {  	_ =	shalt  }
0x71: {  	_ =	shalt  }
0x72: {  	_ =	shalt  }
0x73: {  	_ =	shalt  }
0x74: {  	_ =	shalt  }
0x75: {  	_ =	shalt  }
0x76: {  	_ =	shalt  }
0x77: {  	_ =	shalt  }
0x78: {  	_ =	shalt  }
0x79: {  	_ =	shalt  }
0x7a: {  	_ =	shalt  }
0x7b: {  	_ =	shalt  }
0x7c: {  	_ =	shalt  }
0x7d: {  	_ =	shalt  }
0x7e: {  	_ =	shalt  }
0x7f: {  	_ =	shalt  }
0x80: {  	_ =	shalt  }
0x81: {  	_ =	shalt  }
0x82: {  	_ =	shalt  }
0x83: {  	_ =	shalt  }
0x84: {  	_ =	shalt  }
0x85: {  	_ =	shalt  }
0x86: {  	_ =	shalt  }
0x87: {  	_ =	shalt  }
.Lfunc_end0:
.L_simem_size_0:
called_computation_lowered:
.L_overlay_start_0:
0x88: {  	s2 =	sld [smem:$0x3FD9]  }
0x89: {  	s3 =	sld [smem:$0x3FFE];
	_ =	sdelay $0x1  }
0x8a: {  	s1 =	srdreg.scid  }
0x8b: {  	s0 =	sand.u32 $0x1, s1  }
0x8c: {  	s15 =	sshll.u32 s0, $0xA;
	s2 =	sadd.s32 s3, s2  }
0x8d: {  	s2 =	sadd.s32 s2, s15  }
0x8e: {  	[smem:$0x3FC5] =	sst s2  }
0x8f: {  	_ = 	snop  }
0x90: {  	s2 =	sld [smem:$0x3FD0];
	_ =	sdelay $0x2  }
0x91: {  	s4 =	simm.s32 $0xA;
	s5 =	simm.s32 $0x10;
	s16 =	sld [smem:$0x3FC8]  }
0x92: {  	[smem:s5], [sflag:s4] =	dma.local [hbm:s2], $0x1  }
0x93: {  	_ =	swait.eq [sflag:s4], $0x1  }
0x94: {  	[sflag:s4] =	ssyncset.done $0x0  }
0x95: {  	s17 =	sld [smem:$0x10];
	[sflag:s4] =	ssyncadd.s32 $0xFFFFFFFF  }
0x96: {  	s18 =	sld [smem:$0x11];
	(tm) =	ssettm $0x1  }
0x97: {  	s19 =	sld [smem:$0x3FFB];
	_ =	sdelay $0x3  }
0x98: {  	_ =	strace s19  }
0x99: {  	s5 =	sld [smem:$0x3FFC];
	_ =	sdelay $0x3  }
0x9a: {  	_ =	strace s5  }
0x9b: {  	s5 =	sld [smem:$0x3FFD];
	_ =	sdelay $0x3  }
0x9c: {  	_ =	strace s5  }
0x9d: {  	_ =	strace $0x8FFFFFFF  }
0x9e: {  	s20 =	sld [smem:$0x3FDB];
	_ =	sdelay $0x1  }
0x9f: {  	s6 =	simm.s32 $_scs_section_size  }
0xa0: {  	s7 =	simm.s32 $_size__tile_overlayer_lowered;
	s8 =	simm.s32 $_tile_overlayer_lowered  }
0xa1: {  	s23 =	simm.s32 $0x1BFF;
	s22 =	sshll.u32 s8, $0x1;
	s5 =	sadd.s32 s6, s20  }
0xa2: {  	s9 =	simm.s32 $0x0;
	s21 =	sshll.u32 s7, $0x1;
	s7 =	sadd.s32 s22, s5  }
0xa3: {  	[timem:s9], [sflag:s23] =	dma.local [hbm:s7], s21  }
0xa4: {  	_ =	swait.ge [sflag:s23], s21  }
0xa5: {  	s6 =	ssub.s32 $0x0, s21;
	[sflag:s23] =	ssyncset.done $0x0  }
0xa6: {  	[sflag:s23] =	ssyncadd.s32 s6;
	_ =	sdelay $0x1  }
0xa7: {  	s24 =	simm.s32 $0x1B8B  }
0xa8: {  	_ =	swait.ge [sflag:s24], $0x1  }
0xa9: {  	[sflag:s24] =	ssyncset.done $0x0  }
0xaa: {  	s25 =	simm.s32 $0x1B8E;
	[sflag:s24] =	ssyncadd.s32 $0xFFFFFFFF  }
0xab: {  	s26 =	simm.s32 $execute0_lowered;
	[smem:$0x3FD2] =	sst s25  }
0xac: {  	s6 =	sshll.u32 s26, $0x1;
	_ =	strace $0x80000046;
	[dreg:$0x1] =	wrdreg $0xFFFFFFFF  }
0xad: {  	s28 =	simm.s32 $_size_execute0_lowered;
	s5 =	sadd.s32 s5, s6;
	[dreg:$0x0] =	wrdreg $0x0  }
0xae: {  	s6 =	sshll.u32 s28, $0x1;
	[dreg:$0x2] =	wrdreg s5  }
0xaf: {  	[dreg:$0x3] =	wrdreg s6  }
0xb0: {  	[dreg:$0x4] =	wrdreg $0xC0  }
0xb1: {  	_ =	task [dreg:s9], $0x5FFFF  }
0xb2: {  	[dreg:$0x1] =	wrdreg $0xFFFFFFFF  }
0xb3: {  	[dreg:$0x0] =	wrdreg $0x60  }
0xb4: {  	[dreg:$0x2] =	wrdreg s16  }
0xb5: {  	[dreg:$0x3] =	wrdreg s17  }
0xb6: {  	[dreg:$0x4] =	wrdreg s18  }
0xb7: {  	[dreg:$0x5] =	wrdreg $0x9  }
0xb8: {  	_ =	task.clear_ibuf [dreg:s9], $0x6FFFF;
	_ =	strace $0x90000046  }
0xb9: {  	s29 =	simm.s32 $0x9;
	_ =	strace $0x80000048  }
0xba: {  	_ =	swait.ge [sflag:s29], $0x1  }
0xbb: {  	[sflag:s29] =	ssyncadd.s32 $0xFFFFFFFF  }
0xbc: {  	_ =	strace $0x90000048  }
0xbd: {  	_ =	sfence  }
0xbe: {  	s30 =	sld [smem:$0x0];
	_ =	sdelay $0x2  }
0xbf: {  	s31 =	sshll.u32 s1, $0xD;
	s1 =	sshrl.u32 s1, $0x2  }
0xc0: {  	s3 =	sand.u32 $0x4000, s31;
	s1 =	sadd.s32 s1, s30  }
0xc1: {  	s0 =	sor.u32 s3, s0;
	s1 =	sshll.u32 s1, $0x11  }
0xc2: {  	s0 =	sor.u32 s1, s0  }
0xc3: {  	s0 =	sadd.s32 $0x8F2B, s0  }
0xc4: {  	[sflag:s0] =	ssyncadd.remote.s32 $0x1  }
0xc5: {  	_ =	sfence.sel $0xFFFF  }
0xc6: {  	[dreg:$0x0] =	wrdreg $0xFFFFFFFF;
	(pc) =	sbr.abs _section_cstart, $3  }
0xc7: {  	[dreg:$0x1] =	wrdreg $0xFFFFFFFF  }
0xc8: {  	_ =	task.clear_ibuf [dreg:s9], $0x2FFFF;
	_ =	strace $0x9FFFFFFF  }
0xc9: {  	(tm) =	ssettm $0x7FFFFFFF  }
tec
execute0_lowered:
.L_overlay_start_1:
0x0: {  	(tag) =	ssettag $0x1  }
0x1: {  	s0 =	srdreg.scid  }
0x2: {  	s1 =	rddreg [dreg:$0x2];
	s2 =	stileid.u32;
	s0 =	sand.u32 $0x1, s0  }
0x3: {  	s17 =	simm.s32 $0x1;
	s3 =	sshll.u32 s2, $0xE;
	s5 =	sshll.u32 s0, $0xD  }
.Ltmp0:
0x4: {  	s0 =	ssub.s32 $0x2, s0;
	s5 =	sor.u32 s5, s3;
	(pc) =	sbr.rel .LBB2_1-.Ltmp0, $4  }
0x5: {  	vm0 =	vmmov $0x1;
	s2 =	simm.s32 $0x0;
	s31 =	sshrl.u32 s0, $0x1;
	s6 =	sshrl.u32 s5, $0x3  }
0x6: {  	vm1 =	vcmask $0x308;
	vm2 =	vcmask $0x70C;
	vm3 =	vcmask $0xB10;
	[smem:$0x7FF] =	sst s2;
	s0 =	ssub.s32 s0, s31;
	s1 =	sadd.s32 s1, s6  }
0x7: {  	vm4 =	vcmask $0xF14;
	vm5 =	vcmask $0x1318;
	vm6 =	vcmask $0x171C;
	_ =	strace $0x80000047;
	s0 =	smax.u32 s0, $0x1;
	[dreg:$0x4] =	wrdreg s1  }
0x8: {  	s18 =	simm.s32 $0x2;
	vm7 =	vcmask $0x1B20;
	v0 =	vimm.f32 $0.0e+00;
	v1 =	vlaneseq.u32;
	s3 =	simm.s32 $0x0;
	[dreg:$0x5] =	wrdreg s0  }
.LBB2_14:
0x9: {  	s2 =	simm.s32 $0x0  }
0xa: {  	s0 =	rddreg [dreg:$0x4];
	s1 =	simm.s32 $0x10000;
	s30 =	simm.s32 $0x4  }
0xb: {  	[hbm4b:s0+s2] =	stream.linear.scatter [tilespmem:s1], [sflag:$0x4], $0x2000, $0x38;
	[tilespmem:$0x12100] =	vst v63  }
0xc: {  	_ =	swait.ge [sflag:s30], $0x2000  }
0xd: {  	s3 =	rddreg [dreg:$0x6]  }
0xe: {  	s31 =	rddreg [dreg:$0x5];
	s3 =	sadd.s32 $0x1, s3  }
0xf: {  	p0 =	sne.s32 s3, s31  }
.Ltmp1:
0x10: {  	_ = 	snop;
	(pc) =	sbr.rel @!p0 .LBB2_15-.Ltmp1, $3  }
0x11: {  	_ =	sdelay $0x1  }
0x12: {  	[sflag:s30] =	ssyncset.done $0x0  }
0x13: {  	[sflag:s30] =	ssyncadd.s32 $0xFFFFE000  }
.LBB2_1:
0x14: {  	[dreg:$0x6] =	wrdreg s3  }
0x15: {  	s0 =	rddreg [dreg:$0x1];
	s1 =	simm.s32 $0x12000;
	s7 =	simm.s32 $0x3  }
0x16: {  	[tilespmem:s1], [sflag:$0x3] =	stream.linear.gather [hbm4b:s0+s2], $0x100, $0x38;
	[tilespmem:$0x12100] =	vst v63  }
0x17: {  	_ =	swait.ge [sflag:s7], $0x100  }
0x18: {  	[sflag:s7] =	ssyncset.done $0x0  }
0x19: {  	[sflag:s7] =	ssyncadd.s32 $0xFFFFFF00  }
0x1a: {  	v2 =	vld [tilespmem:$0x12000];
	_ =	sdelay $0x4  }
0x1b: {  	v2 =	vnsel vm0, $0xFFFFFFFF, v2  }
0x1c: {  	v2 =	vxor.u32 $0x80000000, v2  }
0x1d: {  	(xrf0) =	vmax.scan.msk.u32 $0xffff, v2;
	_ =	sdelay $0x5  }
0x1e: {  	v2, _, _ =	vpop (xrf0)  }
0x1f: {  	(v2sf) =	vpush v2, $0xF;
	_ =	sdelay $0xe  }
0x20: {  	s8 =	spop (v2sf)  }
0x21: {  	s0 =	sshll.u32 s8, $0x12  }
0x22: {  	s0 =	sor.u32 s5, s0  }
0x23: {  	s9 =	rddreg [dreg:$0x0];
	s0 =	sshrl.u32 s0, $0x3  }
0x24: {  	v3 =	vld [tilespmem:$0x12078];
	s0 =	sadd.s32 s9, s0  }
0x25: {  	v2 =	vld [tilespmem:$0x12068];
	[tilespmem:s2], [sflag:$0x1] =	stream.linear.gather [hbm4b:s0+s2], $0x2000, $0x38  }
0x26: {  	v4 =	vld [tilespmem:$0x12000];
	_ =	sdelay $0x4  }
0x27: {  	v4 =	vsel vm1, $0xFFFFFFFF, v4  }
0x28: {  	v4 =	vxor.u32 $0x80000000, v4  }
0x29: {  	(xrf0) =	vmax.scan.msk.u32 $0xffff, v4;
	_ =	sdelay $0x5  }
0x2a: {  	v4, _, _ =	vpop (xrf0)  }
0x2b: {  	(v2sf) =	vpush v4, $0xF;
	_ =	sdelay $0xe  }
0x2c: {  	s10 =	spop (v2sf)  }
0x2d: {  	s0 =	sshll.u32 s10, $0x12  }
0x2e: {  	s0 =	sor.u32 s5, s0  }
0x2f: {  	s0 =	sshrl.u32 s0, $0x3  }
0x30: {  	s11 =	simm.s32 $0x2000;
	s0 =	sadd.s32 s9, s0  }
0x31: {  	[tilespmem:s11], [sflag:$0x1] =	stream.linear.gather [hbm4b:s0+s2], $0x2000, $0x38;
	[tilespmem:$0x12100] =	vst v63  }
0x32: {  	v4 =	vld [tilespmem:$0x12000];
	_ =	sdelay $0x4  }
0x33: {  	v4 =	vsel vm2, $0xFFFFFFFF, v4  }
0x34: {  	v4 =	vxor.u32 $0x80000000, v4  }
0x35: {  	(xrf0) =	vmax.scan.msk.u32 $0xffff, v4;
	_ =	sdelay $0x5  }
0x36: {  	v4, _, _ =	vpop (xrf0)  }
0x37: {  	(v2sf) =	vpush v4, $0xF;
	_ =	sdelay $0xe  }
0x38: {  	s12 =	spop (v2sf)  }
0x39: {  	s0 =	sshll.u32 s12, $0x12  }
0x3a: {  	s0 =	sor.u32 s5, s0  }
0x3b: {  	s0 =	sshrl.u32 s0, $0x3  }
0x3c: {  	s13 =	simm.s32 $0x4000;
	s0 =	sadd.s32 s9, s0  }
0x3d: {  	[tilespmem:s13], [sflag:$0x1] =	stream.linear.gather [hbm4b:s0+s2], $0x2000, $0x38;
	[tilespmem:$0x12100] =	vst v63  }
0x3e: {  	v4 =	vld [tilespmem:$0x12000];
	_ =	sdelay $0x4  }
0x3f: {  	v4 =	vsel vm3, $0xFFFFFFFF, v4  }
0x40: {  	v4 =	vxor.u32 $0x80000000, v4  }
0x41: {  	(xrf0) =	vmax.scan.msk.u32 $0xffff, v4;
	_ =	sdelay $0x5  }
0x42: {  	v4, _, _ =	vpop (xrf0)  }
0x43: {  	(v2sf) =	vpush v4, $0xF;
	_ =	sdelay $0xe  }
0x44: {  	s14 =	spop (v2sf)  }
0x45: {  	s0 =	sshll.u32 s14, $0x12  }
0x46: {  	s0 =	sor.u32 s5, s0  }
0x47: {  	s0 =	sshrl.u32 s0, $0x3  }
0x48: {  	s15 =	simm.s32 $0x6000;
	s0 =	sadd.s32 s9, s0  }
0x49: {  	[tilespmem:s15], [sflag:$0x1] =	stream.linear.gather [hbm4b:s0+s2], $0x2000, $0x38;
	[tilespmem:$0x12100] =	vst v63  }
0x4a: {  	v4 =	vld [tilespmem:$0x12000];
	_ =	sdelay $0x4  }
0x4b: {  	v4 =	vsel vm4, $0xFFFFFFFF, v4  }
0x4c: {  	v4 =	vxor.u32 $0x80000000, v4  }
0x4d: {  	(xrf0) =	vmax.scan.msk.u32 $0xffff, v4;
	_ =	sdelay $0x5  }
0x4e: {  	v4, _, _ =	vpop (xrf0)  }
0x4f: {  	(v2sf) =	vpush v4, $0xF;
	_ =	sdelay $0xe  }
0x50: {  	s16 =	spop (v2sf)  }
0x51: {  	s0 =	sshll.u32 s16, $0x12  }
0x52: {  	s0 =	sor.u32 s5, s0  }
0x53: {  	s0 =	sshrl.u32 s0, $0x3  }
0x54: {  	s19 =	simm.s32 $0x8000;
	s0 =	sadd.s32 s9, s0  }
0x55: {  	[tilespmem:s19], [sflag:$0x2] =	stream.linear.gather [hbm4b:s0+s2], $0x2000, $0x38;
	[tilespmem:$0x12100] =	vst v63  }
0x56: {  	v4 =	vld [tilespmem:$0x12000];
	_ =	sdelay $0x4  }
0x57: {  	v4 =	vsel vm5, $0xFFFFFFFF, v4  }
0x58: {  	v4 =	vxor.u32 $0x80000000, v4  }
0x59: {  	(xrf0) =	vmax.scan.msk.u32 $0xffff, v4;
	_ =	sdelay $0x5  }
0x5a: {  	v4, _, _ =	vpop (xrf0)  }
0x5b: {  	(v2sf) =	vpush v4, $0xF;
	_ =	sdelay $0xe  }
0x5c: {  	s20 =	spop (v2sf)  }
0x5d: {  	s0 =	sshll.u32 s20, $0x12  }
0x5e: {  	s0 =	sor.u32 s5, s0  }
0x5f: {  	s0 =	sshrl.u32 s0, $0x3  }
0x60: {  	s21 =	simm.s32 $0xA000;
	s0 =	sadd.s32 s9, s0  }
0x61: {  	[tilespmem:s21], [sflag:$0x2] =	stream.linear.gather [hbm4b:s0+s2], $0x2000, $0x38;
	[tilespmem:$0x12100] =	vst v63  }
0x62: {  	v4 =	vld [tilespmem:$0x12000];
	_ =	sdelay $0x4  }
0x63: {  	v4 =	vsel vm6, $0xFFFFFFFF, v4  }
0x64: {  	v4 =	vxor.u32 $0x80000000, v4  }
0x65: {  	(xrf0) =	vmax.scan.msk.u32 $0xffff, v4;
	_ =	sdelay $0x5  }
0x66: {  	v4, _, _ =	vpop (xrf0)  }
0x67: {  	(v2sf) =	vpush v4, $0xF;
	_ =	sdelay $0xe  }
0x68: {  	s22 =	spop (v2sf)  }
0x69: {  	s0 =	sshll.u32 s22, $0x12  }
0x6a: {  	s0 =	sor.u32 s5, s0  }
0x6b: {  	s0 =	sshrl.u32 s0, $0x3  }
0x6c: {  	s23 =	simm.s32 $0xC000;
	s0 =	sadd.s32 s9, s0  }
0x6d: {  	[tilespmem:s23], [sflag:$0x2] =	stream.linear.gather [hbm4b:s0+s2], $0x2000, $0x38;
	[tilespmem:$0x12100] =	vst v63  }
0x6e: {  	v4 =	vld [tilespmem:$0x12000];
	_ =	sdelay $0x4  }
0x6f: {  	v4 =	vsel vm7, $0xFFFFFFFF, v4  }
0x70: {  	v4 =	vxor.u32 $0x80000000, v4  }
0x71: {  	(xrf0) =	vmax.scan.msk.u32 $0xffff, v4;
	_ =	sdelay $0x5  }
0x72: {  	v4, _, _ =	vpop (xrf0)  }
0x73: {  	(v2sf) =	vpush v4, $0xF;
	_ =	sdelay $0xe  }
0x74: {  	s24 =	spop (v2sf)  }
0x75: {  	s0 =	sshll.u32 s24, $0x12  }
0x76: {  	s0 =	sor.u32 s5, s0  }
0x77: {  	s0 =	sshrl.u32 s0, $0x3  }
0x78: {  	s25 =	simm.s32 $0xE000;
	s26 =	simm.s32 $0x0;
	s0 =	sadd.s32 s9, s0  }
0x79: {  	[tilespmem:s25], [sflag:$0x2] =	stream.linear.gather [hbm4b:s0+s2], $0x2000, $0x38;
	[tilespmem:$0x12100] =	vst v63  }
0x7a: {  	s28 =	simm.s32 $0x0;
	s29 =	sand.u32 $0xC00, s2;
	s0 =	sand.u32 $0x1000, s26  }
0x7b: {  	s30 =	sand.u32 $0x60, s2;
	s1 =	sand.u32 $0x380, s28;
	s0 =	sor.u32 s29, s0  }
0x7c: {  	s31 =	simm.s32 $0x20;
	s6 =	sor.u32 s1, s0;
	s0 =	simm.s32 $0x100  }
0x7d: {  	s7 =	simm.s32 $0x8;
	s1 =	sand.u32 $0x1000, s31;
	s8 =	sand.u32 $0xC00, s0  }
0x7e: {  	s7 =	sand.u32 $0x380, s7;
	s8 =	sor.u32 s8, s1;
	s1 =	simm.s32 $0x20  }
0x7f: {  	s3 =	sor.u32 s30, s6;
	s9 =	sand.u32 $0x60, s1;
	s7 =	sor.u32 s7, s8  }
0x80: {  	s6 =	simm.s32 $0x2;
	[tilespmem:s3+$0x10010] =	vst v0;
	s7 =	sor.u32 s9, s7  }
.LBB2_2:
0x81: {  	s6 =	sadd.s32 $0x2, s6  }
0x82: {  	s0 =	sadd.s32 $0x100, s0;
	[tilespmem:s3+$0x10000] =	vst v0;
	s3 =	smov.u32 s7;
	p0 =	slt.u32 s6, $0x1FE  }
.Ltmp2:
0x83: {  	s7 =	sshll.u32 s6, $0x4;
	s8 =	sshll.u32 s6, $0x2;
	(pc) =	sbr.rel @p0 .LBB2_2-.Ltmp2, $4  }
0x84: {  	s9 =	sand.u32 $0xC00, s0;
	s7 =	sand.u32 $0x1000, s7  }
0x85: {  	s1 =	sadd.s32 $0x20, s1;
	s8 =	sand.u32 $0x380, s8;
	s7 =	sor.u32 s9, s7  }
0x86: {  	s9 =	sand.u32 $0x60, s1;
	s7 =	sor.u32 s8, s7  }
0x87: {  	s7 =	sor.u32 s9, s7;
	[tilespmem:s3+$0x10010] =	vst v0  }
0x88: {  	v2 =	vxor.u32 $0x80000000, v2  }
0x89: {  	(xrf0) =	vmax.scan.msk.u32 $0xffff, v2;
	_ =	sdelay $0x2  }
0x8a: {  	v2 =	vxor.u32 $0x80000000, v3;
	_ =	sdelay $0x2  }
0x8b: {  	(xrf0) =	vmax.scan.msk.u32 $0xffff, v2;
	v2, _, _ =	vpop (xrf0)  }
0x8c: {  	(v2sf) =	vpush v2, $0xF;
	_ =	sdelay $0x5  }
0x8d: {  	v2, _, _ =	vpop (xrf0)  }
0x8e: {  	(v2sf) =	vpush v2, $0xF;
	_ =	sdelay $0x7  }
0x8f: {  	s0 =	spop (v2sf)  }
0x90: {  	s1 =	sxor.u32 $0x80000000, s0  }
0x91: {  	p0 =	sgt.s32 s1, $0x0  }
.Ltmp3:
0x92: {  	_ = 	snop;
	(pc) =	sbr.rel @!p0 .LBB2_14-.Ltmp3, $4  }
0x93: {  	[tilespmem:s3+$0x10000] =	vst v0  }
0x94: {  	[tilespmem:s7+$0x10010] =	vst v0  }
0x95: {  	[tilespmem:s7+$0x10000] =	vst v0  }
0x96: {  	[dreg:$0x7] =	wrdreg s1;
	s1 =	spop (v2sf)  }
.Ltmp4:
0x97: {  	(pc) =	sbr.rel .LBB2_5-.Ltmp4, $2  }
0x98: {  	_ =	sdelay $0x2  }
0x99: {  	s23 =	sxor.u32 $0x80000000, s1;
	s24 =	sshll.u32 s0, $0x1;
	s26 =	simm.s32 $0x0  }
.LBB2_13:
0x9a: {  	s26 =	sadd.s32 $0x1, s26;
	s0 =	rddreg [dreg:$0x7]  }
0x9b: {  	p0 =	sne.s32 s26, s0  }
.Ltmp5:
0x9c: {  	_ = 	snop;
	(pc) =	sbr.rel @!p0 .LBB2_14-.Ltmp5, $1  }
0x9d: {  	_ =	sdelay $0x3  }
.LBB2_5:
0x9e: {  	_ =	swait.ge [sflag:s17], $0x2000  }
0x9f: {  	[sflag:s17] =	ssyncset.done $0x0  }
0xa0: {  	[sflag:s17] =	ssyncadd.s32 $0xFFFFE000  }
0xa1: {  	s28 =	sshll.u32 s26, $0x3;
	_ =	swait.ge [sflag:s17], $0x2000  }
0xa2: {  	s0 =	simm.s32 $0x0;
	s2 =	simm.s32 $0x0;
	[sflag:s17] =	ssyncset.done $0x0  }
0xa3: {  	s3 =	simm.s32 $0x0;
	s0 =	sand.u32 $0x1000, s0;
	[sflag:s17] =	ssyncadd.s32 $0xFFFFE000  }
0xa4: {  	s1 =	sand.u32 $0xC00, s2;
	s6 =	sand.u32 $0x40, s2;
	_ =	swait.ge [sflag:s17], $0x2000  }
0xa5: {  	s12 =	sand.u32 $0x380, s3;
	p0 =	slt.s32 s28, s23;
	[sflag:s17] =	ssyncset.done $0x0  }
0xa6: {  	s3 =	simm.f32 $1.000000000e+00;
	s19 =	sor.u32 $0x1, s28;
	[sflag:s17] =	ssyncadd.s32 $0xFFFFE000  }
0xa7: {  	s15 =	sor.u32 $0x2, s28;
	s0 =	sor.u32 s1, s0;
	_ =	swait.ge [sflag:s17], $0x2000  }
0xa8: {  	s13 =	sor.u32 $0x30, s6;
	s0 =	sor.u32 s12, s0;
	[sflag:s17] =	ssyncset.done $0x0  }
0xa9: {  	s7 =	sor.u32 $0x2000, s0;
	s29 =	sor.u32 s13, s0;
	[sflag:s17] =	ssyncadd.s32 $0xFFFFE000  }
0xaa: {  	s3 =	simm.s32 @!p0 $0x0;
	s8 =	sor.u32 $0x4000, s0;
	s9 =	sor.u32 s13, s7;
	v3 =	vld [tilespmem:s29+$0x0]  }
0xab: {  	p0 =	slt.s32 s19, s23;
	s20 =	sor.u32 $0x6000, s0;
	s14 =	sor.u32 s13, s8;
	v4 =	vld [tilespmem:s9+$0x0]  }
0xac: {  	s19 =	simm.f32 $1.000000000e+00;
	s16 =	sor.u32 $0x10, s6;
	s1 =	sor.u32 s13, s20;
	v6 =	vld [tilespmem:s14+$0x0]  }
0xad: {  	s10 =	sor.u32 $0x20, s6;
	s19 =	simm.s32 @!p0 $0x0;
	s30 =	sor.u32 s6, s7;
	v7 =	vld [tilespmem:s1+$0x0]  }
0xae: {  	p0 =	slt.s32 s15, s23;
	v2 =	vmov s3;
	s3 =	simm.f32 $1.000000000e+00;
	v8 =	vld [tilespmem:s30+$0x0];
	s30 =	sor.u32 $0x3, s28  }
0xaf: {  	v5 =	vmov s19;
	s31 =	sor.u32 s16, s7;
	s1 =	simm.f32 $1.000000000e+00;
	v9 =	vld [tilespmem:s29+$0x10000];
	p1 =	slt.s32 s30, s23  }
0xb0: {  	s7 =	sor.u32 s10, s7;
	v11 =	vld [tilespmem:s31+$0x0];
	s1 =	simm.s32 @!p0 $0x0;
	s3 =	simm.s32 @!p1 $0x0;
	v10 =	vmul.f32 v3, v2;
	v12 =	vmul.f32 v4, v5  }
0xb1: {  	v14 =	vld [tilespmem:s7+$0x0];
	s30 =	sor.u32 s6, s0;
	v3 =	vmov s1;
	v4 =	vmov s3  }
0xb2: {  	s31 =	sor.u32 s16, s0;
	v15 =	vld [tilespmem:s30+$0x0];
	v6 =	vmul.f32 v6, v3;
	v7 =	vmul.f32 v7, v4;
	v13 =	vadd.f32 v12, v10  }
0xb3: {  	s0 =	sor.u32 s10, s0;
	v12 =	vld [tilespmem:s31+$0x0]  }
0xb4: {  	s21 =	sor.u32 s6, s8;
	v10 =	vld [tilespmem:s0+$0x0];
	v17 =	vadd.f32 v7, v6;
	v16 =	vadd.f32 v13, v9  }
0xb5: {  	s22 =	sor.u32 s6, s20;
	s25 =	sor.u32 s16, s8;
	v9 =	vld [tilespmem:s21+$0x0]  }
0xb6: {  	s19 =	sor.u32 s10, s20;
	s7 =	sor.u32 s16, s20;
	s6 =	sor.u32 s10, s8;
	v11 =	vmul.f32 v11, v5;
	v6 =	vld [tilespmem:s22+$0x0];
	v7 =	vmul.f32 v14, v5;
	v14 =	vadd.f32 v17, v16  }
0xb7: {  	s8 =	simm.s32 $0x0;
	s1 =	simm.s32 $0x0;
	s3 =	simm.s32 $0x0;
	v15 =	vmul.f32 v15, v2;
	v13 =	vmul.f32 v8, v5;
	v8 =	vld [tilespmem:s25+$0x0]  }
.LBB2_6:
0xb8: {  	s1 =	sadd.s32 $0x4, s1;
	v12 =	vmul.f32 v12, v2;
	v16 =	vld [tilespmem:s7+$0x0];
	[tilespmem:s29+$0x10000] =	vst v14  }
0xb9: {  	s3 =	sadd.s32 $0x40, s3;
	s8 =	sadd.s32 $0x200, s8;
	s7 =	sshll.u32 s1, $0x4;
	v13 =	vadd.f32 v13, v15;
	v10 =	vmul.f32 v10, v2;
	v14 =	vld [tilespmem:s6+$0x0]  }
0xba: {  	s9 =	sshll.u32 s1, $0x2;
	s6 =	sand.u32 $0x1000, s7;
	s7 =	sand.u32 $0xC00, s8;
	v9 =	vmul.f32 v9, v3;
	v11 =	vadd.f32 v11, v12;
	v12 =	vld [tilespmem:s19+$0x0]  }
0xbb: {  	s10 =	sand.u32 $0x40, s3;
	s6 =	sor.u32 s7, s6;
	s7 =	sand.u32 $0x380, s9;
	v15 =	vld [tilespmem:s30+$0x10000];
	v6 =	vmul.f32 v6, v4;
	v7 =	vadd.f32 v7, v10  }
0xbc: {  	s9 =	sor.u32 $0x30, s10;
	s6 =	sor.u32 s7, s6;
	s7 =	sor.u32 $0x10, s10;
	v10 =	vld [tilespmem:s31+$0x10000];
	v8 =	vmul.f32 v8, v3  }
0xbd: {  	s20 =	sor.u32 $0x20, s10;
	s19 =	sor.u32 $0x2000, s6;
	s29 =	sor.u32 s9, s6;
	v6 =	vadd.f32 v6, v9;
	v9 =	vmul.f32 v16, v4;
	v16 =	vld [tilespmem:s0+$0x10000]  }
0xbe: {  	s12 =	sor.u32 $0x4000, s6;
	s11 =	sor.u32 s10, s19;
	v17 =	vld [tilespmem:s29+$0x0];
	s13 =	sor.u32 s9, s19;
	v14 =	vmul.f32 v14, v3  }
0xbf: {  	s14 =	sor.u32 $0x6000, s6;
	s15 =	sor.u32 s7, s19;
	v18 =	vld [tilespmem:s13+$0x0];
	s13 =	sor.u32 s9, s12;
	v8 =	vadd.f32 v9, v8;
	v9 =	vmul.f32 v12, v4  }
0xc0: {  	s16 =	sor.u32 s10, s6;
	s21 =	sor.u32 s20, s19;
	s9 =	sor.u32 s9, s14;
	v12 =	vld [tilespmem:s13+$0x0];
	v13 =	vadd.f32 v13, v15  }
0xc1: {  	s25 =	sor.u32 s7, s6;
	s22 =	sor.u32 s20, s6;
	s13 =	sor.u32 s10, s12;
	v15 =	vld [tilespmem:s9+$0x0];
	v10 =	vadd.f32 v11, v10;
	v9 =	vadd.f32 v9, v14  }
0xc2: {  	s9 =	sor.u32 s10, s14;
	s10 =	sor.u32 s7, s12;
	s7 =	sor.u32 s7, s14;
	v11 =	vld [tilespmem:s11+$0x0];
	v6 =	vadd.f32 v6, v13;
	v7 =	vadd.f32 v7, v16  }
0xc3: {  	p0 =	slt.u32 s1, $0x1FC;
	s6 =	sor.u32 s20, s12;
	s19 =	sor.u32 s20, s14;
	v14 =	vld [tilespmem:s29+$0x10000];
	v8 =	vadd.f32 v8, v10  }
0xc4: {  	v10 =	vmul.f32 v17, v2;
	v16 =	vld [tilespmem:s15+$0x0];
	v13 =	vmul.f32 v18, v5;
	[tilespmem:s30+$0x10000] =	vst v6;
	v6 =	vadd.f32 v9, v7;
	s30 =	smov.u32 s16  }
0xc5: {  	v7 =	vld [tilespmem:s21+$0x0];
	[tilespmem:s31+$0x10000] =	vst v8;
	s31 =	smov.u32 s25  }
0xc6: {  	v17 =	vmul.f32 v12, v3;
	v8 =	vld [tilespmem:s30+$0x0];
	v9 =	vadd.f32 v13, v10;
	v15 =	vmul.f32 v15, v4;
	[tilespmem:s0+$0x10000] =	vst v6;
	s0 =	smov.u32 s22  }
.Ltmp6:
0xc7: {  	v13 =	vmul.f32 v11, v5;
	v12 =	vld [tilespmem:s31+$0x0];
	(pc) =	sbr.rel @p0 .LBB2_6-.Ltmp6, $4  }
0xc8: {  	v10 =	vld [tilespmem:s0+$0x0];
	v14 =	vadd.f32 v9, v14;
	v15 =	vadd.f32 v15, v17  }
0xc9: {  	v9 =	vld [tilespmem:s13+$0x0];
	v11 =	vmul.f32 v16, v5  }
0xca: {  	v6 =	vld [tilespmem:s9+$0x0];
	v7 =	vmul.f32 v7, v5;
	v14 =	vadd.f32 v15, v14  }
0xcb: {  	v15 =	vmul.f32 v8, v2;
	v8 =	vld [tilespmem:s10+$0x0]  }
0xcc: {  	v5 =	vld [tilespmem:s7+$0x0]  }
0xcd: {  	v16 =	vld [tilespmem:s6+$0x0]  }
0xce: {  	v17 =	vld [tilespmem:s19+$0x0]  }
0xcf: {  	v18 =	vld [tilespmem:s30+$0x10000]  }
0xd0: {  	v57 =	vld [tilespmem:s31+$0x10000]  }
0xd1: {  	v12 =	vmul.f32 v12, v2;
	v58 =	vld [tilespmem:s0+$0x10000];
	v2 =	vmul.f32 v10, v2  }
0xd2: {  	v13 =	vadd.f32 v13, v15;
	v9 =	vmul.f32 v9, v3;
	v6 =	vmul.f32 v6, v4  }
0xd3: {  	v11 =	vadd.f32 v11, v12;
	v2 =	vadd.f32 v7, v2;
	v59 =	vmul.f32 v8, v3  }
0xd4: {  	[tilespmem:s29+$0x10000] =	vst v14;
	s29 =	sshll.u32 s26, $0x1;
	v5 =	vmul.f32 v5, v4;
	v6 =	vadd.f32 v6, v9;
	v3 =	vmul.f32 v16, v3  }
0xd5: {  	s1 =	sadd.s32 $0x2, s29;
	v60 =	vmul.f32 v17, v4;
	v61 =	vadd.f32 v13, v18;
	v62 =	vadd.f32 v11, v57  }
0xd6: {  	p0 =	sge.s32 s1, s24;
	v2 =	vadd.f32 v2, v58;
	v5 =	vadd.f32 v5, v59  }
.Ltmp7:
0xd7: {  	v3 =	vadd.f32 v60, v3;
	v63 =	vadd.f32 v6, v61;
	(pc) =	sbr.rel @p0 .LBB2_9-.Ltmp7, $4  }
0xd8: {  	v5 =	vadd.f32 v5, v62  }
0xd9: {  	[tilespmem:s30+$0x10000] =	vst v63;
	v2 =	vadd.f32 v3, v2  }
0xda: {  	[tilespmem:s31+$0x10000] =	vst v5  }
0xdb: {  	[tilespmem:s0+$0x10000] =	vst v2  }
0xdc: {  	s0 =	sand.u32 $0x1, s26  }
0xdd: {  	s3 =	sshll.u32 s1, $0x2;
	p0 =	seq.s32 s0, $0x1  }
0xde: {  	s6 =	sshra.s32 s3, $0x1F;
	p1 =	slt.s32 s3, $0x1;
	p0 =	por !p0, !p0  }
0xdf: {  	s11 =	sshrl.u32 s6, $0x1C;
	p0 =	por !p0, !p1  }
0xe0: {  	s8 =	simm.s32 $0x1;
	s7 =	sadd.s32 s11, s3;
	p0 =	por !p0, !p0  }
0xe1: {  	s7 =	sshrl.u32 s7, $0x4;
	s8 =	simm.s32 @!p0 $0x0  }
0xe2: {  	s7 =	ssub.s32 s7, s8  }
0xe3: {  	s7 =	sshll.u32 s7, $0x4  }
0xe4: {  	v2 =	vld [tilespmem:s7+$0x12000];
	_ =	sdelay $0x2  }
0xe5: {  	s7 =	ssub.s32 s3, s7  }
0xe6: {  	v3 =	vmov s7  }
0xe7: {  	vm8 =	veq.s32 v3, v1;
	v2 =	vxor.u32 $0x80000000, v2  }
0xe8: {  	v2 =	vnsel vm8, $0x7FFFFFFF, v2  }
0xe9: {  	(xrf0) =	vmax.scan.msk.u32 $0xffff, v2;
	_ =	sdelay $0x5  }
0xea: {  	v2, _, _ =	vpop (xrf0)  }
0xeb: {  	(v2sf) =	vpush v2, $0xF;
	_ =	sdelay $0xe  }
0xec: {  	s12 =	spop (v2sf)  }
0xed: {  	s7 =	sshll.u32 s12, $0x12  }
0xee: {  	s7 =	sor.u32 s5, s7  }
0xef: {  	s2 =	rddreg [dreg:$0x0];
	s7 =	sshrl.u32 s7, $0x3  }
0xf0: {  	s4 =	simm.s32 $0x0;
	s13 =	sxor.u32 $0xFFFFFFFF, s3;
	s7 =	sadd.s32 s2, s7  }
0xf1: {  	[tilespmem:s4], [sflag:$0x1] =	stream.linear.gather [hbm4b:s7+s4], $0x2000, $0x38;
	[tilespmem:$0x12100] =	vst v63  }
0xf2: {  	s7 =	sshrl.u32 s13, $0x1F  }
0xf3: {  	s14 =	sor.u32 $0x1, s3;
	s6 =	sadd.s32 s7, s6  }
0xf4: {  	s15 =	sadd.s32 s11, s14;
	p0 =	sne.s32 s6, $0x1;
	s6 =	simm.s32 $0x1  }
0xf5: {  	s7 =	sshrl.u32 s15, $0x4;
	s6 =	simm.s32 @!p0 $0x0  }
0xf6: {  	s7 =	ssub.s32 s7, s6  }
0xf7: {  	s7 =	sshll.u32 s7, $0x4  }
0xf8: {  	v2 =	vld [tilespmem:s7+$0x12000];
	_ =	sdelay $0x2  }
0xf9: {  	s7 =	ssub.s32 s14, s7  }
0xfa: {  	v3 =	vmov s7  }
0xfb: {  	vm8 =	veq.s32 v3, v1;
	v2 =	vxor.u32 $0x80000000, v2  }
0xfc: {  	v2 =	vnsel vm8, $0x7FFFFFFF, v2  }
0xfd: {  	(xrf0) =	vmax.scan.msk.u32 $0xffff, v2;
	_ =	sdelay $0x5  }
0xfe: {  	v2, _, _ =	vpop (xrf0)  }
0xff: {  	(v2sf) =	vpush v2, $0xF;
	_ =	sdelay $0xe  }
0x100: {  	s16 =	spop (v2sf)  }
0x101: {  	s7 =	sshll.u32 s16, $0x12  }
0x102: {  	s7 =	sor.u32 s5, s7  }
0x103: {  	s3 =	sor.u32 $0x2, s3;
	s7 =	sshrl.u32 s7, $0x3  }
0x104: {  	s19 =	simm.s32 $0x2000;
	s20 =	sadd.s32 s11, s3;
	s7 =	sadd.s32 s2, s7  }
0x105: {  	[tilespmem:s19], [sflag:$0x1] =	stream.linear.gather [hbm4b:s7+s4], $0x2000, $0x38;
	[tilespmem:$0x12100] =	vst v63  }
0x106: {  	s7 =	sshrl.u32 s20, $0x4  }
0x107: {  	s7 =	ssub.s32 s7, s6  }
0x108: {  	s7 =	sshll.u32 s7, $0x4  }
0x109: {  	v2 =	vld [tilespmem:s7+$0x12000];
	_ =	sdelay $0x2  }
0x10a: {  	s3 =	ssub.s32 s3, s7  }
0x10b: {  	v3 =	vmov s3  }
0x10c: {  	vm8 =	veq.s32 v3, v1;
	v2 =	vxor.u32 $0x80000000, v2  }
0x10d: {  	v2 =	vnsel vm8, $0x7FFFFFFF, v2  }
0x10e: {  	(xrf0) =	vmax.scan.msk.u32 $0xffff, v2;
	_ =	sdelay $0x5  }
0x10f: {  	v2, _, _ =	vpop (xrf0)  }
0x110: {  	(v2sf) =	vpush v2, $0xF;
	_ =	sdelay $0xe  }
0x111: {  	s25 =	sshllo.u32 s1, $0x2;
	s21 =	spop (v2sf)  }
0x112: {  	s0 =	sadd.s32 s11, s25;
	s3 =	sshll.u32 s21, $0x12  }
0x113: {  	s0 =	sshrl.u32 s0, $0x4;
	s3 =	sor.u32 s5, s3  }
0x114: {  	s0 =	ssub.s32 s0, s6;
	s3 =	sshrl.u32 s3, $0x3  }
0x115: {  	s22 =	simm.s32 $0x4000;
	s0 =	sshll.u32 s0, $0x4;
	s3 =	sadd.s32 s2, s3  }
0x116: {  	[tilespmem:s22], [sflag:$0x1] =	stream.linear.gather [hbm4b:s3+s4], $0x2000, $0x38;
	[tilespmem:$0x12100] =	vst v63  }
0x117: {  	v2 =	vld [tilespmem:s0+$0x12000];
	_ =	sdelay $0x2  }
0x118: {  	s0 =	ssub.s32 s25, s0  }
0x119: {  	v3 =	vmov s0  }
0x11a: {  	vm8 =	veq.s32 v3, v1;
	v2 =	vxor.u32 $0x80000000, v2  }
0x11b: {  	v2 =	vnsel vm8, $0x7FFFFFFF, v2  }
0x11c: {  	(xrf0) =	vmax.scan.msk.u32 $0xffff, v2;
	_ =	sdelay $0x5  }
0x11d: {  	v2, _, _ =	vpop (xrf0)  }
0x11e: {  	(v2sf) =	vpush v2, $0xF;
	_ =	sdelay $0xe  }
0x11f: {  	s30 =	spop (v2sf)  }
0x120: {  	s0 =	sshll.u32 s30, $0x12  }
0x121: {  	s0 =	sor.u32 s5, s0  }
0x122: {  	s0 =	sshrl.u32 s0, $0x3  }
0x123: {  	s31 =	simm.s32 $0x6000;
	s0 =	sadd.s32 s2, s0  }
0x124: {  	[tilespmem:s31], [sflag:$0x1] =	stream.linear.gather [hbm4b:s0+s4], $0x2000, $0x38;
	[tilespmem:$0x12100] =	vst v63  }
.LBB2_9:
0x125: {  	_ =	swait.ge [sflag:s18], $0x2000  }
0x126: {  	[sflag:s18] =	ssyncset.done $0x0  }
0x127: {  	s0 =	sor.u32 $0x4, s28;
	[sflag:s18] =	ssyncadd.s32 $0xFFFFE000  }
0x128: {  	s30 =	simm.s32 $0x0;
	s15 =	simm.s32 $0x0;
	_ =	swait.ge [sflag:s18], $0x2000  }
0x129: {  	s3 =	simm.s32 $0x0;
	s6 =	simm.f32 $1.000000000e+00;
	[sflag:s18] =	ssyncset.done $0x0  }
0x12a: {  	s16 =	sor.u32 $0x5, s28;
	s10 =	simm.f32 $1.000000000e+00;
	[sflag:s18] =	ssyncadd.s32 $0xFFFFE000  }
0x12b: {  	s12 =	sor.u32 $0x6, s28;
	p0 =	slt.s32 s0, s23;
	_ =	swait.ge [sflag:s18], $0x2000  }
0x12c: {  	s0 =	sand.u32 $0x1000, s15;
	s1 =	sand.u32 $0xC00, s30;
	[sflag:s18] =	ssyncset.done $0x0  }
0x12d: {  	s3 =	sand.u32 $0x380, s3;
	s0 =	sor.u32 s1, s0;
	[sflag:s18] =	ssyncadd.s32 $0xFFFFE000  }
0x12e: {  	s8 =	sand.u32 $0x40, s30;
	s0 =	sor.u32 s3, s0;
	_ =	swait.ge [sflag:s18], $0x2000  }
0x12f: {  	s19 =	sor.u32 $0x30, s8;
	s7 =	sor.u32 $0x8000, s0;
	[sflag:s18] =	ssyncset.done $0x0  }
0x130: {  	s9 =	sor.u32 $0xA000, s0;
	s20 =	sor.u32 s19, s7;
	[sflag:s18] =	ssyncadd.s32 $0xFFFFE000  }
0x131: {  	s2 =	sor.u32 $0x7, s28;
	s11 =	sor.u32 $0xC000, s0;
	s21 =	sor.u32 s19, s9;
	v4 =	vld [tilespmem:s20+$0x0]  }
0x132: {  	p1 =	slt.s32 s2, s23;
	s13 =	sor.u32 $0xE000, s0;
	s22 =	sor.u32 s19, s11;
	v5 =	vld [tilespmem:s21+$0x0]  }
0x133: {  	s6 =	simm.s32 @!p0 $0x0;
	p0 =	slt.s32 s16, s23;
	s25 =	sor.u32 s19, s13;
	v7 =	vld [tilespmem:s22+$0x0]  }
0x134: {  	s1 =	simm.f32 $1.000000000e+00;
	s15 =	sor.u32 $0x10000, s0;
	s14 =	sor.u32 s8, s7;
	v8 =	vld [tilespmem:s25+$0x0]  }
0x135: {  	s4 =	sor.u32 $0x10, s8;
	s10 =	simm.s32 @!p0 $0x0;
	s3 =	sor.u32 s19, s15;
	v10 =	vld [tilespmem:s14+$0x0]  }
0x136: {  	p0 =	slt.s32 s12, s23;
	v2 =	vmov s6;
	s0 =	simm.f32 $1.000000000e+00;
	v3 =	vmov s10;
	s12 =	sor.u32 s8, s9;
	v11 =	vld [tilespmem:s3+$0x0]  }
0x137: {  	s1 =	simm.s32 @!p1 $0x0;
	s0 =	simm.s32 @!p0 $0x0;
	s14 =	sor.u32 s4, s7;
	v12 =	vld [tilespmem:s12+$0x0];
	v9 =	vmul.f32 v4, v2;
	v13 =	vmul.f32 v5, v3  }
0x138: {  	s16 =	sor.u32 $0x20, s8;
	s20 =	sor.u32 s4, s9;
	v15 =	vld [tilespmem:s14+$0x0];
	v4 =	vmov s0;
	v5 =	vmov s1  }
0x139: {  	s7 =	sor.u32 s16, s7;
	v6 =	vld [tilespmem:s20+$0x0];
	v14 =	vmul.f32 v7, v4;
	v8 =	vmul.f32 v8, v5;
	v13 =	vadd.f32 v13, v9  }
0x13a: {  	s19 =	sor.u32 s16, s11;
	s31 =	sor.u32 s8, s15;
	s21 =	sor.u32 s16, s9;
	v9 =	vld [tilespmem:s7+$0x0]  }
0x13b: {  	s6 =	sor.u32 s16, s13;
	s28 =	sor.u32 s16, s15;
	s22 =	sor.u32 s8, s11;
	v7 =	vld [tilespmem:s21+$0x0];
	v16 =	vadd.f32 v8, v14;
	v11 =	vadd.f32 v13, v11  }
0x13c: {  	s25 =	sor.u32 s8, s13;
	s9 =	sor.u32 s4, s11;
	s8 =	simm.s32 $0x0;
	v14 =	vmul.f32 v12, v3;
	v13 =	vmul.f32 v10, v2;
	v10 =	vld [tilespmem:s22+$0x0]  }
0x13d: {  	s1 =	simm.s32 $0x0;
	s0 =	sor.u32 s4, s15;
	s7 =	sor.u32 s4, s13;
	v8 =	vld [tilespmem:s25+$0x0];
	v12 =	vmul.f32 v15, v2;
	v11 =	vadd.f32 v16, v11  }
.LBB2_10:
0x13e: {  	s1 =	sadd.s32 $0x4, s1;
	v13 =	vadd.f32 v14, v13;
	v6 =	vmul.f32 v6, v3;
	v14 =	vld [tilespmem:s9+$0x0]  }
0x13f: {  	s30 =	sadd.s32 $0x200, s30;
	s9 =	sshll.u32 s1, $0x4;
	p0 =	slt.u32 s1, $0x1FC;
	v15 =	vld [tilespmem:s7+$0x0];
	v9 =	vmul.f32 v9, v2;
	[tilespmem:s3+$0x0] =	vst v11  }
0x140: {  	s7 =	sand.u32 $0xC00, s30;
	s3 =	sand.u32 $0x1000, s9;
	s9 =	sshll.u32 s1, $0x2;
	v6 =	vadd.f32 v6, v12;
	v7 =	vmul.f32 v7, v3;
	v11 =	vld [tilespmem:s19+$0x0]  }
0x141: {  	s8 =	sadd.s32 $0x40, s8;
	s9 =	sand.u32 $0x380, s9;
	s3 =	sor.u32 s7, s3;
	v10 =	vmul.f32 v10, v4;
	v12 =	vld [tilespmem:s6+$0x0]  }
0x142: {  	s20 =	sand.u32 $0x40, s8;
	s3 =	sor.u32 s9, s3;
	v16 =	vld [tilespmem:s31+$0x0];
	v8 =	vmul.f32 v8, v5;
	v7 =	vadd.f32 v7, v9  }
0x143: {  	s10 =	sor.u32 $0x10, s20;
	s7 =	sor.u32 $0x30, s20;
	s6 =	sor.u32 $0x8000, s3;
	v9 =	vld [tilespmem:s0+$0x0];
	v14 =	vmul.f32 v14, v4  }
0x144: {  	s11 =	sor.u32 $0x20, s20;
	s9 =	sor.u32 $0xA000, s3;
	s12 =	sor.u32 s7, s6;
	v8 =	vadd.f32 v8, v10;
	v10 =	vmul.f32 v15, v5;
	v15 =	vld [tilespmem:s28+$0x0]  }
0x145: {  	s14 =	sor.u32 $0xC000, s3;
	s13 =	sor.u32 s20, s6;
	v17 =	vld [tilespmem:s12+$0x0];
	s12 =	sor.u32 s7, s9;
	v11 =	vmul.f32 v11, v4  }
0x146: {  	s16 =	sor.u32 $0xE000, s3;
	s15 =	sor.u32 s20, s9;
	v18 =	vld [tilespmem:s12+$0x0];
	s12 =	sor.u32 s7, s14;
	v10 =	vadd.f32 v10, v14;
	v12 =	vmul.f32 v12, v5  }
0x147: {  	s21 =	sor.u32 s10, s6;
	s22 =	sor.u32 s10, s9;
	v14 =	vld [tilespmem:s12+$0x0];
	s12 =	sor.u32 s7, s16;
	v13 =	vadd.f32 v13, v16  }
0x148: {  	s25 =	sor.u32 $0x10000, s3;
	s2 =	sor.u32 s11, s6;
	s4 =	sor.u32 s11, s9;
	v16 =	vld [tilespmem:s12+$0x0];
	v6 =	vadd.f32 v6, v9;
	v9 =	vadd.f32 v12, v11  }
0x149: {  	s3 =	sor.u32 s7, s25;
	s12 =	sor.u32 s20, s14;
	v11 =	vld [tilespmem:s13+$0x0];
	s13 =	sor.u32 s20, s16;
	v8 =	vadd.f32 v8, v13;
	v7 =	vadd.f32 v7, v15  }
0x14a: {  	s19 =	sor.u32 s11, s14;
	s9 =	sor.u32 s10, s14;
	s7 =	sor.u32 s10, s16;
	v12 =	vld [tilespmem:s3+$0x0];
	v6 =	vadd.f32 v10, v6  }
0x14b: {  	s6 =	sor.u32 s11, s16;
	s10 =	sor.u32 s10, s25;
	v13 =	vmul.f32 v17, v2;
	v10 =	vld [tilespmem:s15+$0x0];
	v15 =	vmul.f32 v18, v3;
	[tilespmem:s31+$0x0] =	vst v8;
	s31 =	sor.u32 s20, s25;
	v7 =	vadd.f32 v9, v7  }
0x14c: {  	s11 =	sor.u32 s11, s25;
	v17 =	vld [tilespmem:s21+$0x0];
	[tilespmem:s0+$0x0] =	vst v6;
	s0 =	smov.u32 s10  }
.Ltmp8:
0x14d: {  	v14 =	vmul.f32 v14, v4;
	v6 =	vld [tilespmem:s22+$0x0];
	v8 =	vadd.f32 v15, v13;
	v15 =	vmul.f32 v16, v5;
	[tilespmem:s28+$0x0] =	vst v7;
	s28 =	smov.u32 s11;
	(pc) =	sbr.rel @p0 .LBB2_10-.Ltmp8, $4  }
0x14e: {  	v13 =	vmul.f32 v11, v2;
	v9 =	vld [tilespmem:s2+$0x0]  }
0x14f: {  	v7 =	vld [tilespmem:s4+$0x0];
	v11 =	vadd.f32 v8, v12;
	v15 =	vadd.f32 v15, v14  }
0x150: {  	v14 =	vmul.f32 v10, v3;
	v10 =	vld [tilespmem:s12+$0x0]  }
0x151: {  	v8 =	vld [tilespmem:s13+$0x0];
	v12 =	vmul.f32 v17, v2;
	v11 =	vadd.f32 v15, v11  }
0x152: {  	v15 =	vld [tilespmem:s9+$0x0]  }
0x153: {  	v16 =	vld [tilespmem:s7+$0x0]  }
0x154: {  	v17 =	vld [tilespmem:s19+$0x0]  }
0x155: {  	v18 =	vld [tilespmem:s6+$0x0]  }
0x156: {  	v19 =	vld [tilespmem:s31+$0x0]  }
0x157: {  	v6 =	vmul.f32 v6, v3;
	v56 =	vld [tilespmem:s0+$0x0]  }
0x158: {  	v58 =	vld [tilespmem:s28+$0x0];
	v2 =	vmul.f32 v9, v2;
	v3 =	vmul.f32 v7, v3  }
0x159: {  	v13 =	vadd.f32 v14, v13;
	v6 =	vadd.f32 v6, v12;
	v57 =	vmul.f32 v10, v4  }
0x15a: {  	v8 =	vmul.f32 v8, v5;
	v2 =	vadd.f32 v3, v2;
	v3 =	vmul.f32 v15, v4  }
0x15b: {  	v59 =	vmul.f32 v16, v5;
	v60 =	vmul.f32 v17, v4;
	v62 =	vadd.f32 v13, v19  }
0x15c: {  	s1 =	sadd.s32 $0x3, s29;
	v61 =	vmul.f32 v18, v5;
	v6 =	vadd.f32 v6, v56;
	v8 =	vadd.f32 v8, v57  }
0x15d: {  	p0 =	sge.s32 s1, s24;
	v2 =	vadd.f32 v2, v58;
	v3 =	vadd.f32 v59, v3  }
.Ltmp9:
0x15e: {  	v4 =	vadd.f32 v61, v60;
	v63 =	vadd.f32 v8, v62;
	(pc) =	sbr.rel @p0 .LBB2_13-.Ltmp9, $4  }
0x15f: {  	[tilespmem:s3+$0x0] =	vst v11;
	v3 =	vadd.f32 v3, v6  }
0x160: {  	v2 =	vadd.f32 v4, v2;
	[tilespmem:s31+$0x0] =	vst v63  }
0x161: {  	[tilespmem:s0+$0x0] =	vst v3  }
0x162: {  	[tilespmem:s28+$0x0] =	vst v2  }
0x163: {  	s2 =	sshll.u32 s1, $0x2  }
0x164: {  	s3 =	sshra.s32 s2, $0x1F  }
0x165: {  	s0 =	sshrl.u32 s3, $0x1C  }
0x166: {  	s4 =	sadd.s32 s0, s2  }
0x167: {  	s4 =	sshrl.u32 s4, $0x4  }
0x168: {  	s4 =	sadd.s32 s3, s4  }
0x169: {  	s4 =	sshll.u32 s4, $0x4  }
0x16a: {  	v2 =	vld [tilespmem:s4+$0x12000];
	_ =	sdelay $0x2  }
0x16b: {  	s4 =	ssub.s32 s2, s4  }
0x16c: {  	v3 =	vmov s4  }
0x16d: {  	vm8 =	veq.s32 v3, v1;
	v2 =	vxor.u32 $0x80000000, v2  }
0x16e: {  	v2 =	vnsel vm8, $0x7FFFFFFF, v2  }
0x16f: {  	(xrf0) =	vmax.scan.msk.u32 $0xffff, v2;
	_ =	sdelay $0x5  }
0x170: {  	v2, _, _ =	vpop (xrf0)  }
0x171: {  	(v2sf) =	vpush v2, $0xF;
	_ =	sdelay $0xe  }
0x172: {  	s14 =	spop (v2sf)  }
0x173: {  	s4 =	sshll.u32 s14, $0x12  }
0x174: {  	s4 =	sor.u32 s5, s4  }
0x175: {  	s7 =	rddreg [dreg:$0x0];
	s8 =	simm.s32 $0x0;
	s4 =	sshrl.u32 s4, $0x3  }
0x176: {  	s6 =	simm.s32 $0x8000;
	s15 =	sxor.u32 $0xFFFFFFFF, s2;
	s4 =	sadd.s32 s7, s4  }
0x177: {  	[tilespmem:s6], [sflag:$0x2] =	stream.linear.gather [hbm4b:s4+s8], $0x2000, $0x38;
	[tilespmem:$0x12100] =	vst v63  }
0x178: {  	s4 =	sshrl.u32 s15, $0x1F  }
0x179: {  	s16 =	sor.u32 $0x1, s2;
	s3 =	sadd.s32 s4, s3  }
0x17a: {  	s19 =	sadd.s32 s0, s16;
	p0 =	sne.s32 s3, $0x1;
	s3 =	simm.s32 $0x1  }
0x17b: {  	s4 =	sshrl.u32 s19, $0x4;
	s3 =	simm.s32 @!p0 $0x0  }
0x17c: {  	s4 =	ssub.s32 s4, s3  }
0x17d: {  	s4 =	sshll.u32 s4, $0x4  }
0x17e: {  	v2 =	vld [tilespmem:s4+$0x12000];
	_ =	sdelay $0x2  }
0x17f: {  	s4 =	ssub.s32 s16, s4  }
0x180: {  	v3 =	vmov s4  }
0x181: {  	vm8 =	veq.s32 v3, v1;
	v2 =	vxor.u32 $0x80000000, v2  }
0x182: {  	v2 =	vnsel vm8, $0x7FFFFFFF, v2  }
0x183: {  	(xrf0) =	vmax.scan.msk.u32 $0xffff, v2;
	_ =	sdelay $0x5  }
0x184: {  	v2, _, _ =	vpop (xrf0)  }
0x185: {  	(v2sf) =	vpush v2, $0xF;
	_ =	sdelay $0xe  }
0x186: {  	s20 =	spop (v2sf)  }
0x187: {  	s4 =	sshll.u32 s20, $0x12  }
0x188: {  	s4 =	sor.u32 s5, s4  }
0x189: {  	s2 =	sor.u32 $0x2, s2;
	s4 =	sshrl.u32 s4, $0x3  }
0x18a: {  	s21 =	simm.s32 $0xA000;
	s22 =	sadd.s32 s0, s2;
	s4 =	sadd.s32 s7, s4  }
0x18b: {  	[tilespmem:s21], [sflag:$0x2] =	stream.linear.gather [hbm4b:s4+s8], $0x2000, $0x38;
	[tilespmem:$0x12100] =	vst v63  }
0x18c: {  	s4 =	sshrl.u32 s22, $0x4  }
0x18d: {  	s4 =	ssub.s32 s4, s3  }
0x18e: {  	s4 =	sshll.u32 s4, $0x4  }
0x18f: {  	v2 =	vld [tilespmem:s4+$0x12000];
	_ =	sdelay $0x2  }
0x190: {  	s2 =	ssub.s32 s2, s4  }
0x191: {  	v3 =	vmov s2  }
0x192: {  	vm8 =	veq.s32 v3, v1;
	v2 =	vxor.u32 $0x80000000, v2  }
0x193: {  	v2 =	vnsel vm8, $0x7FFFFFFF, v2  }
0x194: {  	(xrf0) =	vmax.scan.msk.u32 $0xffff, v2;
	_ =	sdelay $0x5  }
0x195: {  	v2, _, _ =	vpop (xrf0)  }
0x196: {  	(v2sf) =	vpush v2, $0xF;
	_ =	sdelay $0xe  }
0x197: {  	s29 =	sshllo.u32 s1, $0x2;
	s25 =	spop (v2sf)  }
0x198: {  	s0 =	sadd.s32 s0, s29;
	s2 =	sshll.u32 s25, $0x12  }
0x199: {  	s0 =	sshrl.u32 s0, $0x4;
	s2 =	sor.u32 s5, s2  }
0x19a: {  	s0 =	ssub.s32 s0, s3;
	s2 =	sshrl.u32 s2, $0x3  }
0x19b: {  	s28 =	simm.s32 $0xC000;
	s0 =	sshll.u32 s0, $0x4;
	s2 =	sadd.s32 s7, s2  }
0x19c: {  	[tilespmem:s28], [sflag:$0x2] =	stream.linear.gather [hbm4b:s2+s8], $0x2000, $0x38;
	[tilespmem:$0x12100] =	vst v63  }
0x19d: {  	v2 =	vld [tilespmem:s0+$0x12000];
	_ =	sdelay $0x2  }
0x19e: {  	s0 =	ssub.s32 s29, s0  }
0x19f: {  	v3 =	vmov s0  }
0x1a0: {  	vm8 =	veq.s32 v3, v1;
	v2 =	vxor.u32 $0x80000000, v2  }
0x1a1: {  	v2 =	vnsel vm8, $0x7FFFFFFF, v2  }
0x1a2: {  	(xrf0) =	vmax.scan.msk.u32 $0xffff, v2;
	_ =	sdelay $0x5  }
0x1a3: {  	v2, _, _ =	vpop (xrf0)  }
0x1a4: {  	(v2sf) =	vpush v2, $0xF;
	_ =	sdelay $0xe  }
0x1a5: {  	s30 =	spop (v2sf)  }
.Ltmp10:
0x1a6: {  	s0 =	sshll.u32 s30, $0x12;
	(pc) =	sbr.rel .LBB2_13-.Ltmp10, $4  }
0x1a7: {  	s0 =	sor.u32 s5, s0  }
0x1a8: {  	s0 =	sshrl.u32 s0, $0x3  }
0x1a9: {  	s31 =	simm.s32 $0xE000;
	s0 =	sadd.s32 s7, s0  }
0x1aa: {  	[tilespmem:s31], [sflag:$0x2] =	stream.linear.gather [hbm4b:s0+s8], $0x2000, $0x38;
	[tilespmem:$0x12100] =	vst v63  }
.LBB2_15:
0x1ab: {  	_ =	sfence.sel $0x180000  }
0x1ac: {  	[bflag:$0x0] =	sbarrier.arrive $0xFFFF  }
0x1ad: {  	_ =	strace $0x90000047  }
0x1ae: {  	s0 =	stileid.u32;
	[bflag:$0x2] =	sbarrier.arrive $0xFFFF  }
0x1af: {  	p0 =	sne.s32 s0, $0x0;
	s0 =	rddreg [dreg:$0x3]  }
0x1b0: {  	s0 =	sadd.s32 @!p0 $0x100000, s0  }
0x1b1: {  	[sflag:s0] =	ssyncadd.tile.s32 @!p0 $0x1;
	_ =	shalt  }
.Lfunc_end2:
_tile_overlayer_lowered:
.L_overlay_start_2:
0x1b2: {  	(tag) =	ssettag $0x2  }
0x1b3: {  	s0 =	rddreg [dreg:$0x0];
	s2 =	stileid.u32  }
0x1b4: {  	s1 =	rddreg [dreg:$0x1];
	p0 =	sne.s32 s2, $0x0  }
0x1b5: {  	s3 =	rddreg [dreg:$0x2];
	[bflag:$0x3] =	sbarrier.arrive $0xFFFF;
	s2 =	simm.s32 @!p0 $0x1C04  }
0x1b6: {  	[timem:s3], [sflag:s2] =	dma.local @!p0 [hbm:s0], s1  }
0x1b7: {  	s0 =	simm.s32 @!p0 $0x4  }
0x1b8: {  	_ =	swait.ge @!p0 [sflag:s0], s1  }
0x1b9: {  	s1 =	ssub.s32 @!p0 $0x0, s1;
	[sflag:s0] =	ssyncset.done @!p0 $0x0  }
0x1ba: {  	[sflag:s0] =	ssyncadd.s32 @!p0 s1  }
0x1bb: {  	[bflag:$0x3] =	sbarrier.arrive $0xFFFF  }
0x1bc: {  	_ =	shalt  }

</sc_bundles>
